<compile_context>
chip_gen: v7x
topology: tpu7x:2x2x1
jax: 0.10.2.dev20260603
libtpu: 0.0.44.dev20260713+nightly
codegen_flags: <defaults>
</compile_context>

<pallas_src>
import functools

import jax
import jax.numpy as jnp
from jax import lax
from jax.experimental import pallas as pl
from jax.experimental.pallas import tpu as pltpu
from jax.experimental.pallas import tpu_sc as plsc

N = 10000
M = 10000
E = 320000
D = 128

NC = 2
NS = 16
NW = NC * NS

CHUNK = 128
NCHUNK = E // CHUNK
NCHUNKP = 2560
PER_W = NCHUNKP // NW
KB = 4
NBLK = PER_W // KB
NBUF = 3

PAD = 8
MP = M + PAD
CNT_P = 10112

ZROWS = (M + NS - 1) // NS
CP_A = 632
CP_B = M - CP_A * (NS - 1)


@functools.lru_cache(maxsize=None)
def _sc_pass():
    mesh = plsc.VectorSubcoreMesh(core_axis_name="c", subcore_axis_name="s",
                                  num_cores=NC, num_subcores=NS)
    outs = (jax.ShapeDtypeStruct((NC, M, D), jnp.float32),
            jax.ShapeDtypeStruct((NC, 1, CNT_P), jnp.float32))
    scratch = (
        pltpu.VMEM((KB, CHUNK), jnp.int32),
        pltpu.VMEM((KB, CHUNK), jnp.int32),
        pltpu.VMEM((NBUF, CHUNK, D), jnp.float32),
        pltpu.VMEM((CHUNK,), jnp.float32),
        pltpu.VMEM_SHARED((MP, D), jnp.float32),
        pltpu.VMEM_SHARED((CNT_P,), jnp.float32),
        [pltpu.SemaphoreType.DMA] * NBUF,
        [pltpu.SemaphoreType.DMA] * NBUF,
    )

    def body(src, gidx_h, sidx_h, part_o, cs_o,
             gidx_v, sidx_v, rows_v, ones_v, acc_sh, cs_sh, sems_g, sems_s):
        cid = lax.axis_index("c")
        sid = lax.axis_index("s")
        w = cid * NS + sid

        def zf(r, c2):
            for c in range(D // 16):
                rows_v[0, r, pl.ds(c * 16, 16)] = jnp.zeros((16,), jnp.float32)
            return c2

        lax.fori_loop(0, CHUNK, zf, 0)
        for c in range(CHUNK // 16):
            ones_v[pl.ds(c * 16, 16)] = jnp.ones((16,), jnp.float32)

        r0 = sid * ZROWS
        for i in range(4):
            pltpu.sync_copy(rows_v.at[0],
                            acc_sh.at[pl.ds(r0 + i * CHUNK, CHUNK)])
        pltpu.sync_copy(rows_v.at[0, pl.ds(0, ZROWS - 4 * CHUNK)],
                        acc_sh.at[pl.ds(r0 + 4 * CHUNK, ZROWS - 4 * CHUNK)])
        @pl.when(sid < NS - 1)
        def _():
            for i in range(5):
                pltpu.sync_copy(rows_v.at[0, 0],
                                cs_sh.at[pl.ds(sid * 640 + i * CHUNK, CHUNK)])

        @pl.when(sid == NS - 1)
        def _():
            for i in range(4):
                pltpu.sync_copy(rows_v.at[0, 0],
                                cs_sh.at[pl.ds(9600 + i * CHUNK, CHUNK)])
        plsc.subcore_barrier()

        base = w * PER_W

        def blk(i, carry):
            row = base + i * KB
            pltpu.sync_copy(gidx_h.at[pl.ds(row, KB)], gidx_v)
            pltpu.sync_copy(sidx_h.at[pl.ds(row, KB)], sidx_v)

            cps_g = [None] * KB
            cps_s = [None] * KB
            for j in range(2):
                cps_g[j] = pltpu.async_copy(src.at[gidx_v.at[j]],
                                            rows_v.at[j], sems_g[j])
            for j in range(KB):
                b = j % NBUF
                cps_g[j].wait()
                cps_s[j] = pltpu.async_copy(rows_v.at[b],
                                            acc_sh.at[sidx_v.at[j]],
                                            sems_s[b], add=True)
                pltpu.sync_copy(ones_v, cs_sh.at[sidx_v.at[j]], add=True)
                if j >= 1:
                    cps_s[j - 1].wait()
                if j + 2 < KB:
                    b2 = (j + 2) % NBUF
                    cps_g[j + 2] = pltpu.async_copy(src.at[gidx_v.at[j + 2]],
                                                    rows_v.at[b2],
                                                    sems_g[b2])
            cps_s[KB - 1].wait()
            return carry

        lax.fori_loop(0, NBLK, blk, 0)

        plsc.subcore_barrier()

        @pl.when(sid < NS - 1)
        def _():
            c0 = sid * CP_A
            pltpu.sync_copy(acc_sh.at[pl.ds(c0, CP_A)],
                            part_o.at[cid, pl.ds(c0, CP_A)])

        @pl.when(sid == NS - 1)
        def _():
            pltpu.sync_copy(acc_sh.at[pl.ds((NS - 1) * CP_A, CP_B)],
                            part_o.at[cid, pl.ds((NS - 1) * CP_A, CP_B)])

        @pl.when(sid == 0)
        def _():
            pltpu.sync_copy(cs_sh, cs_o.at[cid, 0])

    return pl.kernel(body, out_type=outs, mesh=mesh, scratch_types=scratch)


BM = 1000
GB = M // BM


def _glue_body(sp_ref, bt_ref, out_ref):
    s = sp_ref[0] + sp_ref[1]
    b = bt_ref[0, :, 0:1] + bt_ref[0, :, 1:2]
    binv = jnp.where(b > 0, 1.0 / b, 0.0)
    out_ref[...] = s * binv


_glue = pl.pallas_call(
    _glue_body,
    grid=(GB,),
    in_specs=[
        pl.BlockSpec((NC, BM, D), lambda i: (0, i, 0)),
        pl.BlockSpec((1, BM, NC), lambda i: (i, 0, 0)),
    ],
    out_specs=pl.BlockSpec((BM, D), lambda i: (i, 0)),
    out_shape=jax.ShapeDtypeStruct((M, D), jnp.float32),
)


def _final_body(tp_ref, dt_ref, whg_ref, bhg_ref, wlin_ref, blin_ref, out_ref):
    t = tp_ref[0] + tp_ref[1]
    d = dt_ref[0, :, 0:1] + dt_ref[0, :, 1:2]
    dinv = jnp.where(d > 0, 1.0 / d, 0.0)
    h = t * dinv
    wc = lax.dot_general(wlin_ref[...], whg_ref[...], (((1,), (0,)), ((), ())),
                         preferred_element_type=jnp.float32)
    z = lax.dot_general(h, wc, (((1,), (1,)), ((), ())),
                        preferred_element_type=jnp.float32)
    bc = lax.dot_general(bhg_ref[...], wlin_ref[...], (((1,), (1,)), ((), ())),
                         preferred_element_type=jnp.float32)
    z = z + bc + blin_ref[...]
    z = z - jnp.max(z, axis=1, keepdims=True)
    e = jnp.exp(z)
    out_ref[...] = e / jnp.sum(e, axis=1, keepdims=True)


_final = pl.pallas_call(
    _final_body,
    grid=(GB,),
    in_specs=[
        pl.BlockSpec((NC, BM, D), lambda i: (0, i, 0)),
        pl.BlockSpec((1, BM, NC), lambda i: (i, 0, 0)),
        pl.BlockSpec((D, D), lambda i: (0, 0)),
        pl.BlockSpec((1, D), lambda i: (0, 0)),
        pl.BlockSpec((D, D), lambda i: (0, 0)),
        pl.BlockSpec((1, D), lambda i: (0, 0)),
    ],
    out_specs=pl.BlockSpec((BM, D), lambda i: (i, 0)),
    out_shape=jax.ShapeDtypeStruct((N, D), jnp.float32),
)


def kernel(X, edge_index, W_hg, b_hg, W_lin, b_lin):
    pad_rows = ((0, NCHUNKP - NCHUNK), (0, 0))
    nidx2 = jnp.pad(edge_index[0].reshape(NCHUNK, CHUNK), pad_rows,
                    constant_values=N)
    hidx2 = jnp.pad(edge_index[1].reshape(NCHUNK, CHUNK), pad_rows,
                    constant_values=M)
    Xp = jnp.pad(X, ((0, PAD), (0, 0)))

    S_part, B_part = _sc_pass()(Xp, nidx2, hidx2)
    bt = B_part[:, 0, :M].T.reshape(GB, BM, NC)

    S2 = jnp.pad(_glue(S_part, bt), ((0, PAD), (0, 0)))

    T_part, D_part = _sc_pass()(S2, hidx2, nidx2)
    dt = D_part[:, 0, :N].T.reshape(GB, BM, NC)

    return _final(T_part, dt, W_hg, b_hg.reshape(1, D),
                  W_lin, b_lin.reshape(1, D))

# --- scband reference (transcript-rebuilt; emitter-appended) ---
"""Pipeline reference for scband-model-16200616641211 (READ-ONLY COPY).

The authoritative reference and input builder live on the scoring server;
editing this copy changes nothing except your own understanding.
"""

import jax, jax.numpy as jnp
import numpy as np

N = 10000
E = 320000
M = 10000
D_IN = 128
D_OUT = 128


def setup_inputs(seed: int = 0):
    key = jax.random.key(seed)
    ks = jax.random.split(key, 6)
    X = jax.random.normal(ks[0], (N, D_IN), dtype=jnp.float32)
    edge_index = jax.random.randint(ks[1], (2, E), 0, M, dtype=jnp.int32)
    s = 1.0 / np.sqrt(D_IN)
    W_hg = jax.random.uniform(ks[2], (D_IN, D_IN), jnp.float32, -s, s)
    b_hg = jax.random.uniform(ks[3], (D_IN,), jnp.float32, -s, s)
    W_lin = jax.random.uniform(ks[4], (D_OUT, D_IN), jnp.float32, -s, s)
    b_lin = jax.random.uniform(ks[5], (D_OUT,), jnp.float32, -s, s)
    return {"X": X, "edge_index": edge_index, "W_hg": W_hg, "b_hg": b_hg, "W_lin": W_lin, "b_lin": b_lin}


def _hypergraph_conv(x, node_idx, he_idx, W, b):
    # PyG HypergraphConv: X' = D^{-1} H W B^{-1} H^T X Theta (+ bias), W = identity weights
    x = x @ W.T
    D = jax.ops.segment_sum(jnp.ones(E, jnp.float32), node_idx, num_segments=N)
    Dinv = jnp.where(D > 0, 1.0 / D, 0.0)
    B = jax.ops.segment_sum(jnp.ones(E, jnp.float32), he_idx, num_segments=M)
    Binv = jnp.where(B > 0, 1.0 / B, 0.0)
    # node -> hyperedge aggregation with B^{-1} normalization
    he_feat = jax.ops.segment_sum(Binv[he_idx][:, None] * x[node_idx], he_idx, num_segments=M)
    # hyperedge -> node aggregation with D^{-1} normalization
    out = Dinv[:, None] * jax.ops.segment_sum(he_feat[he_idx], node_idx, num_segments=N)
    return out + b


def reference(X, edge_index, W_hg, b_hg, W_lin, b_lin):
    node_idx = edge_index[0]
    he_idx = edge_index[1]
    y = X  # nn.Dropout(0.5) in eval mode = identity
    y = _hypergraph_conv(y, node_idx, he_idx, W_hg, b_hg)
    y = y @ W_lin.T + b_lin
    y = jax.nn.softmax(y, axis=1)
    return y

if __name__ == "__main__":
    import jax
    _d = setup_inputs()
    print(jax.jit(kernel)(*tuple(_d.values())))

</pallas_src>

<mosaic_0001>
#map = affine_map<(d0, d1) -> (0, 0)>
#map1 = affine_map<(d0, d1) -> (0, 0, 0)>
module attributes {stable_mosaic.version = 14 : i64} {
  func.func @body(%arg0: i32, %arg1: i32, %arg2: memref<10008x128xf32, #tpu.memory_space<hbm>>, %arg3: memref<2560x128xi32, #tpu.memory_space<hbm>>, %arg4: memref<2560x128xi32, #tpu.memory_space<hbm>>, %arg5: memref<2x10000x128xf32, #tpu.memory_space<hbm>>, %arg6: memref<2x1x10112xf32, #tpu.memory_space<hbm>>, %arg7: memref<4x128xi32, #tpu.memory_space<vmem>>, %arg8: memref<4x128xi32, #tpu.memory_space<vmem>>, %arg9: memref<3x128x128xf32, #tpu.memory_space<vmem>>, %arg10: memref<128xf32, #tpu.memory_space<vmem>>, %arg11: memref<10008x128xf32, #tpu.memory_space<vmem_shared>>, %arg12: memref<10112xf32, #tpu.memory_space<vmem_shared>>, %arg13: memref<!tpu.dma_semaphore, #tpu.memory_space<semaphore_mem>>, %arg14: memref<!tpu.dma_semaphore, #tpu.memory_space<semaphore_mem>>, %arg15: memref<!tpu.dma_semaphore, #tpu.memory_space<semaphore_mem>>, %arg16: memref<!tpu.dma_semaphore, #tpu.memory_space<semaphore_mem>>, %arg17: memref<!tpu.dma_semaphore, #tpu.memory_space<semaphore_mem>>, %arg18: memref<!tpu.dma_semaphore, #tpu.memory_space<semaphore_mem>>) attributes {dimension_semantics = [#tpu.dimension_semantics<core_parallel>, #tpu.dimension_semantics<subcore_parallel>], iteration_bounds = array<i64: 2, 16>, scalar_prefetch = 0 : i64, scratch_operands = 12 : i64, tpu.core_type = #tpu.core_type<sc_vector_subcore>, window_params = [{transform_indices = #map}, {transform_indices = #map}, {transform_indices = #map}, {transform_indices = #map1}, {transform_indices = #map1}]} {
    %mul3A = arith.constant 16 : i32
    %mul3A_0 = arith.muli %arg0, %mul3A : i32
    %add3A = arith.addi %mul3A_0, %arg1 : i32
    %scan3A = arith.constant 0 : i32
    %scan3A_1 = arith.constant 0 : i32
    %scan3A_2 = arith.constant 128 : i32
    %scan3A_3 = arith.addi %scan3A_1, %scan3A_2 : i32
    %scan3A_4 = arith.constant 1 : i32
    scf.for %scan3A_98 = %scan3A_1 to %scan3A_3 step %scan3A_4  : i32 {
      %broadcast_in_dim3A_99 = arith.constant 0.000000e+00 : f32
      %broadcast_in_dim3A_100 = vector.broadcast %broadcast_in_dim3A_99 : f32 to vector<16xf32>
      %swap3A_101 = arith.constant 0 : i32
      %swap3A_102 = arith.index_cast %swap3A_101 : i32 to index
      %swap3A_103 = arith.index_cast %scan3A_98 : i32 to index
      %swap3A_104 = arith.constant 0 : index
      %swap3A_105 = tpu.vector_load %arg9[%swap3A_102, %swap3A_103, %swap3A_104] {strides = array<i32>} : memref<3x128x128xf32, #tpu.memory_space<vmem>>, vector<1x1x16xf32>,
      %swap3A_106 = vector.shape_cast %swap3A_105 : vector<1x1x16xf32> to vector<16xf32>
      %swap3A_107 = vector.shape_cast %broadcast_in_dim3A_100 : vector<16xf32> to vector<1x1x16xf32>
      tpu.vector_store %arg9[%swap3A_102, %swap3A_103, %swap3A_104], %swap3A_107 {strides = array<i32>} : memref<3x128x128xf32, #tpu.memory_space<vmem>>, vector<1x1x16xf32>,
      %broadcast_in_dim3A_108 = arith.constant 0.000000e+00 : f32
      %broadcast_in_dim3A_109 = vector.broadcast %broadcast_in_dim3A_108 : f32 to vector<16xf32>
      %swap3A_110 = arith.constant 0 : i32
      %swap3A_111 = arith.index_cast %swap3A_110 : i32 to index
      %swap3A_112 = arith.index_cast %scan3A_98 : i32 to index
      %swap3A_113 = arith.constant 16 : index
      %swap3A_114 = tpu.vector_load %arg9[%swap3A_111, %swap3A_112, %swap3A_113] {strides = array<i32>} : memref<3x128x128xf32, #tpu.memory_space<vmem>>, vector<1x1x16xf32>,
      %swap3A_115 = vector.shape_cast %swap3A_114 : vector<1x1x16xf32> to vector<16xf32>
      %swap3A_116 = vector.shape_cast %broadcast_in_dim3A_109 : vector<16xf32> to vector<1x1x16xf32>
      tpu.vector_store %arg9[%swap3A_111, %swap3A_112, %swap3A_113], %swap3A_116 {strides = array<i32>} : memref<3x128x128xf32, #tpu.memory_space<vmem>>, vector<1x1x16xf32>,
      %broadcast_in_dim3A_117 = arith.constant 0.000000e+00 : f32
      %broadcast_in_dim3A_118 = vector.broadcast %broadcast_in_dim3A_117 : f32 to vector<16xf32>
      %swap3A_119 = arith.constant 0 : i32
      %swap3A_120 = arith.index_cast %swap3A_119 : i32 to index
      %swap3A_121 = arith.index_cast %scan3A_98 : i32 to index
      %swap3A_122 = arith.constant 32 : index
      %swap3A_123 = tpu.vector_load %arg9[%swap3A_120, %swap3A_121, %swap3A_122] {strides = array<i32>} : memref<3x128x128xf32, #tpu.memory_space<vmem>>, vector<1x1x16xf32>,
      %swap3A_124 = vector.shape_cast %swap3A_123 : vector<1x1x16xf32> to vector<16xf32>
      %swap3A_125 = vector.shape_cast %broadcast_in_dim3A_118 : vector<16xf32> to vector<1x1x16xf32>
      tpu.vector_store %arg9[%swap3A_120, %swap3A_121, %swap3A_122], %swap3A_125 {strides = array<i32>} : memref<3x128x128xf32, #tpu.memory_space<vmem>>, vector<1x1x16xf32>,
      %broadcast_in_dim3A_126 = arith.constant 0.000000e+00 : f32
      %broadcast_in_dim3A_127 = vector.broadcast %broadcast_in_dim3A_126 : f32 to vector<16xf32>
      %swap3A_128 = arith.constant 0 : i32
      %swap3A_129 = arith.index_cast %swap3A_128 : i32 to index
      %swap3A_130 = arith.index_cast %scan3A_98 : i32 to index
      %swap3A_131 = arith.constant 48 : index
      %swap3A_132 = tpu.vector_load %arg9[%swap3A_129, %swap3A_130, %swap3A_131] {strides = array<i32>} : memref<3x128x128xf32, #tpu.memory_space<vmem>>, vector<1x1x16xf32>,
      %swap3A_133 = vector.shape_cast %swap3A_132 : vector<1x1x16xf32> to vector<16xf32>
      %swap3A_134 = vector.shape_cast %broadcast_in_dim3A_127 : vector<16xf32> to vector<1x1x16xf32>
      tpu.vector_store %arg9[%swap3A_129, %swap3A_130, %swap3A_131], %swap3A_134 {strides = array<i32>} : memref<3x128x128xf32, #tpu.memory_space<vmem>>, vector<1x1x16xf32>,
      %broadcast_in_dim3A_135 = arith.constant 0.000000e+00 : f32
      %broadcast_in_dim3A_136 = vector.broadcast %broadcast_in_dim3A_135 : f32 to vector<16xf32>
      %swap3A_137 = arith.constant 0 : i32
      %swap3A_138 = arith.index_cast %swap3A_137 : i32 to index
      %swap3A_139 = arith.index_cast %scan3A_98 : i32 to index
      %swap3A_140 = arith.constant 64 : index
      %swap3A_141 = tpu.vector_load %arg9[%swap3A_138, %swap3A_139, %swap3A_140] {strides = array<i32>} : memref<3x128x128xf32, #tpu.memory_space<vmem>>, vector<1x1x16xf32>,
      %swap3A_142 = vector.shape_cast %swap3A_141 : vector<1x1x16xf32> to vector<16xf32>
      %swap3A_143 = vector.shape_cast %broadcast_in_dim3A_136 : vector<16xf32> to vector<1x1x16xf32>
      tpu.vector_store %arg9[%swap3A_138, %swap3A_139, %swap3A_140], %swap3A_143 {strides = array<i32>} : memref<3x128x128xf32, #tpu.memory_space<vmem>>, vector<1x1x16xf32>,
      %broadcast_in_dim3A_144 = arith.constant 0.000000e+00 : f32
      %broadcast_in_dim3A_145 = vector.broadcast %broadcast_in_dim3A_144 : f32 to vector<16xf32>
      %swap3A_146 = arith.constant 0 : i32
      %swap3A_147 = arith.index_cast %swap3A_146 : i32 to index
      %swap3A_148 = arith.index_cast %scan3A_98 : i32 to index
      %swap3A_149 = arith.constant 80 : index
      %swap3A_150 = tpu.vector_load %arg9[%swap3A_147, %swap3A_148, %swap3A_149] {strides = array<i32>} : memref<3x128x128xf32, #tpu.memory_space<vmem>>, vector<1x1x16xf32>,
      %swap3A_151 = vector.shape_cast %swap3A_150 : vector<1x1x16xf32> to vector<16xf32>
      %swap3A_152 = vector.shape_cast %broadcast_in_dim3A_145 : vector<16xf32> to vector<1x1x16xf32>
      tpu.vector_store %arg9[%swap3A_147, %swap3A_148, %swap3A_149], %swap3A_152 {strides = array<i32>} : memref<3x128x128xf32, #tpu.memory_space<vmem>>, vector<1x1x16xf32>,
      %broadcast_in_dim3A_153 = arith.constant 0.000000e+00 : f32
      %broadcast_in_dim3A_154 = vector.broadcast %broadcast_in_dim3A_153 : f32 to vector<16xf32>
      %swap3A_155 = arith.constant 0 : i32
      %swap3A_156 = arith.index_cast %swap3A_155 : i32 to index
      %swap3A_157 = arith.index_cast %scan3A_98 : i32 to index
      %swap3A_158 = arith.constant 96 : index
      %swap3A_159 = tpu.vector_load %arg9[%swap3A_156, %swap3A_157, %swap3A_158] {strides = array<i32>} : memref<3x128x128xf32, #tpu.memory_space<vmem>>, vector<1x1x16xf32>,
      %swap3A_160 = vector.shape_cast %swap3A_159 : vector<1x1x16xf32> to vector<16xf32>
      %swap3A_161 = vector.shape_cast %broadcast_in_dim3A_154 : vector<16xf32> to vector<1x1x16xf32>
      tpu.vector_store %arg9[%swap3A_156, %swap3A_157, %swap3A_158], %swap3A_161 {strides = array<i32>} : memref<3x128x128xf32, #tpu.memory_space<vmem>>, vector<1x1x16xf32>,
      %broadcast_in_dim3A_162 = arith.constant 0.000000e+00 : f32
      %broadcast_in_dim3A_163 = vector.broadcast %broadcast_in_dim3A_162 : f32 to vector<16xf32>
      %swap3A_164 = arith.constant 0 : i32
      %swap3A_165 = arith.index_cast %swap3A_164 : i32 to index
      %swap3A_166 = arith.index_cast %scan3A_98 : i32 to index
      %swap3A_167 = arith.constant 112 : index
      %swap3A_168 = tpu.vector_load %arg9[%swap3A_165, %swap3A_166, %swap3A_167] {strides = array<i32>} : memref<3x128x128xf32, #tpu.memory_space<vmem>>, vector<1x1x16xf32>,
      %swap3A_169 = vector.shape_cast %swap3A_168 : vector<1x1x16xf32> to vector<16xf32>
      %swap3A_170 = vector.shape_cast %broadcast_in_dim3A_163 : vector<16xf32> to vector<1x1x16xf32>
      tpu.vector_store %arg9[%swap3A_165, %swap3A_166, %swap3A_167], %swap3A_170 {strides = array<i32>} : memref<3x128x128xf32, #tpu.memory_space<vmem>>, vector<1x1x16xf32>,
    }
    %scan3A_5 = arith.constant 128 : i32
    %broadcast_in_dim3A = arith.constant 1.000000e+00 : f32
    %broadcast_in_dim3A_6 = vector.broadcast %broadcast_in_dim3A : f32 to vector<16xf32>
    %swap3A = arith.constant 0 : index
    %swap3A_7 = tpu.vector_load %arg10[%swap3A] {strides = array<i32>} : memref<128xf32, #tpu.memory_space<vmem>>, vector<16xf32>,
    %swap3A_8 = vector.shape_cast %swap3A_7 : vector<16xf32> to vector<16xf32>
    %swap3A_9 = vector.shape_cast %broadcast_in_dim3A_6 : vector<16xf32> to vector<16xf32>
    tpu.vector_store %arg10[%swap3A], %swap3A_9 {strides = array<i32>} : memref<128xf32, #tpu.memory_space<vmem>>, vector<16xf32>,
    %broadcast_in_dim3A_10 = arith.constant 1.000000e+00 : f32
    %broadcast_in_dim3A_11 = vector.broadcast %broadcast_in_dim3A_10 : f32 to vector<16xf32>
    %swap3A_12 = arith.constant 16 : index
    %swap3A_13 = tpu.vector_load %arg10[%swap3A_12] {strides = array<i32>} : memref<128xf32, #tpu.memory_space<vmem>>, vector<16xf32>,
    %swap3A_14 = vector.shape_cast %swap3A_13 : vector<16xf32> to vector<16xf32>
    %swap3A_15 = vector.shape_cast %broadcast_in_dim3A_11 : vector<16xf32> to vector<16xf32>
    tpu.vector_store %arg10[%swap3A_12], %swap3A_15 {strides = array<i32>} : memref<128xf32, #tpu.memory_space<vmem>>, vector<16xf32>,
    %broadcast_in_dim3A_16 = arith.constant 1.000000e+00 : f32
    %broadcast_in_dim3A_17 = vector.broadcast %broadcast_in_dim3A_16 : f32 to vector<16xf32>
    %swap3A_18 = arith.constant 32 : index
    %swap3A_19 = tpu.vector_load %arg10[%swap3A_18] {strides = array<i32>} : memref<128xf32, #tpu.memory_space<vmem>>, vector<16xf32>,
    %swap3A_20 = vector.shape_cast %swap3A_19 : vector<16xf32> to vector<16xf32>
    %swap3A_21 = vector.shape_cast %broadcast_in_dim3A_17 : vector<16xf32> to vector<16xf32>
    tpu.vector_store %arg10[%swap3A_18], %swap3A_21 {strides = array<i32>} : memref<128xf32, #tpu.memory_space<vmem>>, vector<16xf32>,
    %broadcast_in_dim3A_22 = arith.constant 1.000000e+00 : f32
    %broadcast_in_dim3A_23 = vector.broadcast %broadcast_in_dim3A_22 : f32 to vector<16xf32>
    %swap3A_24 = arith.constant 48 : index
    %swap3A_25 = tpu.vector_load %arg10[%swap3A_24] {strides = array<i32>} : memref<128xf32, #tpu.memory_space<vmem>>, vector<16xf32>,
    %swap3A_26 = vector.shape_cast %swap3A_25 : vector<16xf32> to vector<16xf32>
    %swap3A_27 = vector.shape_cast %broadcast_in_dim3A_23 : vector<16xf32> to vector<16xf32>
    tpu.vector_store %arg10[%swap3A_24], %swap3A_27 {strides = array<i32>} : memref<128xf32, #tpu.memory_space<vmem>>, vector<16xf32>,
    %broadcast_in_dim3A_28 = arith.constant 1.000000e+00 : f32
    %broadcast_in_dim3A_29 = vector.broadcast %broadcast_in_dim3A_28 : f32 to vector<16xf32>
    %swap3A_30 = arith.constant 64 : index
    %swap3A_31 = tpu.vector_load %arg10[%swap3A_30] {strides = array<i32>} : memref<128xf32, #tpu.memory_space<vmem>>, vector<16xf32>,
    %swap3A_32 = vector.shape_cast %swap3A_31 : vector<16xf32> to vector<16xf32>
    %swap3A_33 = vector.shape_cast %broadcast_in_dim3A_29 : vector<16xf32> to vector<16xf32>
    tpu.vector_store %arg10[%swap3A_30], %swap3A_33 {strides = array<i32>} : memref<128xf32, #tpu.memory_space<vmem>>, vector<16xf32>,
    %broadcast_in_dim3A_34 = arith.constant 1.000000e+00 : f32
    %broadcast_in_dim3A_35 = vector.broadcast %broadcast_in_dim3A_34 : f32 to vector<16xf32>
    %swap3A_36 = arith.constant 80 : index
    %swap3A_37 = tpu.vector_load %arg10[%swap3A_36] {strides = array<i32>} : memref<128xf32, #tpu.memory_space<vmem>>, vector<16xf32>,
    %swap3A_38 = vector.shape_cast %swap3A_37 : vector<16xf32> to vector<16xf32>
    %swap3A_39 = vector.shape_cast %broadcast_in_dim3A_35 : vector<16xf32> to vector<16xf32>
    tpu.vector_store %arg10[%swap3A_36], %swap3A_39 {strides = array<i32>} : memref<128xf32, #tpu.memory_space<vmem>>, vector<16xf32>,
    %broadcast_in_dim3A_40 = arith.constant 1.000000e+00 : f32
    %broadcast_in_dim3A_41 = vector.broadcast %broadcast_in_dim3A_40 : f32 to vector<16xf32>
    %swap3A_42 = arith.constant 96 : index
    %swap3A_43 = tpu.vector_load %arg10[%swap3A_42] {strides = array<i32>} : memref<128xf32, #tpu.memory_space<vmem>>, vector<16xf32>,
    %swap3A_44 = vector.shape_cast %swap3A_43 : vector<16xf32> to vector<16xf32>
    %swap3A_45 = vector.shape_cast %broadcast_in_dim3A_41 : vector<16xf32> to vector<16xf32>
    tpu.vector_store %arg10[%swap3A_42], %swap3A_45 {strides = array<i32>} : memref<128xf32, #tpu.memory_space<vmem>>, vector<16xf32>,
    %broadcast_in_dim3A_46 = arith.constant 1.000000e+00 : f32
    %broadcast_in_dim3A_47 = vector.broadcast %broadcast_in_dim3A_46 : f32 to vector<16xf32>
    %swap3A_48 = arith.constant 112 : index
    %swap3A_49 = tpu.vector_load %arg10[%swap3A_48] {strides = array<i32>} : memref<128xf32, #tpu.memory_space<vmem>>, vector<16xf32>,
    %swap3A_50 = vector.shape_cast %swap3A_49 : vector<16xf32> to vector<16xf32>
    %swap3A_51 = vector.shape_cast %broadcast_in_dim3A_47 : vector<16xf32> to vector<16xf32>
    tpu.vector_store %arg10[%swap3A_48], %swap3A_51 {strides = array<i32>} : memref<128xf32, #tpu.memory_space<vmem>>, vector<16xf32>,
    %mul3A_52 = arith.constant 625 : i32
    %mul3A_53 = arith.muli %arg1, %mul3A_52 : i32
    %add3A_54 = arith.constant 0 : i32
    %add3A_55 = arith.addi %mul3A_53, %add3A_54 : i32
    %run_scoped3A = arith.constant 0 : i32
    "tpu.region"() ({
      %run_scoped3A_98 = tpu.sem_alloc : memref<!tpu.dma_semaphore, #tpu.memory_space<semaphore_mem>>
      %dma_start3A = arith.constant 0 : i32
      %dma_start3A_99 = arith.constant 0 : i32
      %dma_start3A_100 = tpu.memref_slice %arg9[%run_scoped3A, %dma_start3A, %dma_start3A_99] : memref<3x128x128xf32, #tpu.memory_space<vmem>> -> memref<1x128x128xf32, #tpu.memory_space<vmem>>
      %dma_start3A_101 = tpu.memref_squeeze %dma_start3A_100 : memref<1x128x128xf32, #tpu.memory_space<vmem>> -> memref<128x128xf32, #tpu.memory_space<vmem>>
      %dma_start3A_102 = arith.constant 0 : i32
      %dma_start3A_103 = tpu.memref_slice %arg11[%add3A_55, %dma_start3A_102] : memref<10008x128xf32, #tpu.memory_space<vmem_shared>> -> memref<128x128xf32, #tpu.memory_space<vmem_shared>>
      %dma_start3A_104 = arith.constant 0 : i32
      %dma_start3A_105 = tpu.memref_slice %arg11[%add3A_55, %dma_start3A_104] : memref<10008x128xf32, #tpu.memory_space<vmem_shared>> -> memref<128x128xf32, #tpu.memory_space<vmem_shared>>
      %dma_start3A_106 = arith.constant 0 : i32
      %dma_start3A_107 = arith.constant 0 : i32
      %dma_start3A_108 = tpu.memref_slice %arg9[%run_scoped3A, %dma_start3A_106, %dma_start3A_107] : memref<3x128x128xf32, #tpu.memory_space<vmem>> -> memref<1x128x128xf32, #tpu.memory_space<vmem>>
      %dma_start3A_109 = tpu.memref_squeeze %dma_start3A_108 : memref<1x128x128xf32, #tpu.memory_space<vmem>> -> memref<128x128xf32, #tpu.memory_space<vmem>>
      tpu.enqueue_dma source(%dma_start3A_109 : memref<128x128xf32, #tpu.memory_space<vmem>>) target(%dma_start3A_105 : memref<128x128xf32, #tpu.memory_space<vmem_shared>>) target_semaphore(%run_scoped3A_98 : memref<!tpu.dma_semaphore, #tpu.memory_space<semaphore_mem>>)
      %dma_wait3A = arith.constant 0 : i32
      %dma_wait3A_110 = arith.constant 0 : i32
      %dma_wait3A_111 = tpu.memref_slice %arg9[%run_scoped3A, %dma_wait3A, %dma_wait3A_110] : memref<3x128x128xf32, #tpu.memory_space<vmem>> -> memref<1x128x128xf32, #tpu.memory_space<vmem>>
      %dma_wait3A_112 = tpu.memref_squeeze %dma_wait3A_111 : memref<1x128x128xf32, #tpu.memory_space<vmem>> -> memref<128x128xf32, #tpu.memory_space<vmem>>
      %dma_wait3A_113 = arith.constant 0 : i32
      %dma_wait3A_114 = tpu.memref_slice %arg11[%add3A_55, %dma_wait3A_113] : memref<10008x128xf32, #tpu.memory_space<vmem_shared>> -> memref<128x128xf32, #tpu.memory_space<vmem_shared>>
      %dma_wait3A_115 = arith.constant 0 : i32
      %dma_wait3A_116 = tpu.memref_slice %arg11[%add3A_55, %dma_wait3A_115] : memref<10008x128xf32, #tpu.memory_space<vmem_shared>> -> memref<128x128xf32, #tpu.memory_space<vmem_shared>>
      %dma_wait3A_117 = arith.constant 0 : i32
      %dma_wait3A_118 = arith.constant 0 : i32
      %dma_wait3A_119 = tpu.memref_slice %arg9[%run_scoped3A, %dma_wait3A_117, %dma_wait3A_118] : memref<3x128x128xf32, #tpu.memory_space<vmem>> -> memref<1x128x128xf32, #tpu.memory_space<vmem>>
      %dma_wait3A_120 = tpu.memref_squeeze %dma_wait3A_119 : memref<1x128x128xf32, #tpu.memory_space<vmem>> -> memref<128x128xf32, #tpu.memory_space<vmem>>
      tpu.wait_dma2 semaphore(%run_scoped3A_98 : memref<!tpu.dma_semaphore, #tpu.memory_space<semaphore_mem>>) src(%dma_wait3A_120 : memref<128x128xf32, #tpu.memory_space<vmem>>) dst(%dma_wait3A_116 : memref<128x128xf32, #tpu.memory_space<vmem_shared>>)
      tpu.yield
    }) : () -> ()
    %add3A_56 = arith.constant 128 : i32
    %add3A_57 = arith.addi %mul3A_53, %add3A_56 : i32
    %run_scoped3A_58 = arith.constant 0 : i32
    "tpu.region"() ({
      %run_scoped3A_98 = tpu.sem_alloc : memref<!tpu.dma_semaphore, #tpu.memory_space<semaphore_mem>>
      %dma_start3A = arith.constant 0 : i32
      %dma_start3A_99 = arith.constant 0 : i32
      %dma_start3A_100 = tpu.memref_slice %arg9[%run_scoped3A_58, %dma_start3A, %dma_start3A_99] : memref<3x128x128xf32, #tpu.memory_space<vmem>> -> memref<1x128x128xf32, #tpu.memory_space<vmem>>
      %dma_start3A_101 = tpu.memref_squeeze %dma_start3A_100 : memref<1x128x128xf32, #tpu.memory_space<vmem>> -> memref<128x128xf32, #tpu.memory_space<vmem>>
      %dma_start3A_102 = arith.constant 0 : i32
      %dma_start3A_103 = tpu.memref_slice %arg11[%add3A_57, %dma_start3A_102] : memref<10008x128xf32, #tpu.memory_space<vmem_shared>> -> memref<128x128xf32, #tpu.memory_space<vmem_shared>>
      %dma_start3A_104 = arith.constant 0 : i32
      %dma_start3A_105 = tpu.memref_slice %arg11[%add3A_57, %dma_start3A_104] : memref<10008x128xf32, #tpu.memory_space<vmem_shared>> -> memref<128x128xf32, #tpu.memory_space<vmem_shared>>
      %dma_start3A_106 = arith.constant 0 : i32
      %dma_start3A_107 = arith.constant 0 : i32
      %dma_start3A_108 = tpu.memref_slice %arg9[%run_scoped3A_58, %dma_start3A_106, %dma_start3A_107] : memref<3x128x128xf32, #tpu.memory_space<vmem>> -> memref<1x128x128xf32, #tpu.memory_space<vmem>>
      %dma_start3A_109 = tpu.memref_squeeze %dma_start3A_108 : memref<1x128x128xf32, #tpu.memory_space<vmem>> -> memref<128x128xf32, #tpu.memory_space<vmem>>
      tpu.enqueue_dma source(%dma_start3A_109 : memref<128x128xf32, #tpu.memory_space<vmem>>) target(%dma_start3A_105 : memref<128x128xf32, #tpu.memory_space<vmem_shared>>) target_semaphore(%run_scoped3A_98 : memref<!tpu.dma_semaphore, #tpu.memory_space<semaphore_mem>>)
      %dma_wait3A = arith.constant 0 : i32
      %dma_wait3A_110 = arith.constant 0 : i32
      %dma_wait3A_111 = tpu.memref_slice %arg9[%run_scoped3A_58, %dma_wait3A, %dma_wait3A_110] : memref<3x128x128xf32, #tpu.memory_space<vmem>> -> memref<1x128x128xf32, #tpu.memory_space<vmem>>
      %dma_wait3A_112 = tpu.memref_squeeze %dma_wait3A_111 : memref<1x128x128xf32, #tpu.memory_space<vmem>> -> memref<128x128xf32, #tpu.memory_space<vmem>>
      %dma_wait3A_113 = arith.constant 0 : i32
      %dma_wait3A_114 = tpu.memref_slice %arg11[%add3A_57, %dma_wait3A_113] : memref<10008x128xf32, #tpu.memory_space<vmem_shared>> -> memref<128x128xf32, #tpu.memory_space<vmem_shared>>
      %dma_wait3A_115 = arith.constant 0 : i32
      %dma_wait3A_116 = tpu.memref_slice %arg11[%add3A_57, %dma_wait3A_115] : memref<10008x128xf32, #tpu.memory_space<vmem_shared>> -> memref<128x128xf32, #tpu.memory_space<vmem_shared>>
      %dma_wait3A_117 = arith.constant 0 : i32
      %dma_wait3A_118 = arith.constant 0 : i32
      %dma_wait3A_119 = tpu.memref_slice %arg9[%run_scoped3A_58, %dma_wait3A_117, %dma_wait3A_118] : memref<3x128x128xf32, #tpu.memory_space<vmem>> -> memref<1x128x128xf32, #tpu.memory_space<vmem>>
      %dma_wait3A_120 = tpu.memref_squeeze %dma_wait3A_119 : memref<1x128x128xf32, #tpu.memory_space<vmem>> -> memref<128x128xf32, #tpu.memory_space<vmem>>
      tpu.wait_dma2 semaphore(%run_scoped3A_98 : memref<!tpu.dma_semaphore, #tpu.memory_space<semaphore_mem>>) src(%dma_wait3A_120 : memref<128x128xf32, #tpu.memory_space<vmem>>) dst(%dma_wait3A_116 : memref<128x128xf32, #tpu.memory_space<vmem_shared>>)
      tpu.yield
    }) : () -> ()
    %add3A_59 = arith.constant 256 : i32
    %add3A_60 = arith.addi %mul3A_53, %add3A_59 : i32
    %run_scoped3A_61 = arith.constant 0 : i32
    "tpu.region"() ({
      %run_scoped3A_98 = tpu.sem_alloc : memref<!tpu.dma_semaphore, #tpu.memory_space<semaphore_mem>>
      %dma_start3A = arith.constant 0 : i32
      %dma_start3A_99 = arith.constant 0 : i32
      %dma_start3A_100 = tpu.memref_slice %arg9[%run_scoped3A_61, %dma_start3A, %dma_start3A_99] : memref<3x128x128xf32, #tpu.memory_space<vmem>> -> memref<1x128x128xf32, #tpu.memory_space<vmem>>
      %dma_start3A_101 = tpu.memref_squeeze %dma_start3A_100 : memref<1x128x128xf32, #tpu.memory_space<vmem>> -> memref<128x128xf32, #tpu.memory_space<vmem>>
      %dma_start3A_102 = arith.constant 0 : i32
      %dma_start3A_103 = tpu.memref_slice %arg11[%add3A_60, %dma_start3A_102] : memref<10008x128xf32, #tpu.memory_space<vmem_shared>> -> memref<128x128xf32, #tpu.memory_space<vmem_shared>>
      %dma_start3A_104 = arith.constant 0 : i32
      %dma_start3A_105 = tpu.memref_slice %arg11[%add3A_60, %dma_start3A_104] : memref<10008x128xf32, #tpu.memory_space<vmem_shared>> -> memref<128x128xf32, #tpu.memory_space<vmem_shared>>
      %dma_start3A_106 = arith.constant 0 : i32
      %dma_start3A_107 = arith.constant 0 : i32
      %dma_start3A_108 = tpu.memref_slice %arg9[%run_scoped3A_61, %dma_start3A_106, %dma_start3A_107] : memref<3x128x128xf32, #tpu.memory_space<vmem>> -> memref<1x128x128xf32, #tpu.memory_space<vmem>>
      %dma_start3A_109 = tpu.memref_squeeze %dma_start3A_108 : memref<1x128x128xf32, #tpu.memory_space<vmem>> -> memref<128x128xf32, #tpu.memory_space<vmem>>
      tpu.enqueue_dma source(%dma_start3A_109 : memref<128x128xf32, #tpu.memory_space<vmem>>) target(%dma_start3A_105 : memref<128x128xf32, #tpu.memory_space<vmem_shared>>) target_semaphore(%run_scoped3A_98 : memref<!tpu.dma_semaphore, #tpu.memory_space<semaphore_mem>>)
      %dma_wait3A = arith.constant 0 : i32
      %dma_wait3A_110 = arith.constant 0 : i32
      %dma_wait3A_111 = tpu.memref_slice %arg9[%run_scoped3A_61, %dma_wait3A, %dma_wait3A_110] : memref<3x128x128xf32, #tpu.memory_space<vmem>> -> memref<1x128x128xf32, #tpu.memory_space<vmem>>
      %dma_wait3A_112 = tpu.memref_squeeze %dma_wait3A_111 : memref<1x128x128xf32, #tpu.memory_space<vmem>> -> memref<128x128xf32, #tpu.memory_space<vmem>>
      %dma_wait3A_113 = arith.constant 0 : i32
      %dma_wait3A_114 = tpu.memref_slice %arg11[%add3A_60, %dma_wait3A_113] : memref<10008x128xf32, #tpu.memory_space<vmem_shared>> -> memref<128x128xf32, #tpu.memory_space<vmem_shared>>
      %dma_wait3A_115 = arith.constant 0 : i32
      %dma_wait3A_116 = tpu.memref_slice %arg11[%add3A_60, %dma_wait3A_115] : memref<10008x128xf32, #tpu.memory_space<vmem_shared>> -> memref<128x128xf32, #tpu.memory_space<vmem_shared>>
      %dma_wait3A_117 = arith.constant 0 : i32
      %dma_wait3A_118 = arith.constant 0 : i32
      %dma_wait3A_119 = tpu.memref_slice %arg9[%run_scoped3A_61, %dma_wait3A_117, %dma_wait3A_118] : memref<3x128x128xf32, #tpu.memory_space<vmem>> -> memref<1x128x128xf32, #tpu.memory_space<vmem>>
      %dma_wait3A_120 = tpu.memref_squeeze %dma_wait3A_119 : memref<1x128x128xf32, #tpu.memory_space<vmem>> -> memref<128x128xf32, #tpu.memory_space<vmem>>
      tpu.wait_dma2 semaphore(%run_scoped3A_98 : memref<!tpu.dma_semaphore, #tpu.memory_space<semaphore_mem>>) src(%dma_wait3A_120 : memref<128x128xf32, #tpu.memory_space<vmem>>) dst(%dma_wait3A_116 : memref<128x128xf32, #tpu.memory_space<vmem_shared>>)
      tpu.yield
    }) : () -> ()
    %add3A_62 = arith.constant 384 : i32
    %add3A_63 = arith.addi %mul3A_53, %add3A_62 : i32
    %run_scoped3A_64 = arith.constant 0 : i32
    "tpu.region"() ({
      %run_scoped3A_98 = tpu.sem_alloc : memref<!tpu.dma_semaphore, #tpu.memory_space<semaphore_mem>>
      %dma_start3A = arith.constant 0 : i32
      %dma_start3A_99 = arith.constant 0 : i32
      %dma_start3A_100 = tpu.memref_slice %arg9[%run_scoped3A_64, %dma_start3A, %dma_start3A_99] : memref<3x128x128xf32, #tpu.memory_space<vmem>> -> memref<1x128x128xf32, #tpu.memory_space<vmem>>
      %dma_start3A_101 = tpu.memref_squeeze %dma_start3A_100 : memref<1x128x128xf32, #tpu.memory_space<vmem>> -> memref<128x128xf32, #tpu.memory_space<vmem>>
      %dma_start3A_102 = arith.constant 0 : i32
      %dma_start3A_103 = tpu.memref_slice %arg11[%add3A_63, %dma_start3A_102] : memref<10008x128xf32, #tpu.memory_space<vmem_shared>> -> memref<128x128xf32, #tpu.memory_space<vmem_shared>>
      %dma_start3A_104 = arith.constant 0 : i32
      %dma_start3A_105 = tpu.memref_slice %arg11[%add3A_63, %dma_start3A_104] : memref<10008x128xf32, #tpu.memory_space<vmem_shared>> -> memref<128x128xf32, #tpu.memory_space<vmem_shared>>
      %dma_start3A_106 = arith.constant 0 : i32
      %dma_start3A_107 = arith.constant 0 : i32
      %dma_start3A_108 = tpu.memref_slice %arg9[%run_scoped3A_64, %dma_start3A_106, %dma_start3A_107] : memref<3x128x128xf32, #tpu.memory_space<vmem>> -> memref<1x128x128xf32, #tpu.memory_space<vmem>>
      %dma_start3A_109 = tpu.memref_squeeze %dma_start3A_108 : memref<1x128x128xf32, #tpu.memory_space<vmem>> -> memref<128x128xf32, #tpu.memory_space<vmem>>
      tpu.enqueue_dma source(%dma_start3A_109 : memref<128x128xf32, #tpu.memory_space<vmem>>) target(%dma_start3A_105 : memref<128x128xf32, #tpu.memory_space<vmem_shared>>) target_semaphore(%run_scoped3A_98 : memref<!tpu.dma_semaphore, #tpu.memory_space<semaphore_mem>>)
      %dma_wait3A = arith.constant 0 : i32
      %dma_wait3A_110 = arith.constant 0 : i32
      %dma_wait3A_111 = tpu.memref_slice %arg9[%run_scoped3A_64, %dma_wait3A, %dma_wait3A_110] : memref<3x128x128xf32, #tpu.memory_space<vmem>> -> memref<1x128x128xf32, #tpu.memory_space<vmem>>
      %dma_wait3A_112 = tpu.memref_squeeze %dma_wait3A_111 : memref<1x128x128xf32, #tpu.memory_space<vmem>> -> memref<128x128xf32, #tpu.memory_space<vmem>>
      %dma_wait3A_113 = arith.constant 0 : i32
      %dma_wait3A_114 = tpu.memref_slice %arg11[%add3A_63, %dma_wait3A_113] : memref<10008x128xf32, #tpu.memory_space<vmem_shared>> -> memref<128x128xf32, #tpu.memory_space<vmem_shared>>
      %dma_wait3A_115 = arith.constant 0 : i32
      %dma_wait3A_116 = tpu.memref_slice %arg11[%add3A_63, %dma_wait3A_115] : memref<10008x128xf32, #tpu.memory_space<vmem_shared>> -> memref<128x128xf32, #tpu.memory_space<vmem_shared>>
      %dma_wait3A_117 = arith.constant 0 : i32
      %dma_wait3A_118 = arith.constant 0 : i32
      %dma_wait3A_119 = tpu.memref_slice %arg9[%run_scoped3A_64, %dma_wait3A_117, %dma_wait3A_118] : memref<3x128x128xf32, #tpu.memory_space<vmem>> -> memref<1x128x128xf32, #tpu.memory_space<vmem>>
      %dma_wait3A_120 = tpu.memref_squeeze %dma_wait3A_119 : memref<1x128x128xf32, #tpu.memory_space<vmem>> -> memref<128x128xf32, #tpu.memory_space<vmem>>
      tpu.wait_dma2 semaphore(%run_scoped3A_98 : memref<!tpu.dma_semaphore, #tpu.memory_space<semaphore_mem>>) src(%dma_wait3A_120 : memref<128x128xf32, #tpu.memory_space<vmem>>) dst(%dma_wait3A_116 : memref<128x128xf32, #tpu.memory_space<vmem_shared>>)
      tpu.yield
    }) : () -> ()
    %add3A_65 = arith.constant 512 : i32
    %add3A_66 = arith.addi %mul3A_53, %add3A_65 : i32
    %run_scoped3A_67 = arith.constant 0 : i32
    "tpu.region"() ({
      %run_scoped3A_98 = tpu.sem_alloc : memref<!tpu.dma_semaphore, #tpu.memory_space<semaphore_mem>>
      %dma_start3A = arith.constant 0 : i32
      %dma_start3A_99 = arith.constant 0 : i32
      %dma_start3A_100 = tpu.memref_slice %arg9[%run_scoped3A_67, %dma_start3A, %dma_start3A_99] : memref<3x128x128xf32, #tpu.memory_space<vmem>> -> memref<1x113x128xf32, #tpu.memory_space<vmem>>
      %dma_start3A_101 = tpu.memref_squeeze %dma_start3A_100 : memref<1x113x128xf32, #tpu.memory_space<vmem>> -> memref<113x128xf32, #tpu.memory_space<vmem>>
      %dma_start3A_102 = arith.constant 0 : i32
      %dma_start3A_103 = tpu.memref_slice %arg11[%add3A_66, %dma_start3A_102] : memref<10008x128xf32, #tpu.memory_space<vmem_shared>> -> memref<113x128xf32, #tpu.memory_space<vmem_shared>>
      %dma_start3A_104 = arith.constant 0 : i32
      %dma_start3A_105 = tpu.memref_slice %arg11[%add3A_66, %dma_start3A_104] : memref<10008x128xf32, #tpu.memory_space<vmem_shared>> -> memref<113x128xf32, #tpu.memory_space<vmem_shared>>
      %dma_start3A_106 = arith.constant 0 : i32
      %dma_start3A_107 = arith.constant 0 : i32
      %dma_start3A_108 = tpu.memref_slice %arg9[%run_scoped3A_67, %dma_start3A_106, %dma_start3A_107] : memref<3x128x128xf32, #tpu.memory_space<vmem>> -> memref<1x113x128xf32, #tpu.memory_space<vmem>>
      %dma_start3A_109 = tpu.memref_squeeze %dma_start3A_108 : memref<1x113x128xf32, #tpu.memory_space<vmem>> -> memref<113x128xf32, #tpu.memory_space<vmem>>
      tpu.enqueue_dma source(%dma_start3A_109 : memref<113x128xf32, #tpu.memory_space<vmem>>) target(%dma_start3A_105 : memref<113x128xf32, #tpu.memory_space<vmem_shared>>) target_semaphore(%run_scoped3A_98 : memref<!tpu.dma_semaphore, #tpu.memory_space<semaphore_mem>>)
      %dma_wait3A = arith.constant 0 : i32
      %dma_wait3A_110 = arith.constant 0 : i32
      %dma_wait3A_111 = tpu.memref_slice %arg9[%run_scoped3A_67, %dma_wait3A, %dma_wait3A_110] : memref<3x128x128xf32, #tpu.memory_space<vmem>> -> memref<1x113x128xf32, #tpu.memory_space<vmem>>
      %dma_wait3A_112 = tpu.memref_squeeze %dma_wait3A_111 : memref<1x113x128xf32, #tpu.memory_space<vmem>> -> memref<113x128xf32, #tpu.memory_space<vmem>>
      %dma_wait3A_113 = arith.constant 0 : i32
      %dma_wait3A_114 = tpu.memref_slice %arg11[%add3A_66, %dma_wait3A_113] : memref<10008x128xf32, #tpu.memory_space<vmem_shared>> -> memref<113x128xf32, #tpu.memory_space<vmem_shared>>
      %dma_wait3A_115 = arith.constant 0 : i32
      %dma_wait3A_116 = tpu.memref_slice %arg11[%add3A_66, %dma_wait3A_115] : memref<10008x128xf32, #tpu.memory_space<vmem_shared>> -> memref<113x128xf32, #tpu.memory_space<vmem_shared>>
      %dma_wait3A_117 = arith.constant 0 : i32
      %dma_wait3A_118 = arith.constant 0 : i32
      %dma_wait3A_119 = tpu.memref_slice %arg9[%run_scoped3A_67, %dma_wait3A_117, %dma_wait3A_118] : memref<3x128x128xf32, #tpu.memory_space<vmem>> -> memref<1x113x128xf32, #tpu.memory_space<vmem>>
      %dma_wait3A_120 = tpu.memref_squeeze %dma_wait3A_119 : memref<1x113x128xf32, #tpu.memory_space<vmem>> -> memref<113x128xf32, #tpu.memory_space<vmem>>
      tpu.wait_dma2 semaphore(%run_scoped3A_98 : memref<!tpu.dma_semaphore, #tpu.memory_space<semaphore_mem>>) src(%dma_wait3A_120 : memref<113x128xf32, #tpu.memory_space<vmem>>) dst(%dma_wait3A_116 : memref<113x128xf32, #tpu.memory_space<vmem_shared>>)
      tpu.yield
    }) : () -> ()
    %lt3A = arith.constant 15 : i32
    %lt3A_68 = arith.cmpi slt, %arg1, %lt3A : i32
    %convert_element_type3A = arith.extui %lt3A_68 : i1 to i32
    %cond3A = arith.constant 0 : i32
    %cond3A_69 = arith.cmpi ne, %convert_element_type3A, %cond3A : i32
    scf.if %cond3A_69 {
      %mul3A_98 = arith.constant 640 : i32
      %mul3A_99 = arith.muli %arg1, %mul3A_98 : i32
      %add3A_100 = arith.constant 0 : i32
      %add3A_101 = arith.addi %mul3A_99, %add3A_100 : i32
      %run_scoped3A_102 = arith.constant 0 : i32
      %run_scoped3A_103 = arith.constant 0 : i32
      "tpu.region"() ({
        %run_scoped3A_128 = tpu.sem_alloc : memref<!tpu.dma_semaphore, #tpu.memory_space<semaphore_mem>>
        %dma_start3A = arith.constant 0 : i32
        %dma_start3A_129 = tpu.memref_slice %arg9[%run_scoped3A_102, %run_scoped3A_103, %dma_start3A] : memref<3x128x128xf32, #tpu.memory_space<vmem>> -> memref<1x1x128xf32, #tpu.memory_space<vmem>>
        %dma_start3A_130 = tpu.memref_squeeze %dma_start3A_129 : memref<1x1x128xf32, #tpu.memory_space<vmem>> -> memref<128xf32, #tpu.memory_space<vmem>>
        %dma_start3A_131 = tpu.memref_slice %arg12[%add3A_101] : memref<10112xf32, #tpu.memory_space<vmem_shared>> -> memref<128xf32, #tpu.memory_space<vmem_shared>>
        %dma_start3A_132 = tpu.memref_slice %arg12[%add3A_101] : memref<10112xf32, #tpu.memory_space<vmem_shared>> -> memref<128xf32, #tpu.memory_space<vmem_shared>>
        %dma_start3A_133 = arith.constant 0 : i32
        %dma_start3A_134 = tpu.memref_slice %arg9[%run_scoped3A_102, %run_scoped3A_103, %dma_start3A_133] : memref<3x128x128xf32, #tpu.memory_space<vmem>> -> memref<1x1x128xf32, #tpu.memory_space<vmem>>
        %dma_start3A_135 = tpu.memref_squeeze %dma_start3A_134 : memref<1x1x128xf32, #tpu.memory_space<vmem>> -> memref<128xf32, #tpu.memory_space<vmem>>
        tpu.enqueue_dma source(%dma_start3A_135 : memref<128xf32, #tpu.memory_space<vmem>>) target(%dma_start3A_132 : memref<128xf32, #tpu.memory_space<vmem_shared>>) target_semaphore(%run_scoped3A_128 : memref<!tpu.dma_semaphore, #tpu.memory_space<semaphore_mem>>)
        %dma_wait3A = arith.constant 0 : i32
        %dma_wait3A_136 = tpu.memref_slice %arg9[%run_scoped3A_102, %run_scoped3A_103, %dma_wait3A] : memref<3x128x128xf32, #tpu.memory_space<vmem>> -> memref<1x1x128xf32, #tpu.memory_space<vmem>>
        %dma_wait3A_137 = tpu.memref_squeeze %dma_wait3A_136 : memref<1x1x128xf32, #tpu.memory_space<vmem>> -> memref<128xf32, #tpu.memory_space<vmem>>
        %dma_wait3A_138 = tpu.memref_slice %arg12[%add3A_101] : memref<10112xf32, #tpu.memory_space<vmem_shared>> -> memref<128xf32, #tpu.memory_space<vmem_shared>>
        %dma_wait3A_139 = tpu.memref_slice %arg12[%add3A_101] : memref<10112xf32, #tpu.memory_space<vmem_shared>> -> memref<128xf32, #tpu.memory_space<vmem_shared>>
        %dma_wait3A_140 = arith.constant 0 : i32
        %dma_wait3A_141 = tpu.memref_slice %arg9[%run_scoped3A_102, %run_scoped3A_103, %dma_wait3A_140] : memref<3x128x128xf32, #tpu.memory_space<vmem>> -> memref<1x1x128xf32, #tpu.memory_space<vmem>>
        %dma_wait3A_142 = tpu.memref_squeeze %dma_wait3A_141 : memref<1x1x128xf32, #tpu.memory_space<vmem>> -> memref<128xf32, #tpu.memory_space<vmem>>
        tpu.wait_dma2 semaphore(%run_scoped3A_128 : memref<!tpu.dma_semaphore, #tpu.memory_space<semaphore_mem>>) src(%dma_wait3A_142 : memref<128xf32, #tpu.memory_space<vmem>>) dst(%dma_wait3A_139 : memref<128xf32, #tpu.memory_space<vmem_shared>>)
        tpu.yield
      }) : () -> ()
      %mul3A_104 = arith.constant 640 : i32
      %mul3A_105 = arith.muli %arg1, %mul3A_104 : i32
      %add3A_106 = arith.constant 128 : i32
      %add3A_107 = arith.addi %mul3A_105, %add3A_106 : i32
      %run_scoped3A_108 = arith.constant 0 : i32
      %run_scoped3A_109 = arith.constant 0 : i32
      "tpu.region"() ({
        %run_scoped3A_128 = tpu.sem_alloc : memref<!tpu.dma_semaphore, #tpu.memory_space<semaphore_mem>>
        %dma_start3A = arith.constant 0 : i32
        %dma_start3A_129 = tpu.memref_slice %arg9[%run_scoped3A_108, %run_scoped3A_109, %dma_start3A] : memref<3x128x128xf32, #tpu.memory_space<vmem>> -> memref<1x1x128xf32, #tpu.memory_space<vmem>>
        %dma_start3A_130 = tpu.memref_squeeze %dma_start3A_129 : memref<1x1x128xf32, #tpu.memory_space<vmem>> -> memref<128xf32, #tpu.memory_space<vmem>>
        %dma_start3A_131 = tpu.memref_slice %arg12[%add3A_107] : memref<10112xf32, #tpu.memory_space<vmem_shared>> -> memref<128xf32, #tpu.memory_space<vmem_shared>>
        %dma_start3A_132 = tpu.memref_slice %arg12[%add3A_107] : memref<10112xf32, #tpu.memory_space<vmem_shared>> -> memref<128xf32, #tpu.memory_space<vmem_shared>>
        %dma_start3A_133 = arith.constant 0 : i32
        %dma_start3A_134 = tpu.memref_slice %arg9[%run_scoped3A_108, %run_scoped3A_109, %dma_start3A_133] : memref<3x128x128xf32, #tpu.memory_space<vmem>> -> memref<1x1x128xf32, #tpu.memory_space<vmem>>
        %dma_start3A_135 = tpu.memref_squeeze %dma_start3A_134 : memref<1x1x128xf32, #tpu.memory_space<vmem>> -> memref<128xf32, #tpu.memory_space<vmem>>
        tpu.enqueue_dma source(%dma_start3A_135 : memref<128xf32, #tpu.memory_space<vmem>>) target(%dma_start3A_132 : memref<128xf32, #tpu.memory_space<vmem_shared>>) target_semaphore(%run_scoped3A_128 : memref<!tpu.dma_semaphore, #tpu.memory_space<semaphore_mem>>)
        %dma_wait3A = arith.constant 0 : i32
        %dma_wait3A_136 = tpu.memref_slice %arg9[%run_scoped3A_108, %run_scoped3A_109, %dma_wait3A] : memref<3x128x128xf32, #tpu.memory_space<vmem>> -> memref<1x1x128xf32, #tpu.memory_space<vmem>>
        %dma_wait3A_137 = tpu.memref_squeeze %dma_wait3A_136 : memref<1x1x128xf32, #tpu.memory_space<vmem>> -> memref<128xf32, #tpu.memory_space<vmem>>
        %dma_wait3A_138 = tpu.memref_slice %arg12[%add3A_107] : memref<10112xf32, #tpu.memory_space<vmem_shared>> -> memref<128xf32, #tpu.memory_space<vmem_shared>>
        %dma_wait3A_139 = tpu.memref_slice %arg12[%add3A_107] : memref<10112xf32, #tpu.memory_space<vmem_shared>> -> memref<128xf32, #tpu.memory_space<vmem_shared>>
        %dma_wait3A_140 = arith.constant 0 : i32
        %dma_wait3A_141 = tpu.memref_slice %arg9[%run_scoped3A_108, %run_scoped3A_109, %dma_wait3A_140] : memref<3x128x128xf32, #tpu.memory_space<vmem>> -> memref<1x1x128xf32, #tpu.memory_space<vmem>>
        %dma_wait3A_142 = tpu.memref_squeeze %dma_wait3A_141 : memref<1x1x128xf32, #tpu.memory_space<vmem>> -> memref<128xf32, #tpu.memory_space<vmem>>
        tpu.wait_dma2 semaphore(%run_scoped3A_128 : memref<!tpu.dma_semaphore, #tpu.memory_space<semaphore_mem>>) src(%dma_wait3A_142 : memref<128xf32, #tpu.memory_space<vmem>>) dst(%dma_wait3A_139 : memref<128xf32, #tpu.memory_space<vmem_shared>>)
        tpu.yield
      }) : () -> ()
      %mul3A_110 = arith.constant 640 : i32
      %mul3A_111 = arith.muli %arg1, %mul3A_110 : i32
      %add3A_112 = arith.constant 256 : i32
      %add3A_113 = arith.addi %mul3A_111, %add3A_112 : i32
      %run_scoped3A_114 = arith.constant 0 : i32
      %run_scoped3A_115 = arith.constant 0 : i32
      "tpu.region"() ({
        %run_scoped3A_128 = tpu.sem_alloc : memref<!tpu.dma_semaphore, #tpu.memory_space<semaphore_mem>>
        %dma_start3A = arith.constant 0 : i32
        %dma_start3A_129 = tpu.memref_slice %arg9[%run_scoped3A_114, %run_scoped3A_115, %dma_start3A] : memref<3x128x128xf32, #tpu.memory_space<vmem>> -> memref<1x1x128xf32, #tpu.memory_space<vmem>>
        %dma_start3A_130 = tpu.memref_squeeze %dma_start3A_129 : memref<1x1x128xf32, #tpu.memory_space<vmem>> -> memref<128xf32, #tpu.memory_space<vmem>>
        %dma_start3A_131 = tpu.memref_slice %arg12[%add3A_113] : memref<10112xf32, #tpu.memory_space<vmem_shared>> -> memref<128xf32, #tpu.memory_space<vmem_shared>>
        %dma_start3A_132 = tpu.memref_slice %arg12[%add3A_113] : memref<10112xf32, #tpu.memory_space<vmem_shared>> -> memref<128xf32, #tpu.memory_space<vmem_shared>>
        %dma_start3A_133 = arith.constant 0 : i32
        %dma_start3A_134 = tpu.memref_slice %arg9[%run_scoped3A_114, %run_scoped3A_115, %dma_start3A_133] : memref<3x128x128xf32, #tpu.memory_space<vmem>> -> memref<1x1x128xf32, #tpu.memory_space<vmem>>
        %dma_start3A_135 = tpu.memref_squeeze %dma_start3A_134 : memref<1x1x128xf32, #tpu.memory_space<vmem>> -> memref<128xf32, #tpu.memory_space<vmem>>
        tpu.enqueue_dma source(%dma_start3A_135 : memref<128xf32, #tpu.memory_space<vmem>>) target(%dma_start3A_132 : memref<128xf32, #tpu.memory_space<vmem_shared>>) target_semaphore(%run_scoped3A_128 : memref<!tpu.dma_semaphore, #tpu.memory_space<semaphore_mem>>)
        %dma_wait3A = arith.constant 0 : i32
        %dma_wait3A_136 = tpu.memref_slice %arg9[%run_scoped3A_114, %run_scoped3A_115, %dma_wait3A] : memref<3x128x128xf32, #tpu.memory_space<vmem>> -> memref<1x1x128xf32, #tpu.memory_space<vmem>>
        %dma_wait3A_137 = tpu.memref_squeeze %dma_wait3A_136 : memref<1x1x128xf32, #tpu.memory_space<vmem>> -> memref<128xf32, #tpu.memory_space<vmem>>
        %dma_wait3A_138 = tpu.memref_slice %arg12[%add3A_113] : memref<10112xf32, #tpu.memory_space<vmem_shared>> -> memref<128xf32, #tpu.memory_space<vmem_shared>>
        %dma_wait3A_139 = tpu.memref_slice %arg12[%add3A_113] : memref<10112xf32, #tpu.memory_space<vmem_shared>> -> memref<128xf32, #tpu.memory_space<vmem_shared>>
        %dma_wait3A_140 = arith.constant 0 : i32
        %dma_wait3A_141 = tpu.memref_slice %arg9[%run_scoped3A_114, %run_scoped3A_115, %dma_wait3A_140] : memref<3x128x128xf32, #tpu.memory_space<vmem>> -> memref<1x1x128xf32, #tpu.memory_space<vmem>>
        %dma_wait3A_142 = tpu.memref_squeeze %dma_wait3A_141 : memref<1x1x128xf32, #tpu.memory_space<vmem>> -> memref<128xf32, #tpu.memory_space<vmem>>
        tpu.wait_dma2 semaphore(%run_scoped3A_128 : memref<!tpu.dma_semaphore, #tpu.memory_space<semaphore_mem>>) src(%dma_wait3A_142 : memref<128xf32, #tpu.memory_space<vmem>>) dst(%dma_wait3A_139 : memref<128xf32, #tpu.memory_space<vmem_shared>>)
        tpu.yield
      }) : () -> ()
      %mul3A_116 = arith.constant 640 : i32
      %mul3A_117 = arith.muli %arg1, %mul3A_116 : i32
      %add3A_118 = arith.constant 384 : i32
      %add3A_119 = arith.addi %mul3A_117, %add3A_118 : i32
      %run_scoped3A_120 = arith.constant 0 : i32
      %run_scoped3A_121 = arith.constant 0 : i32
      "tpu.region"() ({
        %run_scoped3A_128 = tpu.sem_alloc : memref<!tpu.dma_semaphore, #tpu.memory_space<semaphore_mem>>
        %dma_start3A = arith.constant 0 : i32
        %dma_start3A_129 = tpu.memref_slice %arg9[%run_scoped3A_120, %run_scoped3A_121, %dma_start3A] : memref<3x128x128xf32, #tpu.memory_space<vmem>> -> memref<1x1x128xf32, #tpu.memory_space<vmem>>
        %dma_start3A_130 = tpu.memref_squeeze %dma_start3A_129 : memref<1x1x128xf32, #tpu.memory_space<vmem>> -> memref<128xf32, #tpu.memory_space<vmem>>
        %dma_start3A_131 = tpu.memref_slice %arg12[%add3A_119] : memref<10112xf32, #tpu.memory_space<vmem_shared>> -> memref<128xf32, #tpu.memory_space<vmem_shared>>
        %dma_start3A_132 = tpu.memref_slice %arg12[%add3A_119] : memref<10112xf32, #tpu.memory_space<vmem_shared>> -> memref<128xf32, #tpu.memory_space<vmem_shared>>
        %dma_start3A_133 = arith.constant 0 : i32
        %dma_start3A_134 = tpu.memref_slice %arg9[%run_scoped3A_120, %run_scoped3A_121, %dma_start3A_133] : memref<3x128x128xf32, #tpu.memory_space<vmem>> -> memref<1x1x128xf32, #tpu.memory_space<vmem>>
        %dma_start3A_135 = tpu.memref_squeeze %dma_start3A_134 : memref<1x1x128xf32, #tpu.memory_space<vmem>> -> memref<128xf32, #tpu.memory_space<vmem>>
        tpu.enqueue_dma source(%dma_start3A_135 : memref<128xf32, #tpu.memory_space<vmem>>) target(%dma_start3A_132 : memref<128xf32, #tpu.memory_space<vmem_shared>>) target_semaphore(%run_scoped3A_128 : memref<!tpu.dma_semaphore, #tpu.memory_space<semaphore_mem>>)
        %dma_wait3A = arith.constant 0 : i32
        %dma_wait3A_136 = tpu.memref_slice %arg9[%run_scoped3A_120, %run_scoped3A_121, %dma_wait3A] : memref<3x128x128xf32, #tpu.memory_space<vmem>> -> memref<1x1x128xf32, #tpu.memory_space<vmem>>
        %dma_wait3A_137 = tpu.memref_squeeze %dma_wait3A_136 : memref<1x1x128xf32, #tpu.memory_space<vmem>> -> memref<128xf32, #tpu.memory_space<vmem>>
        %dma_wait3A_138 = tpu.memref_slice %arg12[%add3A_119] : memref<10112xf32, #tpu.memory_space<vmem_shared>> -> memref<128xf32, #tpu.memory_space<vmem_shared>>
        %dma_wait3A_139 = tpu.memref_slice %arg12[%add3A_119] : memref<10112xf32, #tpu.memory_space<vmem_shared>> -> memref<128xf32, #tpu.memory_space<vmem_shared>>
        %dma_wait3A_140 = arith.constant 0 : i32
        %dma_wait3A_141 = tpu.memref_slice %arg9[%run_scoped3A_120, %run_scoped3A_121, %dma_wait3A_140] : memref<3x128x128xf32, #tpu.memory_space<vmem>> -> memref<1x1x128xf32, #tpu.memory_space<vmem>>
        %dma_wait3A_142 = tpu.memref_squeeze %dma_wait3A_141 : memref<1x1x128xf32, #tpu.memory_space<vmem>> -> memref<128xf32, #tpu.memory_space<vmem>>
        tpu.wait_dma2 semaphore(%run_scoped3A_128 : memref<!tpu.dma_semaphore, #tpu.memory_space<semaphore_mem>>) src(%dma_wait3A_142 : memref<128xf32, #tpu.memory_space<vmem>>) dst(%dma_wait3A_139 : memref<128xf32, #tpu.memory_space<vmem_shared>>)
        tpu.yield
      }) : () -> ()
      %mul3A_122 = arith.constant 640 : i32
      %mul3A_123 = arith.muli %arg1, %mul3A_122 : i32
      %add3A_124 = arith.constant 512 : i32
      %add3A_125 = arith.addi %mul3A_123, %add3A_124 : i32
      %run_scoped3A_126 = arith.constant 0 : i32
      %run_scoped3A_127 = arith.constant 0 : i32
      "tpu.region"() ({
        %run_scoped3A_128 = tpu.sem_alloc : memref<!tpu.dma_semaphore, #tpu.memory_space<semaphore_mem>>
        %dma_start3A = arith.constant 0 : i32
        %dma_start3A_129 = tpu.memref_slice %arg9[%run_scoped3A_126, %run_scoped3A_127, %dma_start3A] : memref<3x128x128xf32, #tpu.memory_space<vmem>> -> memref<1x1x128xf32, #tpu.memory_space<vmem>>
        %dma_start3A_130 = tpu.memref_squeeze %dma_start3A_129 : memref<1x1x128xf32, #tpu.memory_space<vmem>> -> memref<128xf32, #tpu.memory_space<vmem>>
        %dma_start3A_131 = tpu.memref_slice %arg12[%add3A_125] : memref<10112xf32, #tpu.memory_space<vmem_shared>> -> memref<128xf32, #tpu.memory_space<vmem_shared>>
        %dma_start3A_132 = tpu.memref_slice %arg12[%add3A_125] : memref<10112xf32, #tpu.memory_space<vmem_shared>> -> memref<128xf32, #tpu.memory_space<vmem_shared>>
        %dma_start3A_133 = arith.constant 0 : i32
        %dma_start3A_134 = tpu.memref_slice %arg9[%run_scoped3A_126, %run_scoped3A_127, %dma_start3A_133] : memref<3x128x128xf32, #tpu.memory_space<vmem>> -> memref<1x1x128xf32, #tpu.memory_space<vmem>>
        %dma_start3A_135 = tpu.memref_squeeze %dma_start3A_134 : memref<1x1x128xf32, #tpu.memory_space<vmem>> -> memref<128xf32, #tpu.memory_space<vmem>>
        tpu.enqueue_dma source(%dma_start3A_135 : memref<128xf32, #tpu.memory_space<vmem>>) target(%dma_start3A_132 : memref<128xf32, #tpu.memory_space<vmem_shared>>) target_semaphore(%run_scoped3A_128 : memref<!tpu.dma_semaphore, #tpu.memory_space<semaphore_mem>>)
        %dma_wait3A = arith.constant 0 : i32
        %dma_wait3A_136 = tpu.memref_slice %arg9[%run_scoped3A_126, %run_scoped3A_127, %dma_wait3A] : memref<3x128x128xf32, #tpu.memory_space<vmem>> -> memref<1x1x128xf32, #tpu.memory_space<vmem>>
        %dma_wait3A_137 = tpu.memref_squeeze %dma_wait3A_136 : memref<1x1x128xf32, #tpu.memory_space<vmem>> -> memref<128xf32, #tpu.memory_space<vmem>>
        %dma_wait3A_138 = tpu.memref_slice %arg12[%add3A_125] : memref<10112xf32, #tpu.memory_space<vmem_shared>> -> memref<128xf32, #tpu.memory_space<vmem_shared>>
        %dma_wait3A_139 = tpu.memref_slice %arg12[%add3A_125] : memref<10112xf32, #tpu.memory_space<vmem_shared>> -> memref<128xf32, #tpu.memory_space<vmem_shared>>
        %dma_wait3A_140 = arith.constant 0 : i32
        %dma_wait3A_141 = tpu.memref_slice %arg9[%run_scoped3A_126, %run_scoped3A_127, %dma_wait3A_140] : memref<3x128x128xf32, #tpu.memory_space<vmem>> -> memref<1x1x128xf32, #tpu.memory_space<vmem>>
        %dma_wait3A_142 = tpu.memref_squeeze %dma_wait3A_141 : memref<1x1x128xf32, #tpu.memory_space<vmem>> -> memref<128xf32, #tpu.memory_space<vmem>>
        tpu.wait_dma2 semaphore(%run_scoped3A_128 : memref<!tpu.dma_semaphore, #tpu.memory_space<semaphore_mem>>) src(%dma_wait3A_142 : memref<128xf32, #tpu.memory_space<vmem>>) dst(%dma_wait3A_139 : memref<128xf32, #tpu.memory_space<vmem_shared>>)
        tpu.yield
      }) : () -> ()
    } else {
    }
    %eq3A = arith.constant 15 : i32
    %eq3A_70 = arith.cmpi eq, %arg1, %eq3A : i32
    %convert_element_type3A_71 = arith.extui %eq3A_70 : i1 to i32
    %cond3A_72 = arith.constant 0 : i32
    %cond3A_73 = arith.cmpi ne, %convert_element_type3A_71, %cond3A_72 : i32
    scf.if %cond3A_73 {
      %run_scoped3A_98 = arith.constant 0 : i32
      %run_scoped3A_99 = arith.constant 0 : i32
      "tpu.region"() ({
        %run_scoped3A_106 = tpu.sem_alloc : memref<!tpu.dma_semaphore, #tpu.memory_space<semaphore_mem>>
        %dma_start3A = arith.constant 0 : i32
        %dma_start3A_107 = tpu.memref_slice %arg9[%run_scoped3A_98, %run_scoped3A_99, %dma_start3A] : memref<3x128x128xf32, #tpu.memory_space<vmem>> -> memref<1x1x128xf32, #tpu.memory_space<vmem>>
        %dma_start3A_108 = tpu.memref_squeeze %dma_start3A_107 : memref<1x1x128xf32, #tpu.memory_space<vmem>> -> memref<128xf32, #tpu.memory_space<vmem>>
        %dma_start3A_109 = arith.constant 9600 : i32
        %dma_start3A_110 = tpu.memref_slice %arg12[%dma_start3A_109] : memref<10112xf32, #tpu.memory_space<vmem_shared>> -> memref<128xf32, #tpu.memory_space<vmem_shared>>
        %dma_start3A_111 = arith.constant 9600 : i32
        %dma_start3A_112 = tpu.memref_slice %arg12[%dma_start3A_111] : memref<10112xf32, #tpu.memory_space<vmem_shared>> -> memref<128xf32, #tpu.memory_space<vmem_shared>>
        %dma_start3A_113 = arith.constant 0 : i32
        %dma_start3A_114 = tpu.memref_slice %arg9[%run_scoped3A_98, %run_scoped3A_99, %dma_start3A_113] : memref<3x128x128xf32, #tpu.memory_space<vmem>> -> memref<1x1x128xf32, #tpu.memory_space<vmem>>
        %dma_start3A_115 = tpu.memref_squeeze %dma_start3A_114 : memref<1x1x128xf32, #tpu.memory_space<vmem>> -> memref<128xf32, #tpu.memory_space<vmem>>
        tpu.enqueue_dma source(%dma_start3A_115 : memref<128xf32, #tpu.memory_space<vmem>>) target(%dma_start3A_112 : memref<128xf32, #tpu.memory_space<vmem_shared>>) target_semaphore(%run_scoped3A_106 : memref<!tpu.dma_semaphore, #tpu.memory_space<semaphore_mem>>)
        %dma_wait3A = arith.constant 0 : i32
        %dma_wait3A_116 = tpu.memref_slice %arg9[%run_scoped3A_98, %run_scoped3A_99, %dma_wait3A] : memref<3x128x128xf32, #tpu.memory_space<vmem>> -> memref<1x1x128xf32, #tpu.memory_space<vmem>>
        %dma_wait3A_117 = tpu.memref_squeeze %dma_wait3A_116 : memref<1x1x128xf32, #tpu.memory_space<vmem>> -> memref<128xf32, #tpu.memory_space<vmem>>
        %dma_wait3A_118 = arith.constant 9600 : i32
        %dma_wait3A_119 = tpu.memref_slice %arg12[%dma_wait3A_118] : memref<10112xf32, #tpu.memory_space<vmem_shared>> -> memref<128xf32, #tpu.memory_space<vmem_shared>>
        %dma_wait3A_120 = arith.constant 9600 : i32
        %dma_wait3A_121 = tpu.memref_slice %arg12[%dma_wait3A_120] : memref<10112xf32, #tpu.memory_space<vmem_shared>> -> memref<128xf32, #tpu.memory_space<vmem_shared>>
        %dma_wait3A_122 = arith.constant 0 : i32
        %dma_wait3A_123 = tpu.memref_slice %arg9[%run_scoped3A_98, %run_scoped3A_99, %dma_wait3A_122] : memref<3x128x128xf32, #tpu.memory_space<vmem>> -> memref<1x1x128xf32, #tpu.memory_space<vmem>>
        %dma_wait3A_124 = tpu.memref_squeeze %dma_wait3A_123 : memref<1x1x128xf32, #tpu.memory_space<vmem>> -> memref<128xf32, #tpu.memory_space<vmem>>
        tpu.wait_dma2 semaphore(%run_scoped3A_106 : memref<!tpu.dma_semaphore, #tpu.memory_space<semaphore_mem>>) src(%dma_wait3A_124 : memref<128xf32, #tpu.memory_space<vmem>>) dst(%dma_wait3A_121 : memref<128xf32, #tpu.memory_space<vmem_shared>>)
        tpu.yield
      }) : () -> ()
      %run_scoped3A_100 = arith.constant 0 : i32
      %run_scoped3A_101 = arith.constant 0 : i32
      "tpu.region"() ({
        %run_scoped3A_106 = tpu.sem_alloc : memref<!tpu.dma_semaphore, #tpu.memory_space<semaphore_mem>>
        %dma_start3A = arith.constant 0 : i32
        %dma_start3A_107 = tpu.memref_slice %arg9[%run_scoped3A_100, %run_scoped3A_101, %dma_start3A] : memref<3x128x128xf32, #tpu.memory_space<vmem>> -> memref<1x1x128xf32, #tpu.memory_space<vmem>>
        %dma_start3A_108 = tpu.memref_squeeze %dma_start3A_107 : memref<1x1x128xf32, #tpu.memory_space<vmem>> -> memref<128xf32, #tpu.memory_space<vmem>>
        %dma_start3A_109 = arith.constant 9728 : i32
        %dma_start3A_110 = tpu.memref_slice %arg12[%dma_start3A_109] : memref<10112xf32, #tpu.memory_space<vmem_shared>> -> memref<128xf32, #tpu.memory_space<vmem_shared>>
        %dma_start3A_111 = arith.constant 9728 : i32
        %dma_start3A_112 = tpu.memref_slice %arg12[%dma_start3A_111] : memref<10112xf32, #tpu.memory_space<vmem_shared>> -> memref<128xf32, #tpu.memory_space<vmem_shared>>
        %dma_start3A_113 = arith.constant 0 : i32
        %dma_start3A_114 = tpu.memref_slice %arg9[%run_scoped3A_100, %run_scoped3A_101, %dma_start3A_113] : memref<3x128x128xf32, #tpu.memory_space<vmem>> -> memref<1x1x128xf32, #tpu.memory_space<vmem>>
        %dma_start3A_115 = tpu.memref_squeeze %dma_start3A_114 : memref<1x1x128xf32, #tpu.memory_space<vmem>> -> memref<128xf32, #tpu.memory_space<vmem>>
        tpu.enqueue_dma source(%dma_start3A_115 : memref<128xf32, #tpu.memory_space<vmem>>) target(%dma_start3A_112 : memref<128xf32, #tpu.memory_space<vmem_shared>>) target_semaphore(%run_scoped3A_106 : memref<!tpu.dma_semaphore, #tpu.memory_space<semaphore_mem>>)
        %dma_wait3A = arith.constant 0 : i32
        %dma_wait3A_116 = tpu.memref_slice %arg9[%run_scoped3A_100, %run_scoped3A_101, %dma_wait3A] : memref<3x128x128xf32, #tpu.memory_space<vmem>> -> memref<1x1x128xf32, #tpu.memory_space<vmem>>
        %dma_wait3A_117 = tpu.memref_squeeze %dma_wait3A_116 : memref<1x1x128xf32, #tpu.memory_space<vmem>> -> memref<128xf32, #tpu.memory_space<vmem>>
        %dma_wait3A_118 = arith.constant 9728 : i32
        %dma_wait3A_119 = tpu.memref_slice %arg12[%dma_wait3A_118] : memref<10112xf32, #tpu.memory_space<vmem_shared>> -> memref<128xf32, #tpu.memory_space<vmem_shared>>
        %dma_wait3A_120 = arith.constant 9728 : i32
        %dma_wait3A_121 = tpu.memref_slice %arg12[%dma_wait3A_120] : memref<10112xf32, #tpu.memory_space<vmem_shared>> -> memref<128xf32, #tpu.memory_space<vmem_shared>>
        %dma_wait3A_122 = arith.constant 0 : i32
        %dma_wait3A_123 = tpu.memref_slice %arg9[%run_scoped3A_100, %run_scoped3A_101, %dma_wait3A_122] : memref<3x128x128xf32, #tpu.memory_space<vmem>> -> memref<1x1x128xf32, #tpu.memory_space<vmem>>
        %dma_wait3A_124 = tpu.memref_squeeze %dma_wait3A_123 : memref<1x1x128xf32, #tpu.memory_space<vmem>> -> memref<128xf32, #tpu.memory_space<vmem>>
        tpu.wait_dma2 semaphore(%run_scoped3A_106 : memref<!tpu.dma_semaphore, #tpu.memory_space<semaphore_mem>>) src(%dma_wait3A_124 : memref<128xf32, #tpu.memory_space<vmem>>) dst(%dma_wait3A_121 : memref<128xf32, #tpu.memory_space<vmem_shared>>)
        tpu.yield
      }) : () -> ()
      %run_scoped3A_102 = arith.constant 0 : i32
      %run_scoped3A_103 = arith.constant 0 : i32
      "tpu.region"() ({
        %run_scoped3A_106 = tpu.sem_alloc : memref<!tpu.dma_semaphore, #tpu.memory_space<semaphore_mem>>
        %dma_start3A = arith.constant 0 : i32
        %dma_start3A_107 = tpu.memref_slice %arg9[%run_scoped3A_102, %run_scoped3A_103, %dma_start3A] : memref<3x128x128xf32, #tpu.memory_space<vmem>> -> memref<1x1x128xf32, #tpu.memory_space<vmem>>
        %dma_start3A_108 = tpu.memref_squeeze %dma_start3A_107 : memref<1x1x128xf32, #tpu.memory_space<vmem>> -> memref<128xf32, #tpu.memory_space<vmem>>
        %dma_start3A_109 = arith.constant 9856 : i32
        %dma_start3A_110 = tpu.memref_slice %arg12[%dma_start3A_109] : memref<10112xf32, #tpu.memory_space<vmem_shared>> -> memref<128xf32, #tpu.memory_space<vmem_shared>>
        %dma_start3A_111 = arith.constant 9856 : i32
        %dma_start3A_112 = tpu.memref_slice %arg12[%dma_start3A_111] : memref<10112xf32, #tpu.memory_space<vmem_shared>> -> memref<128xf32, #tpu.memory_space<vmem_shared>>
        %dma_start3A_113 = arith.constant 0 : i32
        %dma_start3A_114 = tpu.memref_slice %arg9[%run_scoped3A_102, %run_scoped3A_103, %dma_start3A_113] : memref<3x128x128xf32, #tpu.memory_space<vmem>> -> memref<1x1x128xf32, #tpu.memory_space<vmem>>
        %dma_start3A_115 = tpu.memref_squeeze %dma_start3A_114 : memref<1x1x128xf32, #tpu.memory_space<vmem>> -> memref<128xf32, #tpu.memory_space<vmem>>
        tpu.enqueue_dma source(%dma_start3A_115 : memref<128xf32, #tpu.memory_space<vmem>>) target(%dma_start3A_112 : memref<128xf32, #tpu.memory_space<vmem_shared>>) target_semaphore(%run_scoped3A_106 : memref<!tpu.dma_semaphore, #tpu.memory_space<semaphore_mem>>)
        %dma_wait3A = arith.constant 0 : i32
        %dma_wait3A_116 = tpu.memref_slice %arg9[%run_scoped3A_102, %run_scoped3A_103, %dma_wait3A] : memref<3x128x128xf32, #tpu.memory_space<vmem>> -> memref<1x1x128xf32, #tpu.memory_space<vmem>>
        %dma_wait3A_117 = tpu.memref_squeeze %dma_wait3A_116 : memref<1x1x128xf32, #tpu.memory_space<vmem>> -> memref<128xf32, #tpu.memory_space<vmem>>
        %dma_wait3A_118 = arith.constant 9856 : i32
        %dma_wait3A_119 = tpu.memref_slice %arg12[%dma_wait3A_118] : memref<10112xf32, #tpu.memory_space<vmem_shared>> -> memref<128xf32, #tpu.memory_space<vmem_shared>>
        %dma_wait3A_120 = arith.constant 9856 : i32
        %dma_wait3A_121 = tpu.memref_slice %arg12[%dma_wait3A_120] : memref<10112xf32, #tpu.memory_space<vmem_shared>> -> memref<128xf32, #tpu.memory_space<vmem_shared>>
        %dma_wait3A_122 = arith.constant 0 : i32
        %dma_wait3A_123 = tpu.memref_slice %arg9[%run_scoped3A_102, %run_scoped3A_103, %dma_wait3A_122] : memref<3x128x128xf32, #tpu.memory_space<vmem>> -> memref<1x1x128xf32, #tpu.memory_space<vmem>>
        %dma_wait3A_124 = tpu.memref_squeeze %dma_wait3A_123 : memref<1x1x128xf32, #tpu.memory_space<vmem>> -> memref<128xf32, #tpu.memory_space<vmem>>
        tpu.wait_dma2 semaphore(%run_scoped3A_106 : memref<!tpu.dma_semaphore, #tpu.memory_space<semaphore_mem>>) src(%dma_wait3A_124 : memref<128xf32, #tpu.memory_space<vmem>>) dst(%dma_wait3A_121 : memref<128xf32, #tpu.memory_space<vmem_shared>>)
        tpu.yield
      }) : () -> ()
      %run_scoped3A_104 = arith.constant 0 : i32
      %run_scoped3A_105 = arith.constant 0 : i32
      "tpu.region"() ({
        %run_scoped3A_106 = tpu.sem_alloc : memref<!tpu.dma_semaphore, #tpu.memory_space<semaphore_mem>>
        %dma_start3A = arith.constant 0 : i32
        %dma_start3A_107 = tpu.memref_slice %arg9[%run_scoped3A_104, %run_scoped3A_105, %dma_start3A] : memref<3x128x128xf32, #tpu.memory_space<vmem>> -> memref<1x1x128xf32, #tpu.memory_space<vmem>>
        %dma_start3A_108 = tpu.memref_squeeze %dma_start3A_107 : memref<1x1x128xf32, #tpu.memory_space<vmem>> -> memref<128xf32, #tpu.memory_space<vmem>>
        %dma_start3A_109 = arith.constant 9984 : i32
        %dma_start3A_110 = tpu.memref_slice %arg12[%dma_start3A_109] : memref<10112xf32, #tpu.memory_space<vmem_shared>> -> memref<128xf32, #tpu.memory_space<vmem_shared>>
        %dma_start3A_111 = arith.constant 9984 : i32
        %dma_start3A_112 = tpu.memref_slice %arg12[%dma_start3A_111] : memref<10112xf32, #tpu.memory_space<vmem_shared>> -> memref<128xf32, #tpu.memory_space<vmem_shared>>
        %dma_start3A_113 = arith.constant 0 : i32
        %dma_start3A_114 = tpu.memref_slice %arg9[%run_scoped3A_104, %run_scoped3A_105, %dma_start3A_113] : memref<3x128x128xf32, #tpu.memory_space<vmem>> -> memref<1x1x128xf32, #tpu.memory_space<vmem>>
        %dma_start3A_115 = tpu.memref_squeeze %dma_start3A_114 : memref<1x1x128xf32, #tpu.memory_space<vmem>> -> memref<128xf32, #tpu.memory_space<vmem>>
        tpu.enqueue_dma source(%dma_start3A_115 : memref<128xf32, #tpu.memory_space<vmem>>) target(%dma_start3A_112 : memref<128xf32, #tpu.memory_space<vmem_shared>>) target_semaphore(%run_scoped3A_106 : memref<!tpu.dma_semaphore, #tpu.memory_space<semaphore_mem>>)
        %dma_wait3A = arith.constant 0 : i32
        %dma_wait3A_116 = tpu.memref_slice %arg9[%run_scoped3A_104, %run_scoped3A_105, %dma_wait3A] : memref<3x128x128xf32, #tpu.memory_space<vmem>> -> memref<1x1x128xf32, #tpu.memory_space<vmem>>
        %dma_wait3A_117 = tpu.memref_squeeze %dma_wait3A_116 : memref<1x1x128xf32, #tpu.memory_space<vmem>> -> memref<128xf32, #tpu.memory_space<vmem>>
        %dma_wait3A_118 = arith.constant 9984 : i32
        %dma_wait3A_119 = tpu.memref_slice %arg12[%dma_wait3A_118] : memref<10112xf32, #tpu.memory_space<vmem_shared>> -> memref<128xf32, #tpu.memory_space<vmem_shared>>
        %dma_wait3A_120 = arith.constant 9984 : i32
        %dma_wait3A_121 = tpu.memref_slice %arg12[%dma_wait3A_120] : memref<10112xf32, #tpu.memory_space<vmem_shared>> -> memref<128xf32, #tpu.memory_space<vmem_shared>>
        %dma_wait3A_122 = arith.constant 0 : i32
        %dma_wait3A_123 = tpu.memref_slice %arg9[%run_scoped3A_104, %run_scoped3A_105, %dma_wait3A_122] : memref<3x128x128xf32, #tpu.memory_space<vmem>> -> memref<1x1x128xf32, #tpu.memory_space<vmem>>
        %dma_wait3A_124 = tpu.memref_squeeze %dma_wait3A_123 : memref<1x1x128xf32, #tpu.memory_space<vmem>> -> memref<128xf32, #tpu.memory_space<vmem>>
        tpu.wait_dma2 semaphore(%run_scoped3A_106 : memref<!tpu.dma_semaphore, #tpu.memory_space<semaphore_mem>>) src(%dma_wait3A_124 : memref<128xf32, #tpu.memory_space<vmem>>) dst(%dma_wait3A_121 : memref<128xf32, #tpu.memory_space<vmem_shared>>)
        tpu.yield
      }) : () -> ()
    } else {
    }
    %barrier3A = arith.constant 0 : index
    tpu.barrier barrier_id(%barrier3A)
    %mul3A_74 = arith.constant 80 : i32
    %mul3A_75 = arith.muli %add3A, %mul3A_74 : i32
    %scan3A_76 = arith.constant 0 : i32
    %scan3A_77 = arith.constant 0 : i32
    %scan3A_78 = arith.constant 20 : i32
    %scan3A_79 = arith.addi %scan3A_77, %scan3A_78 : i32
    %scan3A_80 = arith.constant 1 : i32
    scf.for %scan3A_98 = %scan3A_77 to %scan3A_79 step %scan3A_80  : i32 {
      %mul3A_99 = arith.constant 4 : i32
      %mul3A_100 = arith.muli %scan3A_98, %mul3A_99 : i32
      %add3A_101 = arith.addi %mul3A_75, %mul3A_100 : i32
      "tpu.region"() ({
        %run_scoped3A_296 = tpu.sem_alloc : memref<!tpu.dma_semaphore, #tpu.memory_space<semaphore_mem>>
        %dma_start3A_297 = arith.constant 0 : i32
        %dma_start3A_298 = tpu.memref_slice %arg3[%add3A_101, %dma_start3A_297] : memref<2560x128xi32, #tpu.memory_space<hbm>> -> memref<4x128xi32, #tpu.memory_space<hbm>>
        %dma_start3A_299 = arith.constant 0 : i32
        %dma_start3A_300 = tpu.memref_slice %arg3[%add3A_101, %dma_start3A_299] : memref<2560x128xi32, #tpu.memory_space<hbm>> -> memref<4x128xi32, #tpu.memory_space<hbm>>
        tpu.enqueue_dma source(%dma_start3A_300 : memref<4x128xi32, #tpu.memory_space<hbm>>) target(%arg7 : memref<4x128xi32, #tpu.memory_space<vmem>>) target_semaphore(%run_scoped3A_296 : memref<!tpu.dma_semaphore, #tpu.memory_space<semaphore_mem>>)
        %dma_wait3A_301 = arith.constant 0 : i32
        %dma_wait3A_302 = tpu.memref_slice %arg3[%add3A_101, %dma_wait3A_301] : memref<2560x128xi32, #tpu.memory_space<hbm>> -> memref<4x128xi32, #tpu.memory_space<hbm>>
        %dma_wait3A_303 = arith.constant 0 : i32
        %dma_wait3A_304 = tpu.memref_slice %arg3[%add3A_101, %dma_wait3A_303] : memref<2560x128xi32, #tpu.memory_space<hbm>> -> memref<4x128xi32, #tpu.memory_space<hbm>>
        tpu.wait_dma2 semaphore(%run_scoped3A_296 : memref<!tpu.dma_semaphore, #tpu.memory_space<semaphore_mem>>) src(%dma_wait3A_304 : memref<4x128xi32, #tpu.memory_space<hbm>>) dst(%arg7 : memref<4x128xi32, #tpu.memory_space<vmem>>)
        tpu.yield
      }) : () -> ()
      "tpu.region"() ({
        %run_scoped3A_296 = tpu.sem_alloc : memref<!tpu.dma_semaphore, #tpu.memory_space<semaphore_mem>>
        %dma_start3A_297 = arith.constant 0 : i32
        %dma_start3A_298 = tpu.memref_slice %arg4[%add3A_101, %dma_start3A_297] : memref<2560x128xi32, #tpu.memory_space<hbm>> -> memref<4x128xi32, #tpu.memory_space<hbm>>
        %dma_start3A_299 = arith.constant 0 : i32
        %dma_start3A_300 = tpu.memref_slice %arg4[%add3A_101, %dma_start3A_299] : memref<2560x128xi32, #tpu.memory_space<hbm>> -> memref<4x128xi32, #tpu.memory_space<hbm>>
        tpu.enqueue_dma source(%dma_start3A_300 : memref<4x128xi32, #tpu.memory_space<hbm>>) target(%arg8 : memref<4x128xi32, #tpu.memory_space<vmem>>) target_semaphore(%run_scoped3A_296 : memref<!tpu.dma_semaphore, #tpu.memory_space<semaphore_mem>>)
        %dma_wait3A_301 = arith.constant 0 : i32
        %dma_wait3A_302 = tpu.memref_slice %arg4[%add3A_101, %dma_wait3A_301] : memref<2560x128xi32, #tpu.memory_space<hbm>> -> memref<4x128xi32, #tpu.memory_space<hbm>>
        %dma_wait3A_303 = arith.constant 0 : i32
        %dma_wait3A_304 = tpu.memref_slice %arg4[%add3A_101, %dma_wait3A_303] : memref<2560x128xi32, #tpu.memory_space<hbm>> -> memref<4x128xi32, #tpu.memory_space<hbm>>
        tpu.wait_dma2 semaphore(%run_scoped3A_296 : memref<!tpu.dma_semaphore, #tpu.memory_space<semaphore_mem>>) src(%dma_wait3A_304 : memref<4x128xi32, #tpu.memory_space<hbm>>) dst(%arg8 : memref<4x128xi32, #tpu.memory_space<vmem>>)
        tpu.yield
      }) : () -> ()
      %dma_start3A = arith.constant 0 : i32
      %dma_start3A_102 = arith.constant 0 : i32
      %dma_start3A_103 = arith.constant 0 : i32
      %dma_start3A_104 = arith.constant 0 : i32
      %dma_start3A_105 = tpu.memref_slice %arg9[%dma_start3A_102, %dma_start3A_103, %dma_start3A_104] : memref<3x128x128xf32, #tpu.memory_space<vmem>> -> memref<1x128x128xf32, #tpu.memory_space<vmem>>
      %dma_start3A_106 = tpu.memref_squeeze %dma_start3A_105 : memref<1x128x128xf32, #tpu.memory_space<vmem>> -> memref<128x128xf32, #tpu.memory_space<vmem>>
      %dma_start3A_107 = arith.constant 0 : i32
      %dma_start3A_108 = tpu.memref_slice %arg7[%dma_start3A, %dma_start3A_107] : memref<4x128xi32, #tpu.memory_space<vmem>> -> memref<1x128xi32, #tpu.memory_space<vmem>>
      %dma_start3A_109 = tpu.memref_squeeze %dma_start3A_108 : memref<1x128xi32, #tpu.memory_space<vmem>> -> memref<128xi32, #tpu.memory_space<vmem>>
      %dma_start3A_110 = arith.constant 0 : i32
      %dma_start3A_111 = arith.constant 0 : i32
      %dma_start3A_112 = tpu.memref_slice %arg2[%dma_start3A_110, %dma_start3A_111] : memref<10008x128xf32, #tpu.memory_space<hbm>> -> memref<10008x128xf32, #tpu.memory_space<hbm>>
      tpu.enqueue_indirect_dma source(%dma_start3A_112 : memref<10008x128xf32, #tpu.memory_space<hbm>>) target(%dma_start3A_106 : memref<128x128xf32, #tpu.memory_space<vmem>>) offsets(%dma_start3A_109 : memref<128xi32, #tpu.memory_space<vmem>>) semaphore(%arg13 : memref<!tpu.dma_semaphore, #tpu.memory_space<semaphore_mem>>)
      %dma_start3A_113 = arith.constant 1 : i32
      %dma_start3A_114 = arith.constant 1 : i32
      %dma_start3A_115 = arith.constant 0 : i32
      %dma_start3A_116 = arith.constant 0 : i32
      %dma_start3A_117 = tpu.memref_slice %arg9[%dma_start3A_114, %dma_start3A_115, %dma_start3A_116] : memref<3x128x128xf32, #tpu.memory_space<vmem>> -> memref<1x128x128xf32, #tpu.memory_space<vmem>>
      %dma_start3A_118 = tpu.memref_squeeze %dma_start3A_117 : memref<1x128x128xf32, #tpu.memory_space<vmem>> -> memref<128x128xf32, #tpu.memory_space<vmem>>
      %dma_start3A_119 = arith.constant 0 : i32
      %dma_start3A_120 = tpu.memref_slice %arg7[%dma_start3A_113, %dma_start3A_119] : memref<4x128xi32, #tpu.memory_space<vmem>> -> memref<1x128xi32, #tpu.memory_space<vmem>>
      %dma_start3A_121 = tpu.memref_squeeze %dma_start3A_120 : memref<1x128xi32, #tpu.memory_space<vmem>> -> memref<128xi32, #tpu.memory_space<vmem>>
      %dma_start3A_122 = arith.constant 0 : i32
      %dma_start3A_123 = arith.constant 0 : i32
      %dma_start3A_124 = tpu.memref_slice %arg2[%dma_start3A_122, %dma_start3A_123] : memref<10008x128xf32, #tpu.memory_space<hbm>> -> memref<10008x128xf32, #tpu.memory_space<hbm>>
      tpu.enqueue_indirect_dma source(%dma_start3A_124 : memref<10008x128xf32, #tpu.memory_space<hbm>>) target(%dma_start3A_118 : memref<128x128xf32, #tpu.memory_space<vmem>>) offsets(%dma_start3A_121 : memref<128xi32, #tpu.memory_space<vmem>>) semaphore(%arg14 : memref<!tpu.dma_semaphore, #tpu.memory_space<semaphore_mem>>)
      %dma_wait3A = arith.constant 0 : i32
      %dma_wait3A_125 = arith.constant 0 : i32
      %dma_wait3A_126 = arith.constant 0 : i32
      %dma_wait3A_127 = arith.constant 0 : i32
      %dma_wait3A_128 = tpu.memref_slice %arg9[%dma_wait3A_125, %dma_wait3A_126, %dma_wait3A_127] : memref<3x128x128xf32, #tpu.memory_space<vmem>> -> memref<1x128x128xf32, #tpu.memory_space<vmem>>
      %dma_wait3A_129 = tpu.memref_squeeze %dma_wait3A_128 : memref<1x128x128xf32, #tpu.memory_space<vmem>> -> memref<128x128xf32, #tpu.memory_space<vmem>>
      %dma_wait3A_130 = arith.constant 0 : i32
      %dma_wait3A_131 = tpu.memref_slice %arg7[%dma_wait3A, %dma_wait3A_130] : memref<4x128xi32, #tpu.memory_space<vmem>> -> memref<1x128xi32, #tpu.memory_space<vmem>>
      %dma_wait3A_132 = tpu.memref_squeeze %dma_wait3A_131 : memref<1x128xi32, #tpu.memory_space<vmem>> -> memref<128xi32, #tpu.memory_space<vmem>>
      %dma_wait3A_133 = arith.constant 0 : i32
      %dma_wait3A_134 = arith.constant 0 : i32
      %dma_wait3A_135 = tpu.memref_slice %arg2[%dma_wait3A_133, %dma_wait3A_134] : memref<10008x128xf32, #tpu.memory_space<hbm>> -> memref<10008x128xf32, #tpu.memory_space<hbm>>
      tpu.wait_indirect_dma semaphore(%arg13 : memref<!tpu.dma_semaphore, #tpu.memory_space<semaphore_mem>>) src(%dma_wait3A_135 : memref<10008x128xf32, #tpu.memory_space<hbm>>) dst(%dma_wait3A_129 : memref<128x128xf32, #tpu.memory_space<vmem>>)
      %dma_start3A_136 = arith.constant 0 : i32
      %dma_start3A_137 = arith.constant 0 : i32
      %dma_start3A_138 = arith.constant 0 : i32
      %dma_start3A_139 = arith.constant 0 : i32
      %dma_start3A_140 = tpu.memref_slice %arg9[%dma_start3A_136, %dma_start3A_138, %dma_start3A_139] : memref<3x128x128xf32, #tpu.memory_space<vmem>> -> memref<1x128x128xf32, #tpu.memory_space<vmem>>
      %dma_start3A_141 = tpu.memref_squeeze %dma_start3A_140 : memref<1x128x128xf32, #tpu.memory_space<vmem>> -> memref<128x128xf32, #tpu.memory_space<vmem>>
      %dma_start3A_142 = arith.constant 0 : i32
      %dma_start3A_143 = tpu.memref_slice %arg8[%dma_start3A_137, %dma_start3A_142] : memref<4x128xi32, #tpu.memory_space<vmem>> -> memref<1x128xi32, #tpu.memory_space<vmem>>
      %dma_start3A_144 = tpu.memref_squeeze %dma_start3A_143 : memref<1x128xi32, #tpu.memory_space<vmem>> -> memref<128xi32, #tpu.memory_space<vmem>>
      %dma_start3A_145 = arith.constant 0 : i32
      %dma_start3A_146 = arith.constant 0 : i32
      %dma_start3A_147 = tpu.memref_slice %arg11[%dma_start3A_145, %dma_start3A_146] : memref<10008x128xf32, #tpu.memory_space<vmem_shared>> -> memref<10008x128xf32, #tpu.memory_space<vmem_shared>>
      tpu.enqueue_indirect_dma source(%dma_start3A_141 : memref<128x128xf32, #tpu.memory_space<vmem>>) target(%dma_start3A_147 : memref<10008x128xf32, #tpu.memory_space<vmem_shared>>) offsets(%dma_start3A_144 : memref<128xi32, #tpu.memory_space<vmem>>) semaphore(%arg16 : memref<!tpu.dma_semaphore, #tpu.memory_space<semaphore_mem>>) {add = true}
      %run_scoped3A_148 = arith.constant 0 : i32
      "tpu.region"() ({
        %run_scoped3A_296 = tpu.sem_alloc : memref<!tpu.dma_semaphore, #tpu.memory_space<semaphore_mem>>
        %dma_start3A_297 = arith.constant 0 : i32
        %dma_start3A_298 = tpu.memref_slice %arg8[%run_scoped3A_148, %dma_start3A_297] : memref<4x128xi32, #tpu.memory_space<vmem>> -> memref<1x128xi32, #tpu.memory_space<vmem>>
        %dma_start3A_299 = tpu.memref_squeeze %dma_start3A_298 : memref<1x128xi32, #tpu.memory_space<vmem>> -> memref<128xi32, #tpu.memory_space<vmem>>
        %dma_start3A_300 = arith.constant 0 : i32
        %dma_start3A_301 = tpu.memref_slice %arg12[%dma_start3A_300] : memref<10112xf32, #tpu.memory_space<vmem_shared>> -> memref<10112xf32, #tpu.memory_space<vmem_shared>>
        tpu.enqueue_indirect_dma source(%arg10 : memref<128xf32, #tpu.memory_space<vmem>>) target(%dma_start3A_301 : memref<10112xf32, #tpu.memory_space<vmem_shared>>) offsets(%dma_start3A_299 : memref<128xi32, #tpu.memory_space<vmem>>) semaphore(%run_scoped3A_296 : memref<!tpu.dma_semaphore, #tpu.memory_space<semaphore_mem>>) {add = true}
        %dma_wait3A_302 = arith.constant 0 : i32
        %dma_wait3A_303 = tpu.memref_slice %arg8[%run_scoped3A_148, %dma_wait3A_302] : memref<4x128xi32, #tpu.memory_space<vmem>> -> memref<1x128xi32, #tpu.memory_space<vmem>>
        %dma_wait3A_304 = tpu.memref_squeeze %dma_wait3A_303 : memref<1x128xi32, #tpu.memory_space<vmem>> -> memref<128xi32, #tpu.memory_space<vmem>>
        %dma_wait3A_305 = arith.constant 0 : i32
        %dma_wait3A_306 = tpu.memref_slice %arg12[%dma_wait3A_305] : memref<10112xf32, #tpu.memory_space<vmem_shared>> -> memref<10112xf32, #tpu.memory_space<vmem_shared>>
        tpu.wait_indirect_dma semaphore(%run_scoped3A_296 : memref<!tpu.dma_semaphore, #tpu.memory_space<semaphore_mem>>) src(%arg10 : memref<128xf32, #tpu.memory_space<vmem>>) dst(%dma_wait3A_306 : memref<10112xf32, #tpu.memory_space<vmem_shared>>)
        tpu.yield
      }) : () -> ()
      %dma_start3A_149 = arith.constant 2 : i32
      %dma_start3A_150 = arith.constant 2 : i32
      %dma_start3A_151 = arith.constant 0 : i32
      %dma_start3A_152 = arith.constant 0 : i32
      %dma_start3A_153 = tpu.memref_slice %arg9[%dma_start3A_150, %dma_start3A_151, %dma_start3A_152] : memref<3x128x128xf32, #tpu.memory_space<vmem>> -> memref<1x128x128xf32, #tpu.memory_space<vmem>>
      %dma_start3A_154 = tpu.memref_squeeze %dma_start3A_153 : memref<1x128x128xf32, #tpu.memory_space<vmem>> -> memref<128x128xf32, #tpu.memory_space<vmem>>
      %dma_start3A_155 = arith.constant 0 : i32
      %dma_start3A_156 = tpu.memref_slice %arg7[%dma_start3A_149, %dma_start3A_155] : memref<4x128xi32, #tpu.memory_space<vmem>> -> memref<1x128xi32, #tpu.memory_space<vmem>>
      %dma_start3A_157 = tpu.memref_squeeze %dma_start3A_156 : memref<1x128xi32, #tpu.memory_space<vmem>> -> memref<128xi32, #tpu.memory_space<vmem>>
      %dma_start3A_158 = arith.constant 0 : i32
      %dma_start3A_159 = arith.constant 0 : i32
      %dma_start3A_160 = tpu.memref_slice %arg2[%dma_start3A_158, %dma_start3A_159] : memref<10008x128xf32, #tpu.memory_space<hbm>> -> memref<10008x128xf32, #tpu.memory_space<hbm>>
      tpu.enqueue_indirect_dma source(%dma_start3A_160 : memref<10008x128xf32, #tpu.memory_space<hbm>>) target(%dma_start3A_154 : memref<128x128xf32, #tpu.memory_space<vmem>>) offsets(%dma_start3A_157 : memref<128xi32, #tpu.memory_space<vmem>>) semaphore(%arg15 : memref<!tpu.dma_semaphore, #tpu.memory_space<semaphore_mem>>)
      %dma_wait3A_161 = arith.constant 1 : i32
      %dma_wait3A_162 = arith.constant 1 : i32
      %dma_wait3A_163 = arith.constant 0 : i32
      %dma_wait3A_164 = arith.constant 0 : i32
      %dma_wait3A_165 = tpu.memref_slice %arg9[%dma_wait3A_162, %dma_wait3A_163, %dma_wait3A_164] : memref<3x128x128xf32, #tpu.memory_space<vmem>> -> memref<1x128x128xf32, #tpu.memory_space<vmem>>
      %dma_wait3A_166 = tpu.memref_squeeze %dma_wait3A_165 : memref<1x128x128xf32, #tpu.memory_space<vmem>> -> memref<128x128xf32, #tpu.memory_space<vmem>>
      %dma_wait3A_167 = arith.constant 0 : i32
      %dma_wait3A_168 = tpu.memref_slice %arg7[%dma_wait3A_161, %dma_wait3A_167] : memref<4x128xi32, #tpu.memory_space<vmem>> -> memref<1x128xi32, #tpu.memory_space<vmem>>
      %dma_wait3A_169 = tpu.memref_squeeze %dma_wait3A_168 : memref<1x128xi32, #tpu.memory_space<vmem>> -> memref<128xi32, #tpu.memory_space<vmem>>
      %dma_wait3A_170 = arith.constant 0 : i32
      %dma_wait3A_171 = arith.constant 0 : i32
      %dma_wait3A_172 = tpu.memref_slice %arg2[%dma_wait3A_170, %dma_wait3A_171] : memref<10008x128xf32, #tpu.memory_space<hbm>> -> memref<10008x128xf32, #tpu.memory_space<hbm>>
      tpu.wait_indirect_dma semaphore(%arg14 : memref<!tpu.dma_semaphore, #tpu.memory_space<semaphore_mem>>) src(%dma_wait3A_172 : memref<10008x128xf32, #tpu.memory_space<hbm>>) dst(%dma_wait3A_166 : memref<128x128xf32, #tpu.memory_space<vmem>>)
      %dma_start3A_173 = arith.constant 1 : i32
      %dma_start3A_174 = arith.constant 1 : i32
      %dma_start3A_175 = arith.constant 0 : i32
      %dma_start3A_176 = arith.constant 0 : i32
      %dma_start3A_177 = tpu.memref_slice %arg9[%dma_start3A_173, %dma_start3A_175, %dma_start3A_176] : memref<3x128x128xf32, #tpu.memory_space<vmem>> -> memref<1x128x128xf32, #tpu.memory_space<vmem>>
      %dma_start3A_178 = tpu.memref_squeeze %dma_start3A_177 : memref<1x128x128xf32, #tpu.memory_space<vmem>> -> memref<128x128xf32, #tpu.memory_space<vmem>>
      %dma_start3A_179 = arith.constant 0 : i32
      %dma_start3A_180 = tpu.memref_slice %arg8[%dma_start3A_174, %dma_start3A_179] : memref<4x128xi32, #tpu.memory_space<vmem>> -> memref<1x128xi32, #tpu.memory_space<vmem>>
      %dma_start3A_181 = tpu.memref_squeeze %dma_start3A_180 : memref<1x128xi32, #tpu.memory_space<vmem>> -> memref<128xi32, #tpu.memory_space<vmem>>
      %dma_start3A_182 = arith.constant 0 : i32
      %dma_start3A_183 = arith.constant 0 : i32
      %dma_start3A_184 = tpu.memref_slice %arg11[%dma_start3A_182, %dma_start3A_183] : memref<10008x128xf32, #tpu.memory_space<vmem_shared>> -> memref<10008x128xf32, #tpu.memory_space<vmem_shared>>
      tpu.enqueue_indirect_dma source(%dma_start3A_178 : memref<128x128xf32, #tpu.memory_space<vmem>>) target(%dma_start3A_184 : memref<10008x128xf32, #tpu.memory_space<vmem_shared>>) offsets(%dma_start3A_181 : memref<128xi32, #tpu.memory_space<vmem>>) semaphore(%arg17 : memref<!tpu.dma_semaphore, #tpu.memory_space<semaphore_mem>>) {add = true}
      %run_scoped3A_185 = arith.constant 1 : i32
      "tpu.region"() ({
        %run_scoped3A_296 = tpu.sem_alloc : memref<!tpu.dma_semaphore, #tpu.memory_space<semaphore_mem>>
        %dma_start3A_297 = arith.constant 0 : i32
        %dma_start3A_298 = tpu.memref_slice %arg8[%run_scoped3A_185, %dma_start3A_297] : memref<4x128xi32, #tpu.memory_space<vmem>> -> memref<1x128xi32, #tpu.memory_space<vmem>>
        %dma_start3A_299 = tpu.memref_squeeze %dma_start3A_298 : memref<1x128xi32, #tpu.memory_space<vmem>> -> memref<128xi32, #tpu.memory_space<vmem>>
        %dma_start3A_300 = arith.constant 0 : i32
        %dma_start3A_301 = tpu.memref_slice %arg12[%dma_start3A_300] : memref<10112xf32, #tpu.memory_space<vmem_shared>> -> memref<10112xf32, #tpu.memory_space<vmem_shared>>
        tpu.enqueue_indirect_dma source(%arg10 : memref<128xf32, #tpu.memory_space<vmem>>) target(%dma_start3A_301 : memref<10112xf32, #tpu.memory_space<vmem_shared>>) offsets(%dma_start3A_299 : memref<128xi32, #tpu.memory_space<vmem>>) semaphore(%run_scoped3A_296 : memref<!tpu.dma_semaphore, #tpu.memory_space<semaphore_mem>>) {add = true}
        %dma_wait3A_302 = arith.constant 0 : i32
        %dma_wait3A_303 = tpu.memref_slice %arg8[%run_scoped3A_185, %dma_wait3A_302] : memref<4x128xi32, #tpu.memory_space<vmem>> -> memref<1x128xi32, #tpu.memory_space<vmem>>
        %dma_wait3A_304 = tpu.memref_squeeze %dma_wait3A_303 : memref<1x128xi32, #tpu.memory_space<vmem>> -> memref<128xi32, #tpu.memory_space<vmem>>
        %dma_wait3A_305 = arith.constant 0 : i32
        %dma_wait3A_306 = tpu.memref_slice %arg12[%dma_wait3A_305] : memref<10112xf32, #tpu.memory_space<vmem_shared>> -> memref<10112xf32, #tpu.memory_space<vmem_shared>>
        tpu.wait_indirect_dma semaphore(%run_scoped3A_296 : memref<!tpu.dma_semaphore, #tpu.memory_space<semaphore_mem>>) src(%arg10 : memref<128xf32, #tpu.memory_space<vmem>>) dst(%dma_wait3A_306 : memref<10112xf32, #tpu.memory_space<vmem_shared>>)
        tpu.yield
      }) : () -> ()
      %dma_wait3A_186 = arith.constant 0 : i32
      %dma_wait3A_187 = arith.constant 0 : i32
      %dma_wait3A_188 = arith.constant 0 : i32
      %dma_wait3A_189 = arith.constant 0 : i32
      %dma_wait3A_190 = tpu.memref_slice %arg9[%dma_wait3A_186, %dma_wait3A_188, %dma_wait3A_189] : memref<3x128x128xf32, #tpu.memory_space<vmem>> -> memref<1x128x128xf32, #tpu.memory_space<vmem>>
      %dma_wait3A_191 = tpu.memref_squeeze %dma_wait3A_190 : memref<1x128x128xf32, #tpu.memory_space<vmem>> -> memref<128x128xf32, #tpu.memory_space<vmem>>
      %dma_wait3A_192 = arith.constant 0 : i32
      %dma_wait3A_193 = tpu.memref_slice %arg8[%dma_wait3A_187, %dma_wait3A_192] : memref<4x128xi32, #tpu.memory_space<vmem>> -> memref<1x128xi32, #tpu.memory_space<vmem>>
      %dma_wait3A_194 = tpu.memref_squeeze %dma_wait3A_193 : memref<1x128xi32, #tpu.memory_space<vmem>> -> memref<128xi32, #tpu.memory_space<vmem>>
      %dma_wait3A_195 = arith.constant 0 : i32
      %dma_wait3A_196 = arith.constant 0 : i32
      %dma_wait3A_197 = tpu.memref_slice %arg11[%dma_wait3A_195, %dma_wait3A_196] : memref<10008x128xf32, #tpu.memory_space<vmem_shared>> -> memref<10008x128xf32, #tpu.memory_space<vmem_shared>>
      tpu.wait_indirect_dma semaphore(%arg16 : memref<!tpu.dma_semaphore, #tpu.memory_space<semaphore_mem>>) src(%dma_wait3A_191 : memref<128x128xf32, #tpu.memory_space<vmem>>) dst(%dma_wait3A_197 : memref<10008x128xf32, #tpu.memory_space<vmem_shared>>)
      %dma_start3A_198 = arith.constant 3 : i32
      %dma_start3A_199 = arith.constant 0 : i32
      %dma_start3A_200 = arith.constant 0 : i32
      %dma_start3A_201 = arith.constant 0 : i32
      %dma_start3A_202 = tpu.memref_slice %arg9[%dma_start3A_199, %dma_start3A_200, %dma_start3A_201] : memref<3x128x128xf32, #tpu.memory_space<vmem>> -> memref<1x128x128xf32, #tpu.memory_space<vmem>>
      %dma_start3A_203 = tpu.memref_squeeze %dma_start3A_202 : memref<1x128x128xf32, #tpu.memory_space<vmem>> -> memref<128x128xf32, #tpu.memory_space<vmem>>
      %dma_start3A_204 = arith.constant 0 : i32
      %dma_start3A_205 = tpu.memref_slice %arg7[%dma_start3A_198, %dma_start3A_204] : memref<4x128xi32, #tpu.memory_space<vmem>> -> memref<1x128xi32, #tpu.memory_space<vmem>>
      %dma_start3A_206 = tpu.memref_squeeze %dma_start3A_205 : memref<1x128xi32, #tpu.memory_space<vmem>> -> memref<128xi32, #tpu.memory_space<vmem>>
      %dma_start3A_207 = arith.constant 0 : i32
      %dma_start3A_208 = arith.constant 0 : i32
      %dma_start3A_209 = tpu.memref_slice %arg2[%dma_start3A_207, %dma_start3A_208] : memref<10008x128xf32, #tpu.memory_space<hbm>> -> memref<10008x128xf32, #tpu.memory_space<hbm>>
      tpu.enqueue_indirect_dma source(%dma_start3A_209 : memref<10008x128xf32, #tpu.memory_space<hbm>>) target(%dma_start3A_203 : memref<128x128xf32, #tpu.memory_space<vmem>>) offsets(%dma_start3A_206 : memref<128xi32, #tpu.memory_space<vmem>>) semaphore(%arg13 : memref<!tpu.dma_semaphore, #tpu.memory_space<semaphore_mem>>)
      %dma_wait3A_210 = arith.constant 2 : i32
      %dma_wait3A_211 = arith.constant 2 : i32
      %dma_wait3A_212 = arith.constant 0 : i32
      %dma_wait3A_213 = arith.constant 0 : i32
      %dma_wait3A_214 = tpu.memref_slice %arg9[%dma_wait3A_211, %dma_wait3A_212, %dma_wait3A_213] : memref<3x128x128xf32, #tpu.memory_space<vmem>> -> memref<1x128x128xf32, #tpu.memory_space<vmem>>
      %dma_wait3A_215 = tpu.memref_squeeze %dma_wait3A_214 : memref<1x128x128xf32, #tpu.memory_space<vmem>> -> memref<128x128xf32, #tpu.memory_space<vmem>>
      %dma_wait3A_216 = arith.constant 0 : i32
      %dma_wait3A_217 = tpu.memref_slice %arg7[%dma_wait3A_210, %dma_wait3A_216] : memref<4x128xi32, #tpu.memory_space<vmem>> -> memref<1x128xi32, #tpu.memory_space<vmem>>
      %dma_wait3A_218 = tpu.memref_squeeze %dma_wait3A_217 : memref<1x128xi32, #tpu.memory_space<vmem>> -> memref<128xi32, #tpu.memory_space<vmem>>
      %dma_wait3A_219 = arith.constant 0 : i32
      %dma_wait3A_220 = arith.constant 0 : i32
      %dma_wait3A_221 = tpu.memref_slice %arg2[%dma_wait3A_219, %dma_wait3A_220] : memref<10008x128xf32, #tpu.memory_space<hbm>> -> memref<10008x128xf32, #tpu.memory_space<hbm>>
      tpu.wait_indirect_dma semaphore(%arg15 : memref<!tpu.dma_semaphore, #tpu.memory_space<semaphore_mem>>) src(%dma_wait3A_221 : memref<10008x128xf32, #tpu.memory_space<hbm>>) dst(%dma_wait3A_215 : memref<128x128xf32, #tpu.memory_space<vmem>>)
      %dma_start3A_222 = arith.constant 2 : i32
      %dma_start3A_223 = arith.constant 2 : i32
      %dma_start3A_224 = arith.constant 0 : i32
      %dma_start3A_225 = arith.constant 0 : i32
      %dma_start3A_226 = tpu.memref_slice %arg9[%dma_start3A_222, %dma_start3A_224, %dma_start3A_225] : memref<3x128x128xf32, #tpu.memory_space<vmem>> -> memref<1x128x128xf32, #tpu.memory_space<vmem>>
      %dma_start3A_227 = tpu.memref_squeeze %dma_start3A_226 : memref<1x128x128xf32, #tpu.memory_space<vmem>> -> memref<128x128xf32, #tpu.memory_space<vmem>>
      %dma_start3A_228 = arith.constant 0 : i32
      %dma_start3A_229 = tpu.memref_slice %arg8[%dma_start3A_223, %dma_start3A_228] : memref<4x128xi32, #tpu.memory_space<vmem>> -> memref<1x128xi32, #tpu.memory_space<vmem>>
      %dma_start3A_230 = tpu.memref_squeeze %dma_start3A_229 : memref<1x128xi32, #tpu.memory_space<vmem>> -> memref<128xi32, #tpu.memory_space<vmem>>
      %dma_start3A_231 = arith.constant 0 : i32
      %dma_start3A_232 = arith.constant 0 : i32
      %dma_start3A_233 = tpu.memref_slice %arg11[%dma_start3A_231, %dma_start3A_232] : memref<10008x128xf32, #tpu.memory_space<vmem_shared>> -> memref<10008x128xf32, #tpu.memory_space<vmem_shared>>
      tpu.enqueue_indirect_dma source(%dma_start3A_227 : memref<128x128xf32, #tpu.memory_space<vmem>>) target(%dma_start3A_233 : memref<10008x128xf32, #tpu.memory_space<vmem_shared>>) offsets(%dma_start3A_230 : memref<128xi32, #tpu.memory_space<vmem>>) semaphore(%arg18 : memref<!tpu.dma_semaphore, #tpu.memory_space<semaphore_mem>>) {add = true}
      %run_scoped3A_234 = arith.constant 2 : i32
      "tpu.region"() ({
        %run_scoped3A_296 = tpu.sem_alloc : memref<!tpu.dma_semaphore, #tpu.memory_space<semaphore_mem>>
        %dma_start3A_297 = arith.constant 0 : i32
        %dma_start3A_298 = tpu.memref_slice %arg8[%run_scoped3A_234, %dma_start3A_297] : memref<4x128xi32, #tpu.memory_space<vmem>> -> memref<1x128xi32, #tpu.memory_space<vmem>>
        %dma_start3A_299 = tpu.memref_squeeze %dma_start3A_298 : memref<1x128xi32, #tpu.memory_space<vmem>> -> memref<128xi32, #tpu.memory_space<vmem>>
        %dma_start3A_300 = arith.constant 0 : i32
        %dma_start3A_301 = tpu.memref_slice %arg12[%dma_start3A_300] : memref<10112xf32, #tpu.memory_space<vmem_shared>> -> memref<10112xf32, #tpu.memory_space<vmem_shared>>
        tpu.enqueue_indirect_dma source(%arg10 : memref<128xf32, #tpu.memory_space<vmem>>) target(%dma_start3A_301 : memref<10112xf32, #tpu.memory_space<vmem_shared>>) offsets(%dma_start3A_299 : memref<128xi32, #tpu.memory_space<vmem>>) semaphore(%run_scoped3A_296 : memref<!tpu.dma_semaphore, #tpu.memory_space<semaphore_mem>>) {add = true}
        %dma_wait3A_302 = arith.constant 0 : i32
        %dma_wait3A_303 = tpu.memref_slice %arg8[%run_scoped3A_234, %dma_wait3A_302] : memref<4x128xi32, #tpu.memory_space<vmem>> -> memref<1x128xi32, #tpu.memory_space<vmem>>
        %dma_wait3A_304 = tpu.memref_squeeze %dma_wait3A_303 : memref<1x128xi32, #tpu.memory_space<vmem>> -> memref<128xi32, #tpu.memory_space<vmem>>
        %dma_wait3A_305 = arith.constant 0 : i32
        %dma_wait3A_306 = tpu.memref_slice %arg12[%dma_wait3A_305] : memref<10112xf32, #tpu.memory_space<vmem_shared>> -> memref<10112xf32, #tpu.memory_space<vmem_shared>>
        tpu.wait_indirect_dma semaphore(%run_scoped3A_296 : memref<!tpu.dma_semaphore, #tpu.memory_space<semaphore_mem>>) src(%arg10 : memref<128xf32, #tpu.memory_space<vmem>>) dst(%dma_wait3A_306 : memref<10112xf32, #tpu.memory_space<vmem_shared>>)
        tpu.yield
      }) : () -> ()
      %dma_wait3A_235 = arith.constant 1 : i32
      %dma_wait3A_236 = arith.constant 1 : i32
      %dma_wait3A_237 = arith.constant 0 : i32
      %dma_wait3A_238 = arith.constant 0 : i32
      %dma_wait3A_239 = tpu.memref_slice %arg9[%dma_wait3A_235, %dma_wait3A_237, %dma_wait3A_238] : memref<3x128x128xf32, #tpu.memory_space<vmem>> -> memref<1x128x128xf32, #tpu.memory_space<vmem>>
      %dma_wait3A_240 = tpu.memref_squeeze %dma_wait3A_239 : memref<1x128x128xf32, #tpu.memory_space<vmem>> -> memref<128x128xf32, #tpu.memory_space<vmem>>
      %dma_wait3A_241 = arith.constant 0 : i32
      %dma_wait3A_242 = tpu.memref_slice %arg8[%dma_wait3A_236, %dma_wait3A_241] : memref<4x128xi32, #tpu.memory_space<vmem>> -> memref<1x128xi32, #tpu.memory_space<vmem>>
      %dma_wait3A_243 = tpu.memref_squeeze %dma_wait3A_242 : memref<1x128xi32, #tpu.memory_space<vmem>> -> memref<128xi32, #tpu.memory_space<vmem>>
      %dma_wait3A_244 = arith.constant 0 : i32
      %dma_wait3A_245 = arith.constant 0 : i32
      %dma_wait3A_246 = tpu.memref_slice %arg11[%dma_wait3A_244, %dma_wait3A_245] : memref<10008x128xf32, #tpu.memory_space<vmem_shared>> -> memref<10008x128xf32, #tpu.memory_space<vmem_shared>>
      tpu.wait_indirect_dma semaphore(%arg17 : memref<!tpu.dma_semaphore, #tpu.memory_space<semaphore_mem>>) src(%dma_wait3A_240 : memref<128x128xf32, #tpu.memory_space<vmem>>) dst(%dma_wait3A_246 : memref<10008x128xf32, #tpu.memory_space<vmem_shared>>)
      %dma_wait3A_247 = arith.constant 3 : i32
      %dma_wait3A_248 = arith.constant 0 : i32
      %dma_wait3A_249 = arith.constant 0 : i32
      %dma_wait3A_250 = arith.constant 0 : i32
      %dma_wait3A_251 = tpu.memref_slice %arg9[%dma_wait3A_248, %dma_wait3A_249, %dma_wait3A_250] : memref<3x128x128xf32, #tpu.memory_space<vmem>> -> memref<1x128x128xf32, #tpu.memory_space<vmem>>
      %dma_wait3A_252 = tpu.memref_squeeze %dma_wait3A_251 : memref<1x128x128xf32, #tpu.memory_space<vmem>> -> memref<128x128xf32, #tpu.memory_space<vmem>>
      %dma_wait3A_253 = arith.constant 0 : i32
      %dma_wait3A_254 = tpu.memref_slice %arg7[%dma_wait3A_247, %dma_wait3A_253] : memref<4x128xi32, #tpu.memory_space<vmem>> -> memref<1x128xi32, #tpu.memory_space<vmem>>
      %dma_wait3A_255 = tpu.memref_squeeze %dma_wait3A_254 : memref<1x128xi32, #tpu.memory_space<vmem>> -> memref<128xi32, #tpu.memory_space<vmem>>
      %dma_wait3A_256 = arith.constant 0 : i32
      %dma_wait3A_257 = arith.constant 0 : i32
      %dma_wait3A_258 = tpu.memref_slice %arg2[%dma_wait3A_256, %dma_wait3A_257] : memref<10008x128xf32, #tpu.memory_space<hbm>> -> memref<10008x128xf32, #tpu.memory_space<hbm>>
      tpu.wait_indirect_dma semaphore(%arg13 : memref<!tpu.dma_semaphore, #tpu.memory_space<semaphore_mem>>) src(%dma_wait3A_258 : memref<10008x128xf32, #tpu.memory_space<hbm>>) dst(%dma_wait3A_252 : memref<128x128xf32, #tpu.memory_space<vmem>>)
      %dma_start3A_259 = arith.constant 0 : i32
      %dma_start3A_260 = arith.constant 3 : i32
      %dma_start3A_261 = arith.constant 0 : i32
      %dma_start3A_262 = arith.constant 0 : i32
      %dma_start3A_263 = tpu.memref_slice %arg9[%dma_start3A_259, %dma_start3A_261, %dma_start3A_262] : memref<3x128x128xf32, #tpu.memory_space<vmem>> -> memref<1x128x128xf32, #tpu.memory_space<vmem>>
      %dma_start3A_264 = tpu.memref_squeeze %dma_start3A_263 : memref<1x128x128xf32, #tpu.memory_space<vmem>> -> memref<128x128xf32, #tpu.memory_space<vmem>>
      %dma_start3A_265 = arith.constant 0 : i32
      %dma_start3A_266 = tpu.memref_slice %arg8[%dma_start3A_260, %dma_start3A_265] : memref<4x128xi32, #tpu.memory_space<vmem>> -> memref<1x128xi32, #tpu.memory_space<vmem>>
      %dma_start3A_267 = tpu.memref_squeeze %dma_start3A_266 : memref<1x128xi32, #tpu.memory_space<vmem>> -> memref<128xi32, #tpu.memory_space<vmem>>
      %dma_start3A_268 = arith.constant 0 : i32
      %dma_start3A_269 = arith.constant 0 : i32
      %dma_start3A_270 = tpu.memref_slice %arg11[%dma_start3A_268, %dma_start3A_269] : memref<10008x128xf32, #tpu.memory_space<vmem_shared>> -> memref<10008x128xf32, #tpu.memory_space<vmem_shared>>
      tpu.enqueue_indirect_dma source(%dma_start3A_264 : memref<128x128xf32, #tpu.memory_space<vmem>>) target(%dma_start3A_270 : memref<10008x128xf32, #tpu.memory_space<vmem_shared>>) offsets(%dma_start3A_267 : memref<128xi32, #tpu.memory_space<vmem>>) semaphore(%arg16 : memref<!tpu.dma_semaphore, #tpu.memory_space<semaphore_mem>>) {add = true}
      %run_scoped3A_271 = arith.constant 3 : i32
      "tpu.region"() ({
        %run_scoped3A_296 = tpu.sem_alloc : memref<!tpu.dma_semaphore, #tpu.memory_space<semaphore_mem>>
        %dma_start3A_297 = arith.constant 0 : i32
        %dma_start3A_298 = tpu.memref_slice %arg8[%run_scoped3A_271, %dma_start3A_297] : memref<4x128xi32, #tpu.memory_space<vmem>> -> memref<1x128xi32, #tpu.memory_space<vmem>>
        %dma_start3A_299 = tpu.memref_squeeze %dma_start3A_298 : memref<1x128xi32, #tpu.memory_space<vmem>> -> memref<128xi32, #tpu.memory_space<vmem>>
        %dma_start3A_300 = arith.constant 0 : i32
        %dma_start3A_301 = tpu.memref_slice %arg12[%dma_start3A_300] : memref<10112xf32, #tpu.memory_space<vmem_shared>> -> memref<10112xf32, #tpu.memory_space<vmem_shared>>
        tpu.enqueue_indirect_dma source(%arg10 : memref<128xf32, #tpu.memory_space<vmem>>) target(%dma_start3A_301 : memref<10112xf32, #tpu.memory_space<vmem_shared>>) offsets(%dma_start3A_299 : memref<128xi32, #tpu.memory_space<vmem>>) semaphore(%run_scoped3A_296 : memref<!tpu.dma_semaphore, #tpu.memory_space<semaphore_mem>>) {add = true}
        %dma_wait3A_302 = arith.constant 0 : i32
        %dma_wait3A_303 = tpu.memref_slice %arg8[%run_scoped3A_271, %dma_wait3A_302] : memref<4x128xi32, #tpu.memory_space<vmem>> -> memref<1x128xi32, #tpu.memory_space<vmem>>
        %dma_wait3A_304 = tpu.memref_squeeze %dma_wait3A_303 : memref<1x128xi32, #tpu.memory_space<vmem>> -> memref<128xi32, #tpu.memory_space<vmem>>
        %dma_wait3A_305 = arith.constant 0 : i32
        %dma_wait3A_306 = tpu.memref_slice %arg12[%dma_wait3A_305] : memref<10112xf32, #tpu.memory_space<vmem_shared>> -> memref<10112xf32, #tpu.memory_space<vmem_shared>>
        tpu.wait_indirect_dma semaphore(%run_scoped3A_296 : memref<!tpu.dma_semaphore, #tpu.memory_space<semaphore_mem>>) src(%arg10 : memref<128xf32, #tpu.memory_space<vmem>>) dst(%dma_wait3A_306 : memref<10112xf32, #tpu.memory_space<vmem_shared>>)
        tpu.yield
      }) : () -> ()
      %dma_wait3A_272 = arith.constant 2 : i32
      %dma_wait3A_273 = arith.constant 2 : i32
      %dma_wait3A_274 = arith.constant 0 : i32
      %dma_wait3A_275 = arith.constant 0 : i32
      %dma_wait3A_276 = tpu.memref_slice %arg9[%dma_wait3A_272, %dma_wait3A_274, %dma_wait3A_275] : memref<3x128x128xf32, #tpu.memory_space<vmem>> -> memref<1x128x128xf32, #tpu.memory_space<vmem>>
      %dma_wait3A_277 = tpu.memref_squeeze %dma_wait3A_276 : memref<1x128x128xf32, #tpu.memory_space<vmem>> -> memref<128x128xf32, #tpu.memory_space<vmem>>
      %dma_wait3A_278 = arith.constant 0 : i32
      %dma_wait3A_279 = tpu.memref_slice %arg8[%dma_wait3A_273, %dma_wait3A_278] : memref<4x128xi32, #tpu.memory_space<vmem>> -> memref<1x128xi32, #tpu.memory_space<vmem>>
      %dma_wait3A_280 = tpu.memref_squeeze %dma_wait3A_279 : memref<1x128xi32, #tpu.memory_space<vmem>> -> memref<128xi32, #tpu.memory_space<vmem>>
      %dma_wait3A_281 = arith.constant 0 : i32
      %dma_wait3A_282 = arith.constant 0 : i32
      %dma_wait3A_283 = tpu.memref_slice %arg11[%dma_wait3A_281, %dma_wait3A_282] : memref<10008x128xf32, #tpu.memory_space<vmem_shared>> -> memref<10008x128xf32, #tpu.memory_space<vmem_shared>>
      tpu.wait_indirect_dma semaphore(%arg18 : memref<!tpu.dma_semaphore, #tpu.memory_space<semaphore_mem>>) src(%dma_wait3A_277 : memref<128x128xf32, #tpu.memory_space<vmem>>) dst(%dma_wait3A_283 : memref<10008x128xf32, #tpu.memory_space<vmem_shared>>)
      %dma_wait3A_284 = arith.constant 0 : i32
      %dma_wait3A_285 = arith.constant 3 : i32
      %dma_wait3A_286 = arith.constant 0 : i32
      %dma_wait3A_287 = arith.constant 0 : i32
      %dma_wait3A_288 = tpu.memref_slice %arg9[%dma_wait3A_284, %dma_wait3A_286, %dma_wait3A_287] : memref<3x128x128xf32, #tpu.memory_space<vmem>> -> memref<1x128x128xf32, #tpu.memory_space<vmem>>
      %dma_wait3A_289 = tpu.memref_squeeze %dma_wait3A_288 : memref<1x128x128xf32, #tpu.memory_space<vmem>> -> memref<128x128xf32, #tpu.memory_space<vmem>>
      %dma_wait3A_290 = arith.constant 0 : i32
      %dma_wait3A_291 = tpu.memref_slice %arg8[%dma_wait3A_285, %dma_wait3A_290] : memref<4x128xi32, #tpu.memory_space<vmem>> -> memref<1x128xi32, #tpu.memory_space<vmem>>
      %dma_wait3A_292 = tpu.memref_squeeze %dma_wait3A_291 : memref<1x128xi32, #tpu.memory_space<vmem>> -> memref<128xi32, #tpu.memory_space<vmem>>
      %dma_wait3A_293 = arith.constant 0 : i32
      %dma_wait3A_294 = arith.constant 0 : i32
      %dma_wait3A_295 = tpu.memref_slice %arg11[%dma_wait3A_293, %dma_wait3A_294] : memref<10008x128xf32, #tpu.memory_space<vmem_shared>> -> memref<10008x128xf32, #tpu.memory_space<vmem_shared>>
      tpu.wait_indirect_dma semaphore(%arg16 : memref<!tpu.dma_semaphore, #tpu.memory_space<semaphore_mem>>) src(%dma_wait3A_289 : memref<128x128xf32, #tpu.memory_space<vmem>>) dst(%dma_wait3A_295 : memref<10008x128xf32, #tpu.memory_space<vmem_shared>>)
    }
    %scan3A_81 = arith.constant 20 : i32
    %barrier3A_82 = arith.constant 0 : index
    tpu.barrier barrier_id(%barrier3A_82)
    %lt3A_83 = arith.constant 15 : i32
    %lt3A_84 = arith.cmpi slt, %arg1, %lt3A_83 : i32
    %convert_element_type3A_85 = arith.extui %lt3A_84 : i1 to i32
    %cond3A_86 = arith.constant 0 : i32
    %cond3A_87 = arith.cmpi ne, %convert_element_type3A_85, %cond3A_86 : i32
    scf.if %cond3A_87 {
      %mul3A_98 = arith.constant 632 : i32
      %mul3A_99 = arith.muli %arg1, %mul3A_98 : i32
      "tpu.region"() ({
        %run_scoped3A_100 = tpu.sem_alloc : memref<!tpu.dma_semaphore, #tpu.memory_space<semaphore_mem>>
        %dma_start3A = arith.constant 0 : i32
        %dma_start3A_101 = tpu.memref_slice %arg5[%arg0, %mul3A_99, %dma_start3A] : memref<2x10000x128xf32, #tpu.memory_space<hbm>> -> memref<1x632x128xf32, #tpu.memory_space<hbm>>
        %dma_start3A_102 = tpu.memref_squeeze %dma_start3A_101 : memref<1x632x128xf32, #tpu.memory_space<hbm>> -> memref<632x128xf32, #tpu.memory_space<hbm>>
        %dma_start3A_103 = arith.constant 0 : i32
        %dma_start3A_104 = tpu.memref_slice %arg11[%mul3A_99, %dma_start3A_103] : memref<10008x128xf32, #tpu.memory_space<vmem_shared>> -> memref<632x128xf32, #tpu.memory_space<vmem_shared>>
        tpu.enqueue_dma source(%dma_start3A_104 : memref<632x128xf32, #tpu.memory_space<vmem_shared>>) target(%dma_start3A_102 : memref<632x128xf32, #tpu.memory_space<hbm>>) target_semaphore(%run_scoped3A_100 : memref<!tpu.dma_semaphore, #tpu.memory_space<semaphore_mem>>)
        %dma_wait3A = arith.constant 0 : i32
        %dma_wait3A_105 = tpu.memref_slice %arg5[%arg0, %mul3A_99, %dma_wait3A] : memref<2x10000x128xf32, #tpu.memory_space<hbm>> -> memref<1x632x128xf32, #tpu.memory_space<hbm>>
        %dma_wait3A_106 = tpu.memref_squeeze %dma_wait3A_105 : memref<1x632x128xf32, #tpu.memory_space<hbm>> -> memref<632x128xf32, #tpu.memory_space<hbm>>
        %dma_wait3A_107 = arith.constant 0 : i32
        %dma_wait3A_108 = tpu.memref_slice %arg11[%mul3A_99, %dma_wait3A_107] : memref<10008x128xf32, #tpu.memory_space<vmem_shared>> -> memref<632x128xf32, #tpu.memory_space<vmem_shared>>
        tpu.wait_dma2 semaphore(%run_scoped3A_100 : memref<!tpu.dma_semaphore, #tpu.memory_space<semaphore_mem>>) src(%dma_wait3A_108 : memref<632x128xf32, #tpu.memory_space<vmem_shared>>) dst(%dma_wait3A_106 : memref<632x128xf32, #tpu.memory_space<hbm>>)
        tpu.yield
      }) : () -> ()
    } else {
    }
    %eq3A_88 = arith.constant 15 : i32
    %eq3A_89 = arith.cmpi eq, %arg1, %eq3A_88 : i32
    %convert_element_type3A_90 = arith.extui %eq3A_89 : i1 to i32
    %cond3A_91 = arith.constant 0 : i32
    %cond3A_92 = arith.cmpi ne, %convert_element_type3A_90, %cond3A_91 : i32
    scf.if %cond3A_92 {
      "tpu.region"() ({
        %run_scoped3A_98 = tpu.sem_alloc : memref<!tpu.dma_semaphore, #tpu.memory_space<semaphore_mem>>
        %dma_start3A = arith.constant 9480 : i32
        %dma_start3A_99 = arith.constant 0 : i32
        %dma_start3A_100 = tpu.memref_slice %arg5[%arg0, %dma_start3A, %dma_start3A_99] : memref<2x10000x128xf32, #tpu.memory_space<hbm>> -> memref<1x520x128xf32, #tpu.memory_space<hbm>>
        %dma_start3A_101 = tpu.memref_squeeze %dma_start3A_100 : memref<1x520x128xf32, #tpu.memory_space<hbm>> -> memref<520x128xf32, #tpu.memory_space<hbm>>
        %dma_start3A_102 = arith.constant 9480 : i32
        %dma_start3A_103 = arith.constant 0 : i32
        %dma_start3A_104 = tpu.memref_slice %arg11[%dma_start3A_102, %dma_start3A_103] : memref<10008x128xf32, #tpu.memory_space<vmem_shared>> -> memref<520x128xf32, #tpu.memory_space<vmem_shared>>
        tpu.enqueue_dma source(%dma_start3A_104 : memref<520x128xf32, #tpu.memory_space<vmem_shared>>) target(%dma_start3A_101 : memref<520x128xf32, #tpu.memory_space<hbm>>) target_semaphore(%run_scoped3A_98 : memref<!tpu.dma_semaphore, #tpu.memory_space<semaphore_mem>>)
        %dma_wait3A = arith.constant 9480 : i32
        %dma_wait3A_105 = arith.constant 0 : i32
        %dma_wait3A_106 = tpu.memref_slice %arg5[%arg0, %dma_wait3A, %dma_wait3A_105] : memref<2x10000x128xf32, #tpu.memory_space<hbm>> -> memref<1x520x128xf32, #tpu.memory_space<hbm>>
        %dma_wait3A_107 = tpu.memref_squeeze %dma_wait3A_106 : memref<1x520x128xf32, #tpu.memory_space<hbm>> -> memref<520x128xf32, #tpu.memory_space<hbm>>
        %dma_wait3A_108 = arith.constant 9480 : i32
        %dma_wait3A_109 = arith.constant 0 : i32
        %dma_wait3A_110 = tpu.memref_slice %arg11[%dma_wait3A_108, %dma_wait3A_109] : memref<10008x128xf32, #tpu.memory_space<vmem_shared>> -> memref<520x128xf32, #tpu.memory_space<vmem_shared>>
        tpu.wait_dma2 semaphore(%run_scoped3A_98 : memref<!tpu.dma_semaphore, #tpu.memory_space<semaphore_mem>>) src(%dma_wait3A_110 : memref<520x128xf32, #tpu.memory_space<vmem_shared>>) dst(%dma_wait3A_107 : memref<520x128xf32, #tpu.memory_space<hbm>>)
        tpu.yield
      }) : () -> ()
    } else {
    }
    %eq3A_93 = arith.constant 0 : i32
    %eq3A_94 = arith.cmpi eq, %arg1, %eq3A_93 : i32
    %convert_element_type3A_95 = arith.extui %eq3A_94 : i1 to i32
    %cond3A_96 = arith.constant 0 : i32
    %cond3A_97 = arith.cmpi ne, %convert_element_type3A_95, %cond3A_96 : i32
    scf.if %cond3A_97 {
      %run_scoped3A_98 = arith.constant 0 : i32
      "tpu.region"() ({
        %run_scoped3A_99 = tpu.sem_alloc : memref<!tpu.dma_semaphore, #tpu.memory_space<semaphore_mem>>
        %dma_start3A = arith.constant 0 : i32
        %dma_start3A_100 = tpu.memref_slice %arg6[%arg0, %run_scoped3A_98, %dma_start3A] : memref<2x1x10112xf32, #tpu.memory_space<hbm>> -> memref<1x1x10112xf32, #tpu.memory_space<hbm>>
        %dma_start3A_101 = tpu.memref_squeeze %dma_start3A_100 : memref<1x1x10112xf32, #tpu.memory_space<hbm>> -> memref<10112xf32, #tpu.memory_space<hbm>>
        tpu.enqueue_dma source(%arg12 : memref<10112xf32, #tpu.memory_space<vmem_shared>>) target(%dma_start3A_101 : memref<10112xf32, #tpu.memory_space<hbm>>) target_semaphore(%run_scoped3A_99 : memref<!tpu.dma_semaphore, #tpu.memory_space<semaphore_mem>>)
        %dma_wait3A = arith.constant 0 : i32
        %dma_wait3A_102 = tpu.memref_slice %arg6[%arg0, %run_scoped3A_98, %dma_wait3A] : memref<2x1x10112xf32, #tpu.memory_space<hbm>> -> memref<1x1x10112xf32, #tpu.memory_space<hbm>>
        %dma_wait3A_103 = tpu.memref_squeeze %dma_wait3A_102 : memref<1x1x10112xf32, #tpu.memory_space<hbm>> -> memref<10112xf32, #tpu.memory_space<hbm>>
        tpu.wait_dma2 semaphore(%run_scoped3A_99 : memref<!tpu.dma_semaphore, #tpu.memory_space<semaphore_mem>>) src(%arg12 : memref<10112xf32, #tpu.memory_space<vmem_shared>>) dst(%dma_wait3A_103 : memref<10112xf32, #tpu.memory_space<hbm>>)
        tpu.yield
      }) : () -> ()
    } else {
    }
    return
  }
}

#map = affine_map<(d0, d1) -> (0, 0)>
#map1 = affine_map<(d0, d1) -> (0, 0, 0)>
module attributes {stable_mosaic.version = 14 : i64} {
  func.func @body(%arg0: i32, %arg1: i32, %arg2: memref<10008x128xf32, #tpu.memory_space<hbm>>, %arg3: memref<2560x128xi32, #tpu.memory_space<hbm>>, %arg4: memref<2560x128xi32, #tpu.memory_space<hbm>>, %arg5: memref<2x10000x128xf32, #tpu.memory_space<hbm>>, %arg6: memref<2x1x10112xf32, #tpu.memory_space<hbm>>, %arg7: memref<4x128xi32, #tpu.memory_space<vmem>>, %arg8: memref<4x128xi32, #tpu.memory_space<vmem>>, %arg9: memref<3x128x128xf32, #tpu.memory_space<vmem>>, %arg10: memref<128xf32, #tpu.memory_space<vmem>>, %arg11: memref<10008x128xf32, #tpu.memory_space<vmem_shared>>, %arg12: memref<10112xf32, #tpu.memory_space<vmem_shared>>, %arg13: memref<!tpu.dma_semaphore, #tpu.memory_space<semaphore_mem>>, %arg14: memref<!tpu.dma_semaphore, #tpu.memory_space<semaphore_mem>>, %arg15: memref<!tpu.dma_semaphore, #tpu.memory_space<semaphore_mem>>, %arg16: memref<!tpu.dma_semaphore, #tpu.memory_space<semaphore_mem>>, %arg17: memref<!tpu.dma_semaphore, #tpu.memory_space<semaphore_mem>>, %arg18: memref<!tpu.dma_semaphore, #tpu.memory_space<semaphore_mem>>) attributes {dimension_semantics = [#tpu.dimension_semantics<core_parallel>, #tpu.dimension_semantics<subcore_parallel>], iteration_bounds = array<i64: 2, 16>, scalar_prefetch = 0 : i64, scratch_operands = 12 : i64, tpu.core_type = #tpu.core_type<sc_vector_subcore>, window_params = [{transform_indices = #map}, {transform_indices = #map}, {transform_indices = #map}, {transform_indices = #map1}, {transform_indices = #map1}]} {
    %mul3A = arith.constant 16 : i32
    %mul3A_0 = arith.muli %arg0, %mul3A : i32
    %add3A = arith.addi %mul3A_0, %arg1 : i32
    %scan3A = arith.constant 0 : i32
    %scan3A_1 = arith.constant 0 : i32
    %scan3A_2 = arith.constant 128 : i32
    %scan3A_3 = arith.addi %scan3A_1, %scan3A_2 : i32
    %scan3A_4 = arith.constant 1 : i32
    scf.for %scan3A_98 = %scan3A_1 to %scan3A_3 step %scan3A_4  : i32 {
      %broadcast_in_dim3A_99 = arith.constant 0.000000e+00 : f32
      %broadcast_in_dim3A_100 = vector.broadcast %broadcast_in_dim3A_99 : f32 to vector<16xf32>
      %swap3A_101 = arith.constant 0 : i32
      %swap3A_102 = arith.index_cast %swap3A_101 : i32 to index
      %swap3A_103 = arith.index_cast %scan3A_98 : i32 to index
      %swap3A_104 = arith.constant 0 : index
      %swap3A_105 = tpu.vector_load %arg9[%swap3A_102, %swap3A_103, %swap3A_104] {strides = array<i32>} : memref<3x128x128xf32, #tpu.memory_space<vmem>>, vector<1x1x16xf32>,
      %swap3A_106 = vector.shape_cast %swap3A_105 : vector<1x1x16xf32> to vector<16xf32>
      %swap3A_107 = vector.shape_cast %broadcast_in_dim3A_100 : vector<16xf32> to vector<1x1x16xf32>
      tpu.vector_store %arg9[%swap3A_102, %swap3A_103, %swap3A_104], %swap3A_107 {strides = array<i32>} : memref<3x128x128xf32, #tpu.memory_space<vmem>>, vector<1x1x16xf32>,
      %broadcast_in_dim3A_108 = arith.constant 0.000000e+00 : f32
      %broadcast_in_dim3A_109 = vector.broadcast %broadcast_in_dim3A_108 : f32 to vector<16xf32>
      %swap3A_110 = arith.constant 0 : i32
      %swap3A_111 = arith.index_cast %swap3A_110 : i32 to index
      %swap3A_112 = arith.index_cast %scan3A_98 : i32 to index
      %swap3A_113 = arith.constant 16 : index
      %swap3A_114 = tpu.vector_load %arg9[%swap3A_111, %swap3A_112, %swap3A_113] {strides = array<i32>} : memref<3x128x128xf32, #tpu.memory_space<vmem>>, vector<1x1x16xf32>,
      %swap3A_115 = vector.shape_cast %swap3A_114 : vector<1x1x16xf32> to vector<16xf32>
      %swap3A_116 = vector.shape_cast %broadcast_in_dim3A_109 : vector<16xf32> to vector<1x1x16xf32>
      tpu.vector_store %arg9[%swap3A_111, %swap3A_112, %swap3A_113], %swap3A_116 {strides = array<i32>} : memref<3x128x128xf32, #tpu.memory_space<vmem>>, vector<1x1x16xf32>,
      %broadcast_in_dim3A_117 = arith.constant 0.000000e+00 : f32
      %broadcast_in_dim3A_118 = vector.broadcast %broadcast_in_dim3A_117 : f32 to vector<16xf32>
      %swap3A_119 = arith.constant 0 : i32
      %swap3A_120 = arith.index_cast %swap3A_119 : i32 to index
      %swap3A_121 = arith.index_cast %scan3A_98 : i32 to index
      %swap3A_122 = arith.constant 32 : index
      %swap3A_123 = tpu.vector_load %arg9[%swap3A_120, %swap3A_121, %swap3A_122] {strides = array<i32>} : memref<3x128x128xf32, #tpu.memory_space<vmem>>, vector<1x1x16xf32>,
      %swap3A_124 = vector.shape_cast %swap3A_123 : vector<1x1x16xf32> to vector<16xf32>
      %swap3A_125 = vector.shape_cast %broadcast_in_dim3A_118 : vector<16xf32> to vector<1x1x16xf32>
      tpu.vector_store %arg9[%swap3A_120, %swap3A_121, %swap3A_122], %swap3A_125 {strides = array<i32>} : memref<3x128x128xf32, #tpu.memory_space<vmem>>, vector<1x1x16xf32>,
      %broadcast_in_dim3A_126 = arith.constant 0.000000e+00 : f32
      %broadcast_in_dim3A_127 = vector.broadcast %broadcast_in_dim3A_126 : f32 to vector<16xf32>
      %swap3A_128 = arith.constant 0 : i32
      %swap3A_129 = arith.index_cast %swap3A_128 : i32 to index
      %swap3A_130 = arith.index_cast %scan3A_98 : i32 to index
      %swap3A_131 = arith.constant 48 : index
      %swap3A_132 = tpu.vector_load %arg9[%swap3A_129, %swap3A_130, %swap3A_131] {strides = array<i32>} : memref<3x128x128xf32, #tpu.memory_space<vmem>>, vector<1x1x16xf32>,
      %swap3A_133 = vector.shape_cast %swap3A_132 : vector<1x1x16xf32> to vector<16xf32>
      %swap3A_134 = vector.shape_cast %broadcast_in_dim3A_127 : vector<16xf32> to vector<1x1x16xf32>
      tpu.vector_store %arg9[%swap3A_129, %swap3A_130, %swap3A_131], %swap3A_134 {strides = array<i32>} : memref<3x128x128xf32, #tpu.memory_space<vmem>>, vector<1x1x16xf32>,
      %broadcast_in_dim3A_135 = arith.constant 0.000000e+00 : f32
      %broadcast_in_dim3A_136 = vector.broadcast %broadcast_in_dim3A_135 : f32 to vector<16xf32>
      %swap3A_137 = arith.constant 0 : i32
      %swap3A_138 = arith.index_cast %swap3A_137 : i32 to index
      %swap3A_139 = arith.index_cast %scan3A_98 : i32 to index
      %swap3A_140 = arith.constant 64 : index
      %swap3A_141 = tpu.vector_load %arg9[%swap3A_138, %swap3A_139, %swap3A_140] {strides = array<i32>} : memref<3x128x128xf32, #tpu.memory_space<vmem>>, vector<1x1x16xf32>,
      %swap3A_142 = vector.shape_cast %swap3A_141 : vector<1x1x16xf32> to vector<16xf32>
      %swap3A_143 = vector.shape_cast %broadcast_in_dim3A_136 : vector<16xf32> to vector<1x1x16xf32>
      tpu.vector_store %arg9[%swap3A_138, %swap3A_139, %swap3A_140], %swap3A_143 {strides = array<i32>} : memref<3x128x128xf32, #tpu.memory_space<vmem>>, vector<1x1x16xf32>,
      %broadcast_in_dim3A_144 = arith.constant 0.000000e+00 : f32
      %broadcast_in_dim3A_145 = vector.broadcast %broadcast_in_dim3A_144 : f32 to vector<16xf32>
      %swap3A_146 = arith.constant 0 : i32
      %swap3A_147 = arith.index_cast %swap3A_146 : i32 to index
      %swap3A_148 = arith.index_cast %scan3A_98 : i32 to index
      %swap3A_149 = arith.constant 80 : index
      %swap3A_150 = tpu.vector_load %arg9[%swap3A_147, %swap3A_148, %swap3A_149] {strides = array<i32>} : memref<3x128x128xf32, #tpu.memory_space<vmem>>, vector<1x1x16xf32>,
      %swap3A_151 = vector.shape_cast %swap3A_150 : vector<1x1x16xf32> to vector<16xf32>
      %swap3A_152 = vector.shape_cast %broadcast_in_dim3A_145 : vector<16xf32> to vector<1x1x16xf32>
      tpu.vector_store %arg9[%swap3A_147, %swap3A_148, %swap3A_149], %swap3A_152 {strides = array<i32>} : memref<3x128x128xf32, #tpu.memory_space<vmem>>, vector<1x1x16xf32>,
      %broadcast_in_dim3A_153 = arith.constant 0.000000e+00 : f32
      %broadcast_in_dim3A_154 = vector.broadcast %broadcast_in_dim3A_153 : f32 to vector<16xf32>
      %swap3A_155 = arith.constant 0 : i32
      %swap3A_156 = arith.index_cast %swap3A_155 : i32 to index
      %swap3A_157 = arith.index_cast %scan3A_98 : i32 to index
      %swap3A_158 = arith.constant 96 : index
      %swap3A_159 = tpu.vector_load %arg9[%swap3A_156, %swap3A_157, %swap3A_158] {strides = array<i32>} : memref<3x128x128xf32, #tpu.memory_space<vmem>>, vector<1x1x16xf32>,
      %swap3A_160 = vector.shape_cast %swap3A_159 : vector<1x1x16xf32> to vector<16xf32>
      %swap3A_161 = vector.shape_cast %broadcast_in_dim3A_154 : vector<16xf32> to vector<1x1x16xf32>
      tpu.vector_store %arg9[%swap3A_156, %swap3A_157, %swap3A_158], %swap3A_161 {strides = array<i32>} : memref<3x128x128xf32, #tpu.memory_space<vmem>>, vector<1x1x16xf32>,
      %broadcast_in_dim3A_162 = arith.constant 0.000000e+00 : f32
      %broadcast_in_dim3A_163 = vector.broadcast %broadcast_in_dim3A_162 : f32 to vector<16xf32>
      %swap3A_164 = arith.constant 0 : i32
      %swap3A_165 = arith.index_cast %swap3A_164 : i32 to index
      %swap3A_166 = arith.index_cast %scan3A_98 : i32 to index
      %swap3A_167 = arith.constant 112 : index
      %swap3A_168 = tpu.vector_load %arg9[%swap3A_165, %swap3A_166, %swap3A_167] {strides = array<i32>} : memref<3x128x128xf32, #tpu.memory_space<vmem>>, vector<1x1x16xf32>,
      %swap3A_169 = vector.shape_cast %swap3A_168 : vector<1x1x16xf32> to vector<16xf32>
      %swap3A_170 = vector.shape_cast %broadcast_in_dim3A_163 : vector<16xf32> to vector<1x1x16xf32>
      tpu.vector_store %arg9[%swap3A_165, %swap3A_166, %swap3A_167], %swap3A_170 {strides = array<i32>} : memref<3x128x128xf32, #tpu.memory_space<vmem>>, vector<1x1x16xf32>,
    }
    %scan3A_5 = arith.constant 128 : i32
    %broadcast_in_dim3A = arith.constant 1.000000e+00 : f32
    %broadcast_in_dim3A_6 = vector.broadcast %broadcast_in_dim3A : f32 to vector<16xf32>
    %swap3A = arith.constant 0 : index
    %swap3A_7 = tpu.vector_load %arg10[%swap3A] {strides = array<i32>} : memref<128xf32, #tpu.memory_space<vmem>>, vector<16xf32>,
    %swap3A_8 = vector.shape_cast %swap3A_7 : vector<16xf32> to vector<16xf32>
    %swap3A_9 = vector.shape_cast %broadcast_in_dim3A_6 : vector<16xf32> to vector<16xf32>
    tpu.vector_store %arg10[%swap3A], %swap3A_9 {strides = array<i32>} : memref<128xf32, #tpu.memory_space<vmem>>, vector<16xf32>,
    %broadcast_in_dim3A_10 = arith.constant 1.000000e+00 : f32
    %broadcast_in_dim3A_11 = vector.broadcast %broadcast_in_dim3A_10 : f32 to vector<16xf32>
    %swap3A_12 = arith.constant 16 : index
    %swap3A_13 = tpu.vector_load %arg10[%swap3A_12] {strides = array<i32>} : memref<128xf32, #tpu.memory_space<vmem>>, vector<16xf32>,
    %swap3A_14 = vector.shape_cast %swap3A_13 : vector<16xf32> to vector<16xf32>
    %swap3A_15 = vector.shape_cast %broadcast_in_dim3A_11 : vector<16xf32> to vector<16xf32>
    tpu.vector_store %arg10[%swap3A_12], %swap3A_15 {strides = array<i32>} : memref<128xf32, #tpu.memory_space<vmem>>, vector<16xf32>,
    %broadcast_in_dim3A_16 = arith.constant 1.000000e+00 : f32
    %broadcast_in_dim3A_17 = vector.broadcast %broadcast_in_dim3A_16 : f32 to vector<16xf32>
    %swap3A_18 = arith.constant 32 : index
    %swap3A_19 = tpu.vector_load %arg10[%swap3A_18] {strides = array<i32>} : memref<128xf32, #tpu.memory_space<vmem>>, vector<16xf32>,
    %swap3A_20 = vector.shape_cast %swap3A_19 : vector<16xf32> to vector<16xf32>
    %swap3A_21 = vector.shape_cast %broadcast_in_dim3A_17 : vector<16xf32> to vector<16xf32>
    tpu.vector_store %arg10[%swap3A_18], %swap3A_21 {strides = array<i32>} : memref<128xf32, #tpu.memory_space<vmem>>, vector<16xf32>,
    %broadcast_in_dim3A_22 = arith.constant 1.000000e+00 : f32
    %broadcast_in_dim3A_23 = vector.broadcast %broadcast_in_dim3A_22 : f32 to vector<16xf32>
    %swap3A_24 = arith.constant 48 : index
    %swap3A_25 = tpu.vector_load %arg10[%swap3A_24] {strides = array<i32>} : memref<128xf32, #tpu.memory_space<vmem>>, vector<16xf32>,
    %swap3A_26 = vector.shape_cast %swap3A_25 : vector<16xf32> to vector<16xf32>
    %swap3A_27 = vector.shape_cast %broadcast_in_dim3A_23 : vector<16xf32> to vector<16xf32>
    tpu.vector_store %arg10[%swap3A_24], %swap3A_27 {strides = array<i32>} : memref<128xf32, #tpu.memory_space<vmem>>, vector<16xf32>,
    %broadcast_in_dim3A_28 = arith.constant 1.000000e+00 : f32
    %broadcast_in_dim3A_29 = vector.broadcast %broadcast_in_dim3A_28 : f32 to vector<16xf32>
    %swap3A_30 = arith.constant 64 : index
    %swap3A_31 = tpu.vector_load %arg10[%swap3A_30] {strides = array<i32>} : memref<128xf32, #tpu.memory_space<vmem>>, vector<16xf32>,
    %swap3A_32 = vector.shape_cast %swap3A_31 : vector<16xf32> to vector<16xf32>
    %swap3A_33 = vector.shape_cast %broadcast_in_dim3A_29 : vector<16xf32> to vector<16xf32>
    tpu.vector_store %arg10[%swap3A_30], %swap3A_33 {strides = array<i32>} : memref<128xf32, #tpu.memory_space<vmem>>, vector<16xf32>,
    %broadcast_in_dim3A_34 = arith.constant 1.000000e+00 : f32
    %broadcast_in_dim3A_35 = vector.broadcast %broadcast_in_dim3A_34 : f32 to vector<16xf32>
    %swap3A_36 = arith.constant 80 : index
    %swap3A_37 = tpu.vector_load %arg10[%swap3A_36] {strides = array<i32>} : memref<128xf32, #tpu.memory_space<vmem>>, vector<16xf32>,
    %swap3A_38 = vector.shape_cast %swap3A_37 : vector<16xf32> to vector<16xf32>
    %swap3A_39 = vector.shape_cast %broadcast_in_dim3A_35 : vector<16xf32> to vector<16xf32>
    tpu.vector_store %arg10[%swap3A_36], %swap3A_39 {strides = array<i32>} : memref<128xf32, #tpu.memory_space<vmem>>, vector<16xf32>,
    %broadcast_in_dim3A_40 = arith.constant 1.000000e+00 : f32
    %broadcast_in_dim3A_41 = vector.broadcast %broadcast_in_dim3A_40 : f32 to vector<16xf32>
    %swap3A_42 = arith.constant 96 : index
    %swap3A_43 = tpu.vector_load %arg10[%swap3A_42] {strides = array<i32>} : memref<128xf32, #tpu.memory_space<vmem>>, vector<16xf32>,
    %swap3A_44 = vector.shape_cast %swap3A_43 : vector<16xf32> to vector<16xf32>
    %swap3A_45 = vector.shape_cast %broadcast_in_dim3A_41 : vector<16xf32> to vector<16xf32>
    tpu.vector_store %arg10[%swap3A_42], %swap3A_45 {strides = array<i32>} : memref<128xf32, #tpu.memory_space<vmem>>, vector<16xf32>,
    %broadcast_in_dim3A_46 = arith.constant 1.000000e+00 : f32
    %broadcast_in_dim3A_47 = vector.broadcast %broadcast_in_dim3A_46 : f32 to vector<16xf32>
    %swap3A_48 = arith.constant 112 : index
    %swap3A_49 = tpu.vector_load %arg10[%swap3A_48] {strides = array<i32>} : memref<128xf32, #tpu.memory_space<vmem>>, vector<16xf32>,
    %swap3A_50 = vector.shape_cast %swap3A_49 : vector<16xf32> to vector<16xf32>
    %swap3A_51 = vector.shape_cast %broadcast_in_dim3A_47 : vector<16xf32> to vector<16xf32>
    tpu.vector_store %arg10[%swap3A_48], %swap3A_51 {strides = array<i32>} : memref<128xf32, #tpu.memory_space<vmem>>, vector<16xf32>,
    %mul3A_52 = arith.constant 625 : i32
    %mul3A_53 = arith.muli %arg1, %mul3A_52 : i32
    %add3A_54 = arith.constant 0 : i32
    %add3A_55 = arith.addi %mul3A_53, %add3A_54 : i32
    %run_scoped3A = arith.constant 0 : i32
    "tpu.region"() ({
      %run_scoped3A_98 = tpu.sem_alloc : memref<!tpu.dma_semaphore, #tpu.memory_space<semaphore_mem>>
      %dma_start3A = arith.constant 0 : i32
      %dma_start3A_99 = arith.constant 0 : i32
      %dma_start3A_100 = tpu.memref_slice %arg9[%run_scoped3A, %dma_start3A, %dma_start3A_99] : memref<3x128x128xf32, #tpu.memory_space<vmem>> -> memref<1x128x128xf32, #tpu.memory_space<vmem>>
      %dma_start3A_101 = tpu.memref_squeeze %dma_start3A_100 : memref<1x128x128xf32, #tpu.memory_space<vmem>> -> memref<128x128xf32, #tpu.memory_space<vmem>>
      %dma_start3A_102 = arith.constant 0 : i32
      %dma_start3A_103 = tpu.memref_slice %arg11[%add3A_55, %dma_start3A_102] : memref<10008x128xf32, #tpu.memory_space<vmem_shared>> -> memref<128x128xf32, #tpu.memory_space<vmem_shared>>
      %dma_start3A_104 = arith.constant 0 : i32
      %dma_start3A_105 = tpu.memref_slice %arg11[%add3A_55, %dma_start3A_104] : memref<10008x128xf32, #tpu.memory_space<vmem_shared>> -> memref<128x128xf32, #tpu.memory_space<vmem_shared>>
      %dma_start3A_106 = arith.constant 0 : i32
      %dma_start3A_107 = arith.constant 0 : i32
      %dma_start3A_108 = tpu.memref_slice %arg9[%run_scoped3A, %dma_start3A_106, %dma_start3A_107] : memref<3x128x128xf32, #tpu.memory_space<vmem>> -> memref<1x128x128xf32, #tpu.memory_space<vmem>>
      %dma_start3A_109 = tpu.memref_squeeze %dma_start3A_108 : memref<1x128x128xf32, #tpu.memory_space<vmem>> -> memref<128x128xf32, #tpu.memory_space<vmem>>
      tpu.enqueue_dma source(%dma_start3A_109 : memref<128x128xf32, #tpu.memory_space<vmem>>) target(%dma_start3A_105 : memref<128x128xf32, #tpu.memory_space<vmem_shared>>) target_semaphore(%run_scoped3A_98 : memref<!tpu.dma_semaphore, #tpu.memory_space<semaphore_mem>>)
      %dma_wait3A = arith.constant 0 : i32
      %dma_wait3A_110 = arith.constant 0 : i32
      %dma_wait3A_111 = tpu.memref_slice %arg9[%run_scoped3A, %dma_wait3A, %dma_wait3A_110] : memref<3x128x128xf32, #tpu.memory_space<vmem>> -> memref<1x128x128xf32, #tpu.memory_space<vmem>>
      %dma_wait3A_112 = tpu.memref_squeeze %dma_wait3A_111 : memref<1x128x128xf32, #tpu.memory_space<vmem>> -> memref<128x128xf32, #tpu.memory_space<vmem>>
      %dma_wait3A_113 = arith.constant 0 : i32
      %dma_wait3A_114 = tpu.memref_slice %arg11[%add3A_55, %dma_wait3A_113] : memref<10008x128xf32, #tpu.memory_space<vmem_shared>> -> memref<128x128xf32, #tpu.memory_space<vmem_shared>>
      %dma_wait3A_115 = arith.constant 0 : i32
      %dma_wait3A_116 = tpu.memref_slice %arg11[%add3A_55, %dma_wait3A_115] : memref<10008x128xf32, #tpu.memory_space<vmem_shared>> -> memref<128x128xf32, #tpu.memory_space<vmem_shared>>
      %dma_wait3A_117 = arith.constant 0 : i32
      %dma_wait3A_118 = arith.constant 0 : i32
      %dma_wait3A_119 = tpu.memref_slice %arg9[%run_scoped3A, %dma_wait3A_117, %dma_wait3A_118] : memref<3x128x128xf32, #tpu.memory_space<vmem>> -> memref<1x128x128xf32, #tpu.memory_space<vmem>>
      %dma_wait3A_120 = tpu.memref_squeeze %dma_wait3A_119 : memref<1x128x128xf32, #tpu.memory_space<vmem>> -> memref<128x128xf32, #tpu.memory_space<vmem>>
      tpu.wait_dma2 semaphore(%run_scoped3A_98 : memref<!tpu.dma_semaphore, #tpu.memory_space<semaphore_mem>>) src(%dma_wait3A_120 : memref<128x128xf32, #tpu.memory_space<vmem>>) dst(%dma_wait3A_116 : memref<128x128xf32, #tpu.memory_space<vmem_shared>>)
      tpu.yield
    }) : () -> ()
    %add3A_56 = arith.constant 128 : i32
    %add3A_57 = arith.addi %mul3A_53, %add3A_56 : i32
    %run_scoped3A_58 = arith.constant 0 : i32
    "tpu.region"() ({
      %run_scoped3A_98 = tpu.sem_alloc : memref<!tpu.dma_semaphore, #tpu.memory_space<semaphore_mem>>
      %dma_start3A = arith.constant 0 : i32
      %dma_start3A_99 = arith.constant 0 : i32
      %dma_start3A_100 = tpu.memref_slice %arg9[%run_scoped3A_58, %dma_start3A, %dma_start3A_99] : memref<3x128x128xf32, #tpu.memory_space<vmem>> -> memref<1x128x128xf32, #tpu.memory_space<vmem>>
      %dma_start3A_101 = tpu.memref_squeeze %dma_start3A_100 : memref<1x128x128xf32, #tpu.memory_space<vmem>> -> memref<128x128xf32, #tpu.memory_space<vmem>>
      %dma_start3A_102 = arith.constant 0 : i32
      %dma_start3A_103 = tpu.memref_slice %arg11[%add3A_57, %dma_start3A_102] : memref<10008x128xf32, #tpu.memory_space<vmem_shared>> -> memref<128x128xf32, #tpu.memory_space<vmem_shared>>
      %dma_start3A_104 = arith.constant 0 : i32
      %dma_start3A_105 = tpu.memref_slice %arg11[%add3A_57, %dma_start3A_104] : memref<10008x128xf32, #tpu.memory_space<vmem_shared>> -> memref<128x128xf32, #tpu.memory_space<vmem_shared>>
      %dma_start3A_106 = arith.constant 0 : i32
      %dma_start3A_107 = arith.constant 0 : i32
      %dma_start3A_108 = tpu.memref_slice %arg9[%run_scoped3A_58, %dma_start3A_106, %dma_start3A_107] : memref<3x128x128xf32, #tpu.memory_space<vmem>> -> memref<1x128x128xf32, #tpu.memory_space<vmem>>
      %dma_start3A_109 = tpu.memref_squeeze %dma_start3A_108 : memref<1x128x128xf32, #tpu.memory_space<vmem>> -> memref<128x128xf32, #tpu.memory_space<vmem>>
      tpu.enqueue_dma source(%dma_start3A_109 : memref<128x128xf32, #tpu.memory_space<vmem>>) target(%dma_start3A_105 : memref<128x128xf32, #tpu.memory_space<vmem_shared>>) target_semaphore(%run_scoped3A_98 : memref<!tpu.dma_semaphore, #tpu.memory_space<semaphore_mem>>)
      %dma_wait3A = arith.constant 0 : i32
      %dma_wait3A_110 = arith.constant 0 : i32
      %dma_wait3A_111 = tpu.memref_slice %arg9[%run_scoped3A_58, %dma_wait3A, %dma_wait3A_110] : memref<3x128x128xf32, #tpu.memory_space<vmem>> -> memref<1x128x128xf32, #tpu.memory_space<vmem>>
      %dma_wait3A_112 = tpu.memref_squeeze %dma_wait3A_111 : memref<1x128x128xf32, #tpu.memory_space<vmem>> -> memref<128x128xf32, #tpu.memory_space<vmem>>
      %dma_wait3A_113 = arith.constant 0 : i32
      %dma_wait3A_114 = tpu.memref_slice %arg11[%add3A_57, %dma_wait3A_113] : memref<10008x128xf32, #tpu.memory_space<vmem_shared>> -> memref<128x128xf32, #tpu.memory_space<vmem_shared>>
      %dma_wait3A_115 = arith.constant 0 : i32
      %dma_wait3A_116 = tpu.memref_slice %arg11[%add3A_57, %dma_wait3A_115] : memref<10008x128xf32, #tpu.memory_space<vmem_shared>> -> memref<128x128xf32, #tpu.memory_space<vmem_shared>>
      %dma_wait3A_117 = arith.constant 0 : i32
      %dma_wait3A_118 = arith.constant 0 : i32
      %dma_wait3A_119 = tpu.memref_slice %arg9[%run_scoped3A_58, %dma_wait3A_117, %dma_wait3A_118] : memref<3x128x128xf32, #tpu.memory_space<vmem>> -> memref<1x128x128xf32, #tpu.memory_space<vmem>>
      %dma_wait3A_120 = tpu.memref_squeeze %dma_wait3A_119 : memref<1x128x128xf32, #tpu.memory_space<vmem>> -> memref<128x128xf32, #tpu.memory_space<vmem>>
      tpu.wait_dma2 semaphore(%run_scoped3A_98 : memref<!tpu.dma_semaphore, #tpu.memory_space<semaphore_mem>>) src(%dma_wait3A_120 : memref<128x128xf32, #tpu.memory_space<vmem>>) dst(%dma_wait3A_116 : memref<128x128xf32, #tpu.memory_space<vmem_shared>>)
      tpu.yield
    }) : () -> ()
    %add3A_59 = arith.constant 256 : i32
    %add3A_60 = arith.addi %mul3A_53, %add3A_59 : i32
    %run_scoped3A_61 = arith.constant 0 : i32
    "tpu.region"() ({
      %run_scoped3A_98 = tpu.sem_alloc : memref<!tpu.dma_semaphore, #tpu.memory_space<semaphore_mem>>
      %dma_start3A = arith.constant 0 : i32
      %dma_start3A_99 = arith.constant 0 : i32
      %dma_start3A_100 = tpu.memref_slice %arg9[%run_scoped3A_61, %dma_start3A, %dma_start3A_99] : memref<3x128x128xf32, #tpu.memory_space<vmem>> -> memref<1x128x128xf32, #tpu.memory_space<vmem>>
      %dma_start3A_101 = tpu.memref_squeeze %dma_start3A_100 : memref<1x128x128xf32, #tpu.memory_space<vmem>> -> memref<128x128xf32, #tpu.memory_space<vmem>>
      %dma_start3A_102 = arith.constant 0 : i32
      %dma_start3A_103 = tpu.memref_slice %arg11[%add3A_60, %dma_start3A_102] : memref<10008x128xf32, #tpu.memory_space<vmem_shared>> -> memref<128x128xf32, #tpu.memory_space<vmem_shared>>
      %dma_start3A_104 = arith.constant 0 : i32
      %dma_start3A_105 = tpu.memref_slice %arg11[%add3A_60, %dma_start3A_104] : memref<10008x128xf32, #tpu.memory_space<vmem_shared>> -> memref<128x128xf32, #tpu.memory_space<vmem_shared>>
      %dma_start3A_106 = arith.constant 0 : i32
      %dma_start3A_107 = arith.constant 0 : i32
      %dma_start3A_108 = tpu.memref_slice %arg9[%run_scoped3A_61, %dma_start3A_106, %dma_start3A_107] : memref<3x128x128xf32, #tpu.memory_space<vmem>> -> memref<1x128x128xf32, #tpu.memory_space<vmem>>
      %dma_start3A_109 = tpu.memref_squeeze %dma_start3A_108 : memref<1x128x128xf32, #tpu.memory_space<vmem>> -> memref<128x128xf32, #tpu.memory_space<vmem>>
      tpu.enqueue_dma source(%dma_start3A_109 : memref<128x128xf32, #tpu.memory_space<vmem>>) target(%dma_start3A_105 : memref<128x128xf32, #tpu.memory_space<vmem_shared>>) target_semaphore(%run_scoped3A_98 : memref<!tpu.dma_semaphore, #tpu.memory_space<semaphore_mem>>)
      %dma_wait3A = arith.constant 0 : i32
      %dma_wait3A_110 = arith.constant 0 : i32
      %dma_wait3A_111 = tpu.memref_slice %arg9[%run_scoped3A_61, %dma_wait3A, %dma_wait3A_110] : memref<3x128x128xf32, #tpu.memory_space<vmem>> -> memref<1x128x128xf32, #tpu.memory_space<vmem>>
      %dma_wait3A_112 = tpu.memref_squeeze %dma_wait3A_111 : memref<1x128x128xf32, #tpu.memory_space<vmem>> -> memref<128x128xf32, #tpu.memory_space<vmem>>
      %dma_wait3A_113 = arith.constant 0 : i32
      %dma_wait3A_114 = tpu.memref_slice %arg11[%add3A_60, %dma_wait3A_113] : memref<10008x128xf32, #tpu.memory_space<vmem_shared>> -> memref<128x128xf32, #tpu.memory_space<vmem_shared>>
      %dma_wait3A_115 = arith.constant 0 : i32
      %dma_wait3A_116 = tpu.memref_slice %arg11[%add3A_60, %dma_wait3A_115] : memref<10008x128xf32, #tpu.memory_space<vmem_shared>> -> memref<128x128xf32, #tpu.memory_space<vmem_shared>>
      %dma_wait3A_117 = arith.constant 0 : i32
      %dma_wait3A_118 = arith.constant 0 : i32
      %dma_wait3A_119 = tpu.memref_slice %arg9[%run_scoped3A_61, %dma_wait3A_117, %dma_wait3A_118] : memref<3x128x128xf32, #tpu.memory_space<vmem>> -> memref<1x128x128xf32, #tpu.memory_space<vmem>>
      %dma_wait3A_120 = tpu.memref_squeeze %dma_wait3A_119 : memref<1x128x128xf32, #tpu.memory_space<vmem>> -> memref<128x128xf32, #tpu.memory_space<vmem>>
      tpu.wait_dma2 semaphore(%run_scoped3A_98 : memref<!tpu.dma_semaphore, #tpu.memory_space<semaphore_mem>>) src(%dma_wait3A_120 : memref<128x128xf32, #tpu.memory_space<vmem>>) dst(%dma_wait3A_116 : memref<128x128xf32, #tpu.memory_space<vmem_shared>>)
      tpu.yield
    }) : () -> ()
    %add3A_62 = arith.constant 384 : i32
    %add3A_63 = arith.addi %mul3A_53, %add3A_62 : i32
    %run_scoped3A_64 = arith.constant 0 : i32
    "tpu.region"() ({
      %run_scoped3A_98 = tpu.sem_alloc : memref<!tpu.dma_semaphore, #tpu.memory_space<semaphore_mem>>
      %dma_start3A = arith.constant 0 : i32
      %dma_start3A_99 = arith.constant 0 : i32
      %dma_start3A_100 = tpu.memref_slice %arg9[%run_scoped3A_64, %dma_start3A, %dma_start3A_99] : memref<3x128x128xf32, #tpu.memory_space<vmem>> -> memref<1x128x128xf32, #tpu.memory_space<vmem>>
      %dma_start3A_101 = tpu.memref_squeeze %dma_start3A_100 : memref<1x128x128xf32, #tpu.memory_space<vmem>> -> memref<128x128xf32, #tpu.memory_space<vmem>>
      %dma_start3A_102 = arith.constant 0 : i32
      %dma_start3A_103 = tpu.memref_slice %arg11[%add3A_63, %dma_start3A_102] : memref<10008x128xf32, #tpu.memory_space<vmem_shared>> -> memref<128x128xf32, #tpu.memory_space<vmem_shared>>
      %dma_start3A_104 = arith.constant 0 : i32
      %dma_start3A_105 = tpu.memref_slice %arg11[%add3A_63, %dma_start3A_104] : memref<10008x128xf32, #tpu.memory_space<vmem_shared>> -> memref<128x128xf32, #tpu.memory_space<vmem_shared>>
      %dma_start3A_106 = arith.constant 0 : i32
      %dma_start3A_107 = arith.constant 0 : i32
      %dma_start3A_108 = tpu.memref_slice %arg9[%run_scoped3A_64, %dma_start3A_106, %dma_start3A_107] : memref<3x128x128xf32, #tpu.memory_space<vmem>> -> memref<1x128x128xf32, #tpu.memory_space<vmem>>
      %dma_start3A_109 = tpu.memref_squeeze %dma_start3A_108 : memref<1x128x128xf32, #tpu.memory_space<vmem>> -> memref<128x128xf32, #tpu.memory_space<vmem>>
      tpu.enqueue_dma source(%dma_start3A_109 : memref<128x128xf32, #tpu.memory_space<vmem>>) target(%dma_start3A_105 : memref<128x128xf32, #tpu.memory_space<vmem_shared>>) target_semaphore(%run_scoped3A_98 : memref<!tpu.dma_semaphore, #tpu.memory_space<semaphore_mem>>)
      %dma_wait3A = arith.constant 0 : i32
      %dma_wait3A_110 = arith.constant 0 : i32
      %dma_wait3A_111 = tpu.memref_slice %arg9[%run_scoped3A_64, %dma_wait3A, %dma_wait3A_110] : memref<3x128x128xf32, #tpu.memory_space<vmem>> -> memref<1x128x128xf32, #tpu.memory_space<vmem>>
      %dma_wait3A_112 = tpu.memref_squeeze %dma_wait3A_111 : memref<1x128x128xf32, #tpu.memory_space<vmem>> -> memref<128x128xf32, #tpu.memory_space<vmem>>
      %dma_wait3A_113 = arith.constant 0 : i32
      %dma_wait3A_114 = tpu.memref_slice %arg11[%add3A_63, %dma_wait3A_113] : memref<10008x128xf32, #tpu.memory_space<vmem_shared>> -> memref<128x128xf32, #tpu.memory_space<vmem_shared>>
      %dma_wait3A_115 = arith.constant 0 : i32
      %dma_wait3A_116 = tpu.memref_slice %arg11[%add3A_63, %dma_wait3A_115] : memref<10008x128xf32, #tpu.memory_space<vmem_shared>> -> memref<128x128xf32, #tpu.memory_space<vmem_shared>>
      %dma_wait3A_117 = arith.constant 0 : i32
      %dma_wait3A_118 = arith.constant 0 : i32
      %dma_wait3A_119 = tpu.memref_slice %arg9[%run_scoped3A_64, %dma_wait3A_117, %dma_wait3A_118] : memref<3x128x128xf32, #tpu.memory_space<vmem>> -> memref<1x128x128xf32, #tpu.memory_space<vmem>>
      %dma_wait3A_120 = tpu.memref_squeeze %dma_wait3A_119 : memref<1x128x128xf32, #tpu.memory_space<vmem>> -> memref<128x128xf32, #tpu.memory_space<vmem>>
      tpu.wait_dma2 semaphore(%run_scoped3A_98 : memref<!tpu.dma_semaphore, #tpu.memory_space<semaphore_mem>>) src(%dma_wait3A_120 : memref<128x128xf32, #tpu.memory_space<vmem>>) dst(%dma_wait3A_116 : memref<128x128xf32, #tpu.memory_space<vmem_shared>>)
      tpu.yield
    }) : () -> ()
    %add3A_65 = arith.constant 512 : i32
    %add3A_66 = arith.addi %mul3A_53, %add3A_65 : i32
    %run_scoped3A_67 = arith.constant 0 : i32
    "tpu.region"() ({
      %run_scoped3A_98 = tpu.sem_alloc : memref<!tpu.dma_semaphore, #tpu.memory_space<semaphore_mem>>
      %dma_start3A = arith.constant 0 : i32
      %dma_start3A_99 = arith.constant 0 : i32
      %dma_start3A_100 = tpu.memref_slice %arg9[%run_scoped3A_67, %dma_start3A, %dma_start3A_99] : memref<3x128x128xf32, #tpu.memory_space<vmem>> -> memref<1x113x128xf32, #tpu.memory_space<vmem>>
      %dma_start3A_101 = tpu.memref_squeeze %dma_start3A_100 : memref<1x113x128xf32, #tpu.memory_space<vmem>> -> memref<113x128xf32, #tpu.memory_space<vmem>>
      %dma_start3A_102 = arith.constant 0 : i32
      %dma_start3A_103 = tpu.memref_slice %arg11[%add3A_66, %dma_start3A_102] : memref<10008x128xf32, #tpu.memory_space<vmem_shared>> -> memref<113x128xf32, #tpu.memory_space<vmem_shared>>
      %dma_start3A_104 = arith.constant 0 : i32
      %dma_start3A_105 = tpu.memref_slice %arg11[%add3A_66, %dma_start3A_104] : memref<10008x128xf32, #tpu.memory_space<vmem_shared>> -> memref<113x128xf32, #tpu.memory_space<vmem_shared>>
      %dma_start3A_106 = arith.constant 0 : i32
      %dma_start3A_107 = arith.constant 0 : i32
      %dma_start3A_108 = tpu.memref_slice %arg9[%run_scoped3A_67, %dma_start3A_106, %dma_start3A_107] : memref<3x128x128xf32, #tpu.memory_space<vmem>> -> memref<1x113x128xf32, #tpu.memory_space<vmem>>
      %dma_start3A_109 = tpu.memref_squeeze %dma_start3A_108 : memref<1x113x128xf32, #tpu.memory_space<vmem>> -> memref<113x128xf32, #tpu.memory_space<vmem>>
      tpu.enqueue_dma source(%dma_start3A_109 : memref<113x128xf32, #tpu.memory_space<vmem>>) target(%dma_start3A_105 : memref<113x128xf32, #tpu.memory_space<vmem_shared>>) target_semaphore(%run_scoped3A_98 : memref<!tpu.dma_semaphore, #tpu.memory_space<semaphore_mem>>)
      %dma_wait3A = arith.constant 0 : i32
      %dma_wait3A_110 = arith.constant 0 : i32
      %dma_wait3A_111 = tpu.memref_slice %arg9[%run_scoped3A_67, %dma_wait3A, %dma_wait3A_110] : memref<3x128x128xf32, #tpu.memory_space<vmem>> -> memref<1x113x128xf32, #tpu.memory_space<vmem>>
      %dma_wait3A_112 = tpu.memref_squeeze %dma_wait3A_111 : memref<1x113x128xf32, #tpu.memory_space<vmem>> -> memref<113x128xf32, #tpu.memory_space<vmem>>
      %dma_wait3A_113 = arith.constant 0 : i32
      %dma_wait3A_114 = tpu.memref_slice %arg11[%add3A_66, %dma_wait3A_113] : memref<10008x128xf32, #tpu.memory_space<vmem_shared>> -> memref<113x128xf32, #tpu.memory_space<vmem_shared>>
      %dma_wait3A_115 = arith.constant 0 : i32
      %dma_wait3A_116 = tpu.memref_slice %arg11[%add3A_66, %dma_wait3A_115] : memref<10008x128xf32, #tpu.memory_space<vmem_shared>> -> memref<113x128xf32, #tpu.memory_space<vmem_shared>>
      %dma_wait3A_117 = arith.constant 0 : i32
      %dma_wait3A_118 = arith.constant 0 : i32
      %dma_wait3A_119 = tpu.memref_slice %arg9[%run_scoped3A_67, %dma_wait3A_117, %dma_wait3A_118] : memref<3x128x128xf32, #tpu.memory_space<vmem>> -> memref<1x113x128xf32, #tpu.memory_space<vmem>>
      %dma_wait3A_120 = tpu.memref_squeeze %dma_wait3A_119 : memref<1x113x128xf32, #tpu.memory_space<vmem>> -> memref<113x128xf32, #tpu.memory_space<vmem>>
      tpu.wait_dma2 semaphore(%run_scoped3A_98 : memref<!tpu.dma_semaphore, #tpu.memory_space<semaphore_mem>>) src(%dma_wait3A_120 : memref<113x128xf32, #tpu.memory_space<vmem>>) dst(%dma_wait3A_116 : memref<113x128xf32, #tpu.memory_space<vmem_shared>>)
      tpu.yield
    }) : () -> ()
    %lt3A = arith.constant 15 : i32
    %lt3A_68 = arith.cmpi slt, %arg1, %lt3A : i32
    %convert_element_type3A = arith.extui %lt3A_68 : i1 to i32
    %cond3A = arith.constant 0 : i32
    %cond3A_69 = arith.cmpi ne, %convert_element_type3A, %cond3A : i32
    scf.if %cond3A_69 {
      %mul3A_98 = arith.constant 640 : i32
      %mul3A_99 = arith.muli %arg1, %mul3A_98 : i32
      %add3A_100 = arith.constant 0 : i32
      %add3A_101 = arith.addi %mul3A_99, %add3A_100 : i32
      %run_scoped3A_102 = arith.constant 0 : i32
      %run_scoped3A_103 = arith.constant 0 : i32
      "tpu.region"() ({
        %run_scoped3A_128 = tpu.sem_alloc : memref<!tpu.dma_semaphore, #tpu.memory_space<semaphore_mem>>
        %dma_start3A = arith.constant 0 : i32
        %dma_start3A_129 = tpu.memref_slice %arg9[%run_scoped3A_102, %run_scoped3A_103, %dma_start3A] : memref<3x128x128xf32, #tpu.memory_space<vmem>> -> memref<1x1x128xf32, #tpu.memory_space<vmem>>
        %dma_start3A_130 = tpu.memref_squeeze %dma_start3A_129 : memref<1x1x128xf32, #tpu.memory_space<vmem>> -> memref<128xf32, #tpu.memory_space<vmem>>
        %dma_start3A_131 = tpu.memref_slice %arg12[%add3A_101] : memref<10112xf32, #tpu.memory_space<vmem_shared>> -> memref<128xf32, #tpu.memory_space<vmem_shared>>
        %dma_start3A_132 = tpu.memref_slice %arg12[%add3A_101] : memref<10112xf32, #tpu.memory_space<vmem_shared>> -> memref<128xf32, #tpu.memory_space<vmem_shared>>
        %dma_start3A_133 = arith.constant 0 : i32
        %dma_start3A_134 = tpu.memref_slice %arg9[%run_scoped3A_102, %run_scoped3A_103, %dma_start3A_133] : memref<3x128x128xf32, #tpu.memory_space<vmem>> -> memref<1x1x128xf32, #tpu.memory_space<vmem>>
        %dma_start3A_135 = tpu.memref_squeeze %dma_start3A_134 : memref<1x1x128xf32, #tpu.memory_space<vmem>> -> memref<128xf32, #tpu.memory_space<vmem>>
        tpu.enqueue_dma source(%dma_start3A_135 : memref<128xf32, #tpu.memory_space<vmem>>) target(%dma_start3A_132 : memref<128xf32, #tpu.memory_space<vmem_shared>>) target_semaphore(%run_scoped3A_128 : memref<!tpu.dma_semaphore, #tpu.memory_space<semaphore_mem>>)
        %dma_wait3A = arith.constant 0 : i32
        %dma_wait3A_136 = tpu.memref_slice %arg9[%run_scoped3A_102, %run_scoped3A_103, %dma_wait3A] : memref<3x128x128xf32, #tpu.memory_space<vmem>> -> memref<1x1x128xf32, #tpu.memory_space<vmem>>
        %dma_wait3A_137 = tpu.memref_squeeze %dma_wait3A_136 : memref<1x1x128xf32, #tpu.memory_space<vmem>> -> memref<128xf32, #tpu.memory_space<vmem>>
        %dma_wait3A_138 = tpu.memref_slice %arg12[%add3A_101] : memref<10112xf32, #tpu.memory_space<vmem_shared>> -> memref<128xf32, #tpu.memory_space<vmem_shared>>
        %dma_wait3A_139 = tpu.memref_slice %arg12[%add3A_101] : memref<10112xf32, #tpu.memory_space<vmem_shared>> -> memref<128xf32, #tpu.memory_space<vmem_shared>>
        %dma_wait3A_140 = arith.constant 0 : i32
        %dma_wait3A_141 = tpu.memref_slice %arg9[%run_scoped3A_102, %run_scoped3A_103, %dma_wait3A_140] : memref<3x128x128xf32, #tpu.memory_space<vmem>> -> memref<1x1x128xf32, #tpu.memory_space<vmem>>
        %dma_wait3A_142 = tpu.memref_squeeze %dma_wait3A_141 : memref<1x1x128xf32, #tpu.memory_space<vmem>> -> memref<128xf32, #tpu.memory_space<vmem>>
        tpu.wait_dma2 semaphore(%run_scoped3A_128 : memref<!tpu.dma_semaphore, #tpu.memory_space<semaphore_mem>>) src(%dma_wait3A_142 : memref<128xf32, #tpu.memory_space<vmem>>) dst(%dma_wait3A_139 : memref<128xf32, #tpu.memory_space<vmem_shared>>)
        tpu.yield
      }) : () -> ()
      %mul3A_104 = arith.constant 640 : i32
      %mul3A_105 = arith.muli %arg1, %mul3A_104 : i32
      %add3A_106 = arith.constant 128 : i32
      %add3A_107 = arith.addi %mul3A_105, %add3A_106 : i32
      %run_scoped3A_108 = arith.constant 0 : i32
      %run_scoped3A_109 = arith.constant 0 : i32
      "tpu.region"() ({
        %run_scoped3A_128 = tpu.sem_alloc : memref<!tpu.dma_semaphore, #tpu.memory_space<semaphore_mem>>
        %dma_start3A = arith.constant 0 : i32
        %dma_start3A_129 = tpu.memref_slice %arg9[%run_scoped3A_108, %run_scoped3A_109, %dma_start3A] : memref<3x128x128xf32, #tpu.memory_space<vmem>> -> memref<1x1x128xf32, #tpu.memory_space<vmem>>
        %dma_start3A_130 = tpu.memref_squeeze %dma_start3A_129 : memref<1x1x128xf32, #tpu.memory_space<vmem>> -> memref<128xf32, #tpu.memory_space<vmem>>
        %dma_start3A_131 = tpu.memref_slice %arg12[%add3A_107] : memref<10112xf32, #tpu.memory_space<vmem_shared>> -> memref<128xf32, #tpu.memory_space<vmem_shared>>
        %dma_start3A_132 = tpu.memref_slice %arg12[%add3A_107] : memref<10112xf32, #tpu.memory_space<vmem_shared>> -> memref<128xf32, #tpu.memory_space<vmem_shared>>
        %dma_start3A_133 = arith.constant 0 : i32
        %dma_start3A_134 = tpu.memref_slice %arg9[%run_scoped3A_108, %run_scoped3A_109, %dma_start3A_133] : memref<3x128x128xf32, #tpu.memory_space<vmem>> -> memref<1x1x128xf32, #tpu.memory_space<vmem>>
        %dma_start3A_135 = tpu.memref_squeeze %dma_start3A_134 : memref<1x1x128xf32, #tpu.memory_space<vmem>> -> memref<128xf32, #tpu.memory_space<vmem>>
        tpu.enqueue_dma source(%dma_start3A_135 : memref<128xf32, #tpu.memory_space<vmem>>) target(%dma_start3A_132 : memref<128xf32, #tpu.memory_space<vmem_shared>>) target_semaphore(%run_scoped3A_128 : memref<!tpu.dma_semaphore, #tpu.memory_space<semaphore_mem>>)
        %dma_wait3A = arith.constant 0 : i32
        %dma_wait3A_136 = tpu.memref_slice %arg9[%run_scoped3A_108, %run_scoped3A_109, %dma_wait3A] : memref<3x128x128xf32, #tpu.memory_space<vmem>> -> memref<1x1x128xf32, #tpu.memory_space<vmem>>
        %dma_wait3A_137 = tpu.memref_squeeze %dma_wait3A_136 : memref<1x1x128xf32, #tpu.memory_space<vmem>> -> memref<128xf32, #tpu.memory_space<vmem>>
        %dma_wait3A_138 = tpu.memref_slice %arg12[%add3A_107] : memref<10112xf32, #tpu.memory_space<vmem_shared>> -> memref<128xf32, #tpu.memory_space<vmem_shared>>
        %dma_wait3A_139 = tpu.memref_slice %arg12[%add3A_107] : memref<10112xf32, #tpu.memory_space<vmem_shared>> -> memref<128xf32, #tpu.memory_space<vmem_shared>>
        %dma_wait3A_140 = arith.constant 0 : i32
        %dma_wait3A_141 = tpu.memref_slice %arg9[%run_scoped3A_108, %run_scoped3A_109, %dma_wait3A_140] : memref<3x128x128xf32, #tpu.memory_space<vmem>> -> memref<1x1x128xf32, #tpu.memory_space<vmem>>
        %dma_wait3A_142 = tpu.memref_squeeze %dma_wait3A_141 : memref<1x1x128xf32, #tpu.memory_space<vmem>> -> memref<128xf32, #tpu.memory_space<vmem>>
        tpu.wait_dma2 semaphore(%run_scoped3A_128 : memref<!tpu.dma_semaphore, #tpu.memory_space<semaphore_mem>>) src(%dma_wait3A_142 : memref<128xf32, #tpu.memory_space<vmem>>) dst(%dma_wait3A_139 : memref<128xf32, #tpu.memory_space<vmem_shared>>)
        tpu.yield
      }) : () -> ()
      %mul3A_110 = arith.constant 640 : i32
      %mul3A_111 = arith.muli %arg1, %mul3A_110 : i32
      %add3A_112 = arith.constant 256 : i32
      %add3A_113 = arith.addi %mul3A_111, %add3A_112 : i32
      %run_scoped3A_114 = arith.constant 0 : i32
      %run_scoped3A_115 = arith.constant 0 : i32
      "tpu.region"() ({
        %run_scoped3A_128 = tpu.sem_alloc : memref<!tpu.dma_semaphore, #tpu.memory_space<semaphore_mem>>
        %dma_start3A = arith.constant 0 : i32
        %dma_start3A_129 = tpu.memref_slice %arg9[%run_scoped3A_114, %run_scoped3A_115, %dma_start3A] : memref<3x128x128xf32, #tpu.memory_space<vmem>> -> memref<1x1x128xf32, #tpu.memory_space<vmem>>
        %dma_start3A_130 = tpu.memref_squeeze %dma_start3A_129 : memref<1x1x128xf32, #tpu.memory_space<vmem>> -> memref<128xf32, #tpu.memory_space<vmem>>
        %dma_start3A_131 = tpu.memref_slice %arg12[%add3A_113] : memref<10112xf32, #tpu.memory_space<vmem_shared>> -> memref<128xf32, #tpu.memory_space<vmem_shared>>
        %dma_start3A_132 = tpu.memref_slice %arg12[%add3A_113] : memref<10112xf32, #tpu.memory_space<vmem_shared>> -> memref<128xf32, #tpu.memory_space<vmem_shared>>
        %dma_start3A_133 = arith.constant 0 : i32
        %dma_start3A_134 = tpu.memref_slice %arg9[%run_scoped3A_114, %run_scoped3A_115, %dma_start3A_133] : memref<3x128x128xf32, #tpu.memory_space<vmem>> -> memref<1x1x128xf32, #tpu.memory_space<vmem>>
        %dma_start3A_135 = tpu.memref_squeeze %dma_start3A_134 : memref<1x1x128xf32, #tpu.memory_space<vmem>> -> memref<128xf32, #tpu.memory_space<vmem>>
        tpu.enqueue_dma source(%dma_start3A_135 : memref<128xf32, #tpu.memory_space<vmem>>) target(%dma_start3A_132 : memref<128xf32, #tpu.memory_space<vmem_shared>>) target_semaphore(%run_scoped3A_128 : memref<!tpu.dma_semaphore, #tpu.memory_space<semaphore_mem>>)
        %dma_wait3A = arith.constant 0 : i32
        %dma_wait3A_136 = tpu.memref_slice %arg9[%run_scoped3A_114, %run_scoped3A_115, %dma_wait3A] : memref<3x128x128xf32, #tpu.memory_space<vmem>> -> memref<1x1x128xf32, #tpu.memory_space<vmem>>
        %dma_wait3A_137 = tpu.memref_squeeze %dma_wait3A_136 : memref<1x1x128xf32, #tpu.memory_space<vmem>> -> memref<128xf32, #tpu.memory_space<vmem>>
        %dma_wait3A_138 = tpu.memref_slice %arg12[%add3A_113] : memref<10112xf32, #tpu.memory_space<vmem_shared>> -> memref<128xf32, #tpu.memory_space<vmem_shared>>
        %dma_wait3A_139 = tpu.memref_slice %arg12[%add3A_113] : memref<10112xf32, #tpu.memory_space<vmem_shared>> -> memref<128xf32, #tpu.memory_space<vmem_shared>>
        %dma_wait3A_140 = arith.constant 0 : i32
        %dma_wait3A_141 = tpu.memref_slice %arg9[%run_scoped3A_114, %run_scoped3A_115, %dma_wait3A_140] : memref<3x128x128xf32, #tpu.memory_space<vmem>> -> memref<1x1x128xf32, #tpu.memory_space<vmem>>
        %dma_wait3A_142 = tpu.memref_squeeze %dma_wait3A_141 : memref<1x1x128xf32, #tpu.memory_space<vmem>> -> memref<128xf32, #tpu.memory_space<vmem>>
        tpu.wait_dma2 semaphore(%run_scoped3A_128 : memref<!tpu.dma_semaphore, #tpu.memory_space<semaphore_mem>>) src(%dma_wait3A_142 : memref<128xf32, #tpu.memory_space<vmem>>) dst(%dma_wait3A_139 : memref<128xf32, #tpu.memory_space<vmem_shared>>)
        tpu.yield
      }) : () -> ()
      %mul3A_116 = arith.constant 640 : i32
      %mul3A_117 = arith.muli %arg1, %mul3A_116 : i32
      %add3A_118 = arith.constant 384 : i32
      %add3A_119 = arith.addi %mul3A_117, %add3A_118 : i32
      %run_scoped3A_120 = arith.constant 0 : i32
      %run_scoped3A_121 = arith.constant 0 : i32
      "tpu.region"() ({
        %run_scoped3A_128 = tpu.sem_alloc : memref<!tpu.dma_semaphore, #tpu.memory_space<semaphore_mem>>
        %dma_start3A = arith.constant 0 : i32
        %dma_start3A_129 = tpu.memref_slice %arg9[%run_scoped3A_120, %run_scoped3A_121, %dma_start3A] : memref<3x128x128xf32, #tpu.memory_space<vmem>> -> memref<1x1x128xf32, #tpu.memory_space<vmem>>
        %dma_start3A_130 = tpu.memref_squeeze %dma_start3A_129 : memref<1x1x128xf32, #tpu.memory_space<vmem>> -> memref<128xf32, #tpu.memory_space<vmem>>
        %dma_start3A_131 = tpu.memref_slice %arg12[%add3A_119] : memref<10112xf32, #tpu.memory_space<vmem_shared>> -> memref<128xf32, #tpu.memory_space<vmem_shared>>
        %dma_start3A_132 = tpu.memref_slice %arg12[%add3A_119] : memref<10112xf32, #tpu.memory_space<vmem_shared>> -> memref<128xf32, #tpu.memory_space<vmem_shared>>
        %dma_start3A_133 = arith.constant 0 : i32
        %dma_start3A_134 = tpu.memref_slice %arg9[%run_scoped3A_120, %run_scoped3A_121, %dma_start3A_133] : memref<3x128x128xf32, #tpu.memory_space<vmem>> -> memref<1x1x128xf32, #tpu.memory_space<vmem>>
        %dma_start3A_135 = tpu.memref_squeeze %dma_start3A_134 : memref<1x1x128xf32, #tpu.memory_space<vmem>> -> memref<128xf32, #tpu.memory_space<vmem>>
        tpu.enqueue_dma source(%dma_start3A_135 : memref<128xf32, #tpu.memory_space<vmem>>) target(%dma_start3A_132 : memref<128xf32, #tpu.memory_space<vmem_shared>>) target_semaphore(%run_scoped3A_128 : memref<!tpu.dma_semaphore, #tpu.memory_space<semaphore_mem>>)
        %dma_wait3A = arith.constant 0 : i32
        %dma_wait3A_136 = tpu.memref_slice %arg9[%run_scoped3A_120, %run_scoped3A_121, %dma_wait3A] : memref<3x128x128xf32, #tpu.memory_space<vmem>> -> memref<1x1x128xf32, #tpu.memory_space<vmem>>
        %dma_wait3A_137 = tpu.memref_squeeze %dma_wait3A_136 : memref<1x1x128xf32, #tpu.memory_space<vmem>> -> memref<128xf32, #tpu.memory_space<vmem>>
        %dma_wait3A_138 = tpu.memref_slice %arg12[%add3A_119] : memref<10112xf32, #tpu.memory_space<vmem_shared>> -> memref<128xf32, #tpu.memory_space<vmem_shared>>
        %dma_wait3A_139 = tpu.memref_slice %arg12[%add3A_119] : memref<10112xf32, #tpu.memory_space<vmem_shared>> -> memref<128xf32, #tpu.memory_space<vmem_shared>>
        %dma_wait3A_140 = arith.constant 0 : i32
        %dma_wait3A_141 = tpu.memref_slice %arg9[%run_scoped3A_120, %run_scoped3A_121, %dma_wait3A_140] : memref<3x128x128xf32, #tpu.memory_space<vmem>> -> memref<1x1x128xf32, #tpu.memory_space<vmem>>
        %dma_wait3A_142 = tpu.memref_squeeze %dma_wait3A_141 : memref<1x1x128xf32, #tpu.memory_space<vmem>> -> memref<128xf32, #tpu.memory_space<vmem>>
        tpu.wait_dma2 semaphore(%run_scoped3A_128 : memref<!tpu.dma_semaphore, #tpu.memory_space<semaphore_mem>>) src(%dma_wait3A_142 : memref<128xf32, #tpu.memory_space<vmem>>) dst(%dma_wait3A_139 : memref<128xf32, #tpu.memory_space<vmem_shared>>)
        tpu.yield
      }) : () -> ()
      %mul3A_122 = arith.constant 640 : i32
      %mul3A_123 = arith.muli %arg1, %mul3A_122 : i32
      %add3A_124 = arith.constant 512 : i32
      %add3A_125 = arith.addi %mul3A_123, %add3A_124 : i32
      %run_scoped3A_126 = arith.constant 0 : i32
      %run_scoped3A_127 = arith.constant 0 : i32
      "tpu.region"() ({
        %run_scoped3A_128 = tpu.sem_alloc : memref<!tpu.dma_semaphore, #tpu.memory_space<semaphore_mem>>
        %dma_start3A = arith.constant 0 : i32
        %dma_start3A_129 = tpu.memref_slice %arg9[%run_scoped3A_126, %run_scoped3A_127, %dma_start3A] : memref<3x128x128xf32, #tpu.memory_space<vmem>> -> memref<1x1x128xf32, #tpu.memory_space<vmem>>
        %dma_start3A_130 = tpu.memref_squeeze %dma_start3A_129 : memref<1x1x128xf32, #tpu.memory_space<vmem>> -> memref<128xf32, #tpu.memory_space<vmem>>
        %dma_start3A_131 = tpu.memref_slice %arg12[%add3A_125] : memref<10112xf32, #tpu.memory_space<vmem_shared>> -> memref<128xf32, #tpu.memory_space<vmem_shared>>
        %dma_start3A_132 = tpu.memref_slice %arg12[%add3A_125] : memref<10112xf32, #tpu.memory_space<vmem_shared>> -> memref<128xf32, #tpu.memory_space<vmem_shared>>
        %dma_start3A_133 = arith.constant 0 : i32
        %dma_start3A_134 = tpu.memref_slice %arg9[%run_scoped3A_126, %run_scoped3A_127, %dma_start3A_133] : memref<3x128x128xf32, #tpu.memory_space<vmem>> -> memref<1x1x128xf32, #tpu.memory_space<vmem>>
        %dma_start3A_135 = tpu.memref_squeeze %dma_start3A_134 : memref<1x1x128xf32, #tpu.memory_space<vmem>> -> memref<128xf32, #tpu.memory_space<vmem>>
        tpu.enqueue_dma source(%dma_start3A_135 : memref<128xf32, #tpu.memory_space<vmem>>) target(%dma_start3A_132 : memref<128xf32, #tpu.memory_space<vmem_shared>>) target_semaphore(%run_scoped3A_128 : memref<!tpu.dma_semaphore, #tpu.memory_space<semaphore_mem>>)
        %dma_wait3A = arith.constant 0 : i32
        %dma_wait3A_136 = tpu.memref_slice %arg9[%run_scoped3A_126, %run_scoped3A_127, %dma_wait3A] : memref<3x128x128xf32, #tpu.memory_space<vmem>> -> memref<1x1x128xf32, #tpu.memory_space<vmem>>
        %dma_wait3A_137 = tpu.memref_squeeze %dma_wait3A_136 : memref<1x1x128xf32, #tpu.memory_space<vmem>> -> memref<128xf32, #tpu.memory_space<vmem>>
        %dma_wait3A_138 = tpu.memref_slice %arg12[%add3A_125] : memref<10112xf32, #tpu.memory_space<vmem_shared>> -> memref<128xf32, #tpu.memory_space<vmem_shared>>
        %dma_wait3A_139 = tpu.memref_slice %arg12[%add3A_125] : memref<10112xf32, #tpu.memory_space<vmem_shared>> -> memref<128xf32, #tpu.memory_space<vmem_shared>>
        %dma_wait3A_140 = arith.constant 0 : i32
        %dma_wait3A_141 = tpu.memref_slice %arg9[%run_scoped3A_126, %run_scoped3A_127, %dma_wait3A_140] : memref<3x128x128xf32, #tpu.memory_space<vmem>> -> memref<1x1x128xf32, #tpu.memory_space<vmem>>
        %dma_wait3A_142 = tpu.memref_squeeze %dma_wait3A_141 : memref<1x1x128xf32, #tpu.memory_space<vmem>> -> memref<128xf32, #tpu.memory_space<vmem>>
        tpu.wait_dma2 semaphore(%run_scoped3A_128 : memref<!tpu.dma_semaphore, #tpu.memory_space<semaphore_mem>>) src(%dma_wait3A_142 : memref<128xf32, #tpu.memory_space<vmem>>) dst(%dma_wait3A_139 : memref<128xf32, #tpu.memory_space<vmem_shared>>)
        tpu.yield
      }) : () -> ()
    } else {
    }
    %eq3A = arith.constant 15 : i32
    %eq3A_70 = arith.cmpi eq, %arg1, %eq3A : i32
    %convert_element_type3A_71 = arith.extui %eq3A_70 : i1 to i32
    %cond3A_72 = arith.constant 0 : i32
    %cond3A_73 = arith.cmpi ne, %convert_element_type3A_71, %cond3A_72 : i32
    scf.if %cond3A_73 {
      %run_scoped3A_98 = arith.constant 0 : i32
      %run_scoped3A_99 = arith.constant 0 : i32
      "tpu.region"() ({
        %run_scoped3A_106 = tpu.sem_alloc : memref<!tpu.dma_semaphore, #tpu.memory_space<semaphore_mem>>
        %dma_start3A = arith.constant 0 : i32
        %dma_start3A_107 = tpu.memref_slice %arg9[%run_scoped3A_98, %run_scoped3A_99, %dma_start3A] : memref<3x128x128xf32, #tpu.memory_space<vmem>> -> memref<1x1x128xf32, #tpu.memory_space<vmem>>
        %dma_start3A_108 = tpu.memref_squeeze %dma_start3A_107 : memref<1x1x128xf32, #tpu.memory_space<vmem>> -> memref<128xf32, #tpu.memory_space<vmem>>
        %dma_start3A_109 = arith.constant 9600 : i32
        %dma_start3A_110 = tpu.memref_slice %arg12[%dma_start3A_109] : memref<10112xf32, #tpu.memory_space<vmem_shared>> -> memref<128xf32, #tpu.memory_space<vmem_shared>>
        %dma_start3A_111 = arith.constant 9600 : i32
        %dma_start3A_112 = tpu.memref_slice %arg12[%dma_start3A_111] : memref<10112xf32, #tpu.memory_space<vmem_shared>> -> memref<128xf32, #tpu.memory_space<vmem_shared>>
        %dma_start3A_113 = arith.constant 0 : i32
        %dma_start3A_114 = tpu.memref_slice %arg9[%run_scoped3A_98, %run_scoped3A_99, %dma_start3A_113] : memref<3x128x128xf32, #tpu.memory_space<vmem>> -> memref<1x1x128xf32, #tpu.memory_space<vmem>>
        %dma_start3A_115 = tpu.memref_squeeze %dma_start3A_114 : memref<1x1x128xf32, #tpu.memory_space<vmem>> -> memref<128xf32, #tpu.memory_space<vmem>>
        tpu.enqueue_dma source(%dma_start3A_115 : memref<128xf32, #tpu.memory_space<vmem>>) target(%dma_start3A_112 : memref<128xf32, #tpu.memory_space<vmem_shared>>) target_semaphore(%run_scoped3A_106 : memref<!tpu.dma_semaphore, #tpu.memory_space<semaphore_mem>>)
        %dma_wait3A = arith.constant 0 : i32
        %dma_wait3A_116 = tpu.memref_slice %arg9[%run_scoped3A_98, %run_scoped3A_99, %dma_wait3A] : memref<3x128x128xf32, #tpu.memory_space<vmem>> -> memref<1x1x128xf32, #tpu.memory_space<vmem>>
        %dma_wait3A_117 = tpu.memref_squeeze %dma_wait3A_116 : memref<1x1x128xf32, #tpu.memory_space<vmem>> -> memref<128xf32, #tpu.memory_space<vmem>>
        %dma_wait3A_118 = arith.constant 9600 : i32
        %dma_wait3A_119 = tpu.memref_slice %arg12[%dma_wait3A_118] : memref<10112xf32, #tpu.memory_space<vmem_shared>> -> memref<128xf32, #tpu.memory_space<vmem_shared>>
        %dma_wait3A_120 = arith.constant 9600 : i32
        %dma_wait3A_121 = tpu.memref_slice %arg12[%dma_wait3A_120] : memref<10112xf32, #tpu.memory_space<vmem_shared>> -> memref<128xf32, #tpu.memory_space<vmem_shared>>
        %dma_wait3A_122 = arith.constant 0 : i32
        %dma_wait3A_123 = tpu.memref_slice %arg9[%run_scoped3A_98, %run_scoped3A_99, %dma_wait3A_122] : memref<3x128x128xf32, #tpu.memory_space<vmem>> -> memref<1x1x128xf32, #tpu.memory_space<vmem>>
        %dma_wait3A_124 = tpu.memref_squeeze %dma_wait3A_123 : memref<1x1x128xf32, #tpu.memory_space<vmem>> -> memref<128xf32, #tpu.memory_space<vmem>>
        tpu.wait_dma2 semaphore(%run_scoped3A_106 : memref<!tpu.dma_semaphore, #tpu.memory_space<semaphore_mem>>) src(%dma_wait3A_124 : memref<128xf32, #tpu.memory_space<vmem>>) dst(%dma_wait3A_121 : memref<128xf32, #tpu.memory_space<vmem_shared>>)
        tpu.yield
      }) : () -> ()
      %run_scoped3A_100 = arith.constant 0 : i32
      %run_scoped3A_101 = arith.constant 0 : i32
      "tpu.region"() ({
        %run_scoped3A_106 = tpu.sem_alloc : memref<!tpu.dma_semaphore, #tpu.memory_space<semaphore_mem>>
        %dma_start3A = arith.constant 0 : i32
        %dma_start3A_107 = tpu.memref_slice %arg9[%run_scoped3A_100, %run_scoped3A_101, %dma_start3A] : memref<3x128x128xf32, #tpu.memory_space<vmem>> -> memref<1x1x128xf32, #tpu.memory_space<vmem>>
        %dma_start3A_108 = tpu.memref_squeeze %dma_start3A_107 : memref<1x1x128xf32, #tpu.memory_space<vmem>> -> memref<128xf32, #tpu.memory_space<vmem>>
        %dma_start3A_109 = arith.constant 9728 : i32
        %dma_start3A_110 = tpu.memref_slice %arg12[%dma_start3A_109] : memref<10112xf32, #tpu.memory_space<vmem_shared>> -> memref<128xf32, #tpu.memory_space<vmem_shared>>
        %dma_start3A_111 = arith.constant 9728 : i32
        %dma_start3A_112 = tpu.memref_slice %arg12[%dma_start3A_111] : memref<10112xf32, #tpu.memory_space<vmem_shared>> -> memref<128xf32, #tpu.memory_space<vmem_shared>>
        %dma_start3A_113 = arith.constant 0 : i32
        %dma_start3A_114 = tpu.memref_slice %arg9[%run_scoped3A_100, %run_scoped3A_101, %dma_start3A_113] : memref<3x128x128xf32, #tpu.memory_space<vmem>> -> memref<1x1x128xf32, #tpu.memory_space<vmem>>
        %dma_start3A_115 = tpu.memref_squeeze %dma_start3A_114 : memref<1x1x128xf32, #tpu.memory_space<vmem>> -> memref<128xf32, #tpu.memory_space<vmem>>
        tpu.enqueue_dma source(%dma_start3A_115 : memref<128xf32, #tpu.memory_space<vmem>>) target(%dma_start3A_112 : memref<128xf32, #tpu.memory_space<vmem_shared>>) target_semaphore(%run_scoped3A_106 : memref<!tpu.dma_semaphore, #tpu.memory_space<semaphore_mem>>)
        %dma_wait3A = arith.constant 0 : i32
        %dma_wait3A_116 = tpu.memref_slice %arg9[%run_scoped3A_100, %run_scoped3A_101, %dma_wait3A] : memref<3x128x128xf32, #tpu.memory_space<vmem>> -> memref<1x1x128xf32, #tpu.memory_space<vmem>>
        %dma_wait3A_117 = tpu.memref_squeeze %dma_wait3A_116 : memref<1x1x128xf32, #tpu.memory_space<vmem>> -> memref<128xf32, #tpu.memory_space<vmem>>
        %dma_wait3A_118 = arith.constant 9728 : i32
        %dma_wait3A_119 = tpu.memref_slice %arg12[%dma_wait3A_118] : memref<10112xf32, #tpu.memory_space<vmem_shared>> -> memref<128xf32, #tpu.memory_space<vmem_shared>>
        %dma_wait3A_120 = arith.constant 9728 : i32
        %dma_wait3A_121 = tpu.memref_slice %arg12[%dma_wait3A_120] : memref<10112xf32, #tpu.memory_space<vmem_shared>> -> memref<128xf32, #tpu.memory_space<vmem_shared>>
        %dma_wait3A_122 = arith.constant 0 : i32
        %dma_wait3A_123 = tpu.memref_slice %arg9[%run_scoped3A_100, %run_scoped3A_101, %dma_wait3A_122] : memref<3x128x128xf32, #tpu.memory_space<vmem>> -> memref<1x1x128xf32, #tpu.memory_space<vmem>>
        %dma_wait3A_124 = tpu.memref_squeeze %dma_wait3A_123 : memref<1x1x128xf32, #tpu.memory_space<vmem>> -> memref<128xf32, #tpu.memory_space<vmem>>
        tpu.wait_dma2 semaphore(%run_scoped3A_106 : memref<!tpu.dma_semaphore, #tpu.memory_space<semaphore_mem>>) src(%dma_wait3A_124 : memref<128xf32, #tpu.memory_space<vmem>>) dst(%dma_wait3A_121 : memref<128xf32, #tpu.memory_space<vmem_shared>>)
        tpu.yield
      }) : () -> ()
      %run_scoped3A_102 = arith.constant 0 : i32
      %run_scoped3A_103 = arith.constant 0 : i32
      "tpu.region"() ({
        %run_scoped3A_106 = tpu.sem_alloc : memref<!tpu.dma_semaphore, #tpu.memory_space<semaphore_mem>>
        %dma_start3A = arith.constant 0 : i32
        %dma_start3A_107 = tpu.memref_slice %arg9[%run_scoped3A_102, %run_scoped3A_103, %dma_start3A] : memref<3x128x128xf32, #tpu.memory_space<vmem>> -> memref<1x1x128xf32, #tpu.memory_space<vmem>>
        %dma_start3A_108 = tpu.memref_squeeze %dma_start3A_107 : memref<1x1x128xf32, #tpu.memory_space<vmem>> -> memref<128xf32, #tpu.memory_space<vmem>>
        %dma_start3A_109 = arith.constant 9856 : i32
        %dma_start3A_110 = tpu.memref_slice %arg12[%dma_start3A_109] : memref<10112xf32, #tpu.memory_space<vmem_shared>> -> memref<128xf32, #tpu.memory_space<vmem_shared>>
        %dma_start3A_111 = arith.constant 9856 : i32
        %dma_start3A_112 = tpu.memref_slice %arg12[%dma_start3A_111] : memref<10112xf32, #tpu.memory_space<vmem_shared>> -> memref<128xf32, #tpu.memory_space<vmem_shared>>
        %dma_start3A_113 = arith.constant 0 : i32
        %dma_start3A_114 = tpu.memref_slice %arg9[%run_scoped3A_102, %run_scoped3A_103, %dma_start3A_113] : memref<3x128x128xf32, #tpu.memory_space<vmem>> -> memref<1x1x128xf32, #tpu.memory_space<vmem>>
        %dma_start3A_115 = tpu.memref_squeeze %dma_start3A_114 : memref<1x1x128xf32, #tpu.memory_space<vmem>> -> memref<128xf32, #tpu.memory_space<vmem>>
        tpu.enqueue_dma source(%dma_start3A_115 : memref<128xf32, #tpu.memory_space<vmem>>) target(%dma_start3A_112 : memref<128xf32, #tpu.memory_space<vmem_shared>>) target_semaphore(%run_scoped3A_106 : memref<!tpu.dma_semaphore, #tpu.memory_space<semaphore_mem>>)
        %dma_wait3A = arith.constant 0 : i32
        %dma_wait3A_116 = tpu.memref_slice %arg9[%run_scoped3A_102, %run_scoped3A_103, %dma_wait3A] : memref<3x128x128xf32, #tpu.memory_space<vmem>> -> memref<1x1x128xf32, #tpu.memory_space<vmem>>
        %dma_wait3A_117 = tpu.memref_squeeze %dma_wait3A_116 : memref<1x1x128xf32, #tpu.memory_space<vmem>> -> memref<128xf32, #tpu.memory_space<vmem>>
        %dma_wait3A_118 = arith.constant 9856 : i32
        %dma_wait3A_119 = tpu.memref_slice %arg12[%dma_wait3A_118] : memref<10112xf32, #tpu.memory_space<vmem_shared>> -> memref<128xf32, #tpu.memory_space<vmem_shared>>
        %dma_wait3A_120 = arith.constant 9856 : i32
        %dma_wait3A_121 = tpu.memref_slice %arg12[%dma_wait3A_120] : memref<10112xf32, #tpu.memory_space<vmem_shared>> -> memref<128xf32, #tpu.memory_space<vmem_shared>>
        %dma_wait3A_122 = arith.constant 0 : i32
        %dma_wait3A_123 = tpu.memref_slice %arg9[%run_scoped3A_102, %run_scoped3A_103, %dma_wait3A_122] : memref<3x128x128xf32, #tpu.memory_space<vmem>> -> memref<1x1x128xf32, #tpu.memory_space<vmem>>
        %dma_wait3A_124 = tpu.memref_squeeze %dma_wait3A_123 : memref<1x1x128xf32, #tpu.memory_space<vmem>> -> memref<128xf32, #tpu.memory_space<vmem>>
        tpu.wait_dma2 semaphore(%run_scoped3A_106 : memref<!tpu.dma_semaphore, #tpu.memory_space<semaphore_mem>>) src(%dma_wait3A_124 : memref<128xf32, #tpu.memory_space<vmem>>) dst(%dma_wait3A_121 : memref<128xf32, #tpu.memory_space<vmem_shared>>)
        tpu.yield
      }) : () -> ()
      %run_scoped3A_104 = arith.constant 0 : i32
      %run_scoped3A_105 = arith.constant 0 : i32
      "tpu.region"() ({
        %run_scoped3A_106 = tpu.sem_alloc : memref<!tpu.dma_semaphore, #tpu.memory_space<semaphore_mem>>
        %dma_start3A = arith.constant 0 : i32
        %dma_start3A_107 = tpu.memref_slice %arg9[%run_scoped3A_104, %run_scoped3A_105, %dma_start3A] : memref<3x128x128xf32, #tpu.memory_space<vmem>> -> memref<1x1x128xf32, #tpu.memory_space<vmem>>
        %dma_start3A_108 = tpu.memref_squeeze %dma_start3A_107 : memref<1x1x128xf32, #tpu.memory_space<vmem>> -> memref<128xf32, #tpu.memory_space<vmem>>
        %dma_start3A_109 = arith.constant 9984 : i32
        %dma_start3A_110 = tpu.memref_slice %arg12[%dma_start3A_109] : memref<10112xf32, #tpu.memory_space<vmem_shared>> -> memref<128xf32, #tpu.memory_space<vmem_shared>>
        %dma_start3A_111 = arith.constant 9984 : i32
        %dma_start3A_112 = tpu.memref_slice %arg12[%dma_start3A_111] : memref<10112xf32, #tpu.memory_space<vmem_shared>> -> memref<128xf32, #tpu.memory_space<vmem_shared>>
        %dma_start3A_113 = arith.constant 0 : i32
        %dma_start3A_114 = tpu.memref_slice %arg9[%run_scoped3A_104, %run_scoped3A_105, %dma_start3A_113] : memref<3x128x128xf32, #tpu.memory_space<vmem>> -> memref<1x1x128xf32, #tpu.memory_space<vmem>>
        %dma_start3A_115 = tpu.memref_squeeze %dma_start3A_114 : memref<1x1x128xf32, #tpu.memory_space<vmem>> -> memref<128xf32, #tpu.memory_space<vmem>>
        tpu.enqueue_dma source(%dma_start3A_115 : memref<128xf32, #tpu.memory_space<vmem>>) target(%dma_start3A_112 : memref<128xf32, #tpu.memory_space<vmem_shared>>) target_semaphore(%run_scoped3A_106 : memref<!tpu.dma_semaphore, #tpu.memory_space<semaphore_mem>>)
        %dma_wait3A = arith.constant 0 : i32
        %dma_wait3A_116 = tpu.memref_slice %arg9[%run_scoped3A_104, %run_scoped3A_105, %dma_wait3A] : memref<3x128x128xf32, #tpu.memory_space<vmem>> -> memref<1x1x128xf32, #tpu.memory_space<vmem>>
        %dma_wait3A_117 = tpu.memref_squeeze %dma_wait3A_116 : memref<1x1x128xf32, #tpu.memory_space<vmem>> -> memref<128xf32, #tpu.memory_space<vmem>>
        %dma_wait3A_118 = arith.constant 9984 : i32
        %dma_wait3A_119 = tpu.memref_slice %arg12[%dma_wait3A_118] : memref<10112xf32, #tpu.memory_space<vmem_shared>> -> memref<128xf32, #tpu.memory_space<vmem_shared>>
        %dma_wait3A_120 = arith.constant 9984 : i32
        %dma_wait3A_121 = tpu.memref_slice %arg12[%dma_wait3A_120] : memref<10112xf32, #tpu.memory_space<vmem_shared>> -> memref<128xf32, #tpu.memory_space<vmem_shared>>
        %dma_wait3A_122 = arith.constant 0 : i32
        %dma_wait3A_123 = tpu.memref_slice %arg9[%run_scoped3A_104, %run_scoped3A_105, %dma_wait3A_122] : memref<3x128x128xf32, #tpu.memory_space<vmem>> -> memref<1x1x128xf32, #tpu.memory_space<vmem>>
        %dma_wait3A_124 = tpu.memref_squeeze %dma_wait3A_123 : memref<1x1x128xf32, #tpu.memory_space<vmem>> -> memref<128xf32, #tpu.memory_space<vmem>>
        tpu.wait_dma2 semaphore(%run_scoped3A_106 : memref<!tpu.dma_semaphore, #tpu.memory_space<semaphore_mem>>) src(%dma_wait3A_124 : memref<128xf32, #tpu.memory_space<vmem>>) dst(%dma_wait3A_121 : memref<128xf32, #tpu.memory_space<vmem_shared>>)
        tpu.yield
      }) : () -> ()
    } else {
    }
    %barrier3A = arith.constant 0 : index
    tpu.barrier barrier_id(%barrier3A)
    %mul3A_74 = arith.constant 80 : i32
    %mul3A_75 = arith.muli %add3A, %mul3A_74 : i32
    %scan3A_76 = arith.constant 0 : i32
    %scan3A_77 = arith.constant 0 : i32
    %scan3A_78 = arith.constant 20 : i32
    %scan3A_79 = arith.addi %scan3A_77, %scan3A_78 : i32
    %scan3A_80 = arith.constant 1 : i32
    scf.for %scan3A_98 = %scan3A_77 to %scan3A_79 step %scan3A_80  : i32 {
      %mul3A_99 = arith.constant 4 : i32
      %mul3A_100 = arith.muli %scan3A_98, %mul3A_99 : i32
      %add3A_101 = arith.addi %mul3A_75, %mul3A_100 : i32
      "tpu.region"() ({
        %run_scoped3A_296 = tpu.sem_alloc : memref<!tpu.dma_semaphore, #tpu.memory_space<semaphore_mem>>
        %dma_start3A_297 = arith.constant 0 : i32
        %dma_start3A_298 = tpu.memref_slice %arg3[%add3A_101, %dma_start3A_297] : memref<2560x128xi32, #tpu.memory_space<hbm>> -> memref<4x128xi32, #tpu.memory_space<hbm>>
        %dma_start3A_299 = arith.constant 0 : i32
        %dma_start3A_300 = tpu.memref_slice %arg3[%add3A_101, %dma_start3A_299] : memref<2560x128xi32, #tpu.memory_space<hbm>> -> memref<4x128xi32, #tpu.memory_space<hbm>>
        tpu.enqueue_dma source(%dma_start3A_300 : memref<4x128xi32, #tpu.memory_space<hbm>>) target(%arg7 : memref<4x128xi32, #tpu.memory_space<vmem>>) target_semaphore(%run_scoped3A_296 : memref<!tpu.dma_semaphore, #tpu.memory_space<semaphore_mem>>)
        %dma_wait3A_301 = arith.constant 0 : i32
        %dma_wait3A_302 = tpu.memref_slice %arg3[%add3A_101, %dma_wait3A_301] : memref<2560x128xi32, #tpu.memory_space<hbm>> -> memref<4x128xi32, #tpu.memory_space<hbm>>
        %dma_wait3A_303 = arith.constant 0 : i32
        %dma_wait3A_304 = tpu.memref_slice %arg3[%add3A_101, %dma_wait3A_303] : memref<2560x128xi32, #tpu.memory_space<hbm>> -> memref<4x128xi32, #tpu.memory_space<hbm>>
        tpu.wait_dma2 semaphore(%run_scoped3A_296 : memref<!tpu.dma_semaphore, #tpu.memory_space<semaphore_mem>>) src(%dma_wait3A_304 : memref<4x128xi32, #tpu.memory_space<hbm>>) dst(%arg7 : memref<4x128xi32, #tpu.memory_space<vmem>>)
        tpu.yield
      }) : () -> ()
      "tpu.region"() ({
        %run_scoped3A_296 = tpu.sem_alloc : memref<!tpu.dma_semaphore, #tpu.memory_space<semaphore_mem>>
        %dma_start3A_297 = arith.constant 0 : i32
        %dma_start3A_298 = tpu.memref_slice %arg4[%add3A_101, %dma_start3A_297] : memref<2560x128xi32, #tpu.memory_space<hbm>> -> memref<4x128xi32, #tpu.memory_space<hbm>>
        %dma_start3A_299 = arith.constant 0 : i32
        %dma_start3A_300 = tpu.memref_slice %arg4[%add3A_101, %dma_start3A_299] : memref<2560x128xi32, #tpu.memory_space<hbm>> -> memref<4x128xi32, #tpu.memory_space<hbm>>
        tpu.enqueue_dma source(%dma_start3A_300 : memref<4x128xi32, #tpu.memory_space<hbm>>) target(%arg8 : memref<4x128xi32, #tpu.memory_space<vmem>>) target_semaphore(%run_scoped3A_296 : memref<!tpu.dma_semaphore, #tpu.memory_space<semaphore_mem>>)
        %dma_wait3A_301 = arith.constant 0 : i32
        %dma_wait3A_302 = tpu.memref_slice %arg4[%add3A_101, %dma_wait3A_301] : memref<2560x128xi32, #tpu.memory_space<hbm>> -> memref<4x128xi32, #tpu.memory_space<hbm>>
        %dma_wait3A_303 = arith.constant 0 : i32
        %dma_wait3A_304 = tpu.memref_slice %arg4[%add3A_101, %dma_wait3A_303] : memref<2560x128xi32, #tpu.memory_space<hbm>> -> memref<4x128xi32, #tpu.memory_space<hbm>>
        tpu.wait_dma2 semaphore(%run_scoped3A_296 : memref<!tpu.dma_semaphore, #tpu.memory_space<semaphore_mem>>) src(%dma_wait3A_304 : memref<4x128xi32, #tpu.memory_space<hbm>>) dst(%arg8 : memref<4x128xi32, #tpu.memory_space<vmem>>)
        tpu.yield
      }) : () -> ()
      %dma_start3A = arith.constant 0 : i32
      %dma_start3A_102 = arith.constant 0 : i32
      %dma_start3A_103 = arith.constant 0 : i32
      %dma_start3A_104 = arith.constant 0 : i32
      %dma_start3A_105 = tpu.memref_slice %arg9[%dma_start3A_102, %dma_start3A_103, %dma_start3A_104] : memref<3x128x128xf32, #tpu.memory_space<vmem>> -> memref<1x128x128xf32, #tpu.memory_space<vmem>>
      %dma_start3A_106 = tpu.memref_squeeze %dma_start3A_105 : memref<1x128x128xf32, #tpu.memory_space<vmem>> -> memref<128x128xf32, #tpu.memory_space<vmem>>
      %dma_start3A_107 = arith.constant 0 : i32
      %dma_start3A_108 = tpu.memref_slice %arg7[%dma_start3A, %dma_start3A_107] : memref<4x128xi32, #tpu.memory_space<vmem>> -> memref<1x128xi32, #tpu.memory_space<vmem>>
      %dma_start3A_109 = tpu.memref_squeeze %dma_start3A_108 : memref<1x128xi32, #tpu.memory_space<vmem>> -> memref<128xi32, #tpu.memory_space<vmem>>
      %dma_start3A_110 = arith.constant 0 : i32
      %dma_start3A_111 = arith.constant 0 : i32
      %dma_start3A_112 = tpu.memref_slice %arg2[%dma_start3A_110, %dma_start3A_111] : memref<10008x128xf32, #tpu.memory_space<hbm>> -> memref<10008x128xf32, #tpu.memory_space<hbm>>
      tpu.enqueue_indirect_dma source(%dma_start3A_112 : memref<10008x128xf32, #tpu.memory_space<hbm>>) target(%dma_start3A_106 : memref<128x128xf32, #tpu.memory_space<vmem>>) offsets(%dma_start3A_109 : memref<128xi32, #tpu.memory_space<vmem>>) semaphore(%arg13 : memref<!tpu.dma_semaphore, #tpu.memory_space<semaphore_mem>>)
      %dma_start3A_113 = arith.constant 1 : i32
      %dma_start3A_114 = arith.constant 1 : i32
      %dma_start3A_115 = arith.constant 0 : i32
      %dma_start3A_116 = arith.constant 0 : i32
      %dma_start3A_117 = tpu.memref_slice %arg9[%dma_start3A_114, %dma_start3A_115, %dma_start3A_116] : memref<3x128x128xf32, #tpu.memory_space<vmem>> -> memref<1x128x128xf32, #tpu.memory_space<vmem>>
      %dma_start3A_118 = tpu.memref_squeeze %dma_start3A_117 : memref<1x128x128xf32, #tpu.memory_space<vmem>> -> memref<128x128xf32, #tpu.memory_space<vmem>>
      %dma_start3A_119 = arith.constant 0 : i32
      %dma_start3A_120 = tpu.memref_slice %arg7[%dma_start3A_113, %dma_start3A_119] : memref<4x128xi32, #tpu.memory_space<vmem>> -> memref<1x128xi32, #tpu.memory_space<vmem>>
      %dma_start3A_121 = tpu.memref_squeeze %dma_start3A_120 : memref<1x128xi32, #tpu.memory_space<vmem>> -> memref<128xi32, #tpu.memory_space<vmem>>
      %dma_start3A_122 = arith.constant 0 : i32
      %dma_start3A_123 = arith.constant 0 : i32
      %dma_start3A_124 = tpu.memref_slice %arg2[%dma_start3A_122, %dma_start3A_123] : memref<10008x128xf32, #tpu.memory_space<hbm>> -> memref<10008x128xf32, #tpu.memory_space<hbm>>
      tpu.enqueue_indirect_dma source(%dma_start3A_124 : memref<10008x128xf32, #tpu.memory_space<hbm>>) target(%dma_start3A_118 : memref<128x128xf32, #tpu.memory_space<vmem>>) offsets(%dma_start3A_121 : memref<128xi32, #tpu.memory_space<vmem>>) semaphore(%arg14 : memref<!tpu.dma_semaphore, #tpu.memory_space<semaphore_mem>>)
      %dma_wait3A = arith.constant 0 : i32
      %dma_wait3A_125 = arith.constant 0 : i32
      %dma_wait3A_126 = arith.constant 0 : i32
      %dma_wait3A_127 = arith.constant 0 : i32
      %dma_wait3A_128 = tpu.memref_slice %arg9[%dma_wait3A_125, %dma_wait3A_126, %dma_wait3A_127] : memref<3x128x128xf32, #tpu.memory_space<vmem>> -> memref<1x128x128xf32, #tpu.memory_space<vmem>>
      %dma_wait3A_129 = tpu.memref_squeeze %dma_wait3A_128 : memref<1x128x128xf32, #tpu.memory_space<vmem>> -> memref<128x128xf32, #tpu.memory_space<vmem>>
      %dma_wait3A_130 = arith.constant 0 : i32
      %dma_wait3A_131 = tpu.memref_slice %arg7[%dma_wait3A, %dma_wait3A_130] : memref<4x128xi32, #tpu.memory_space<vmem>> -> memref<1x128xi32, #tpu.memory_space<vmem>>
      %dma_wait3A_132 = tpu.memref_squeeze %dma_wait3A_131 : memref<1x128xi32, #tpu.memory_space<vmem>> -> memref<128xi32, #tpu.memory_space<vmem>>
      %dma_wait3A_133 = arith.constant 0 : i32
      %dma_wait3A_134 = arith.constant 0 : i32
      %dma_wait3A_135 = tpu.memref_slice %arg2[%dma_wait3A_133, %dma_wait3A_134] : memref<10008x128xf32, #tpu.memory_space<hbm>> -> memref<10008x128xf32, #tpu.memory_space<hbm>>
      tpu.wait_indirect_dma semaphore(%arg13 : memref<!tpu.dma_semaphore, #tpu.memory_space<semaphore_mem>>) src(%dma_wait3A_135 : memref<10008x128xf32, #tpu.memory_space<hbm>>) dst(%dma_wait3A_129 : memref<128x128xf32, #tpu.memory_space<vmem>>)
      %dma_start3A_136 = arith.constant 0 : i32
      %dma_start3A_137 = arith.constant 0 : i32
      %dma_start3A_138 = arith.constant 0 : i32
      %dma_start3A_139 = arith.constant 0 : i32
      %dma_start3A_140 = tpu.memref_slice %arg9[%dma_start3A_136, %dma_start3A_138, %dma_start3A_139] : memref<3x128x128xf32, #tpu.memory_space<vmem>> -> memref<1x128x128xf32, #tpu.memory_space<vmem>>
      %dma_start3A_141 = tpu.memref_squeeze %dma_start3A_140 : memref<1x128x128xf32, #tpu.memory_space<vmem>> -> memref<128x128xf32, #tpu.memory_space<vmem>>
      %dma_start3A_142 = arith.constant 0 : i32
      %dma_start3A_143 = tpu.memref_slice %arg8[%dma_start3A_137, %dma_start3A_142] : memref<4x128xi32, #tpu.memory_space<vmem>> -> memref<1x128xi32, #tpu.memory_space<vmem>>
      %dma_start3A_144 = tpu.memref_squeeze %dma_start3A_143 : memref<1x128xi32, #tpu.memory_space<vmem>> -> memref<128xi32, #tpu.memory_space<vmem>>
      %dma_start3A_145 = arith.constant 0 : i32
      %dma_start3A_146 = arith.constant 0 : i32
      %dma_start3A_147 = tpu.memref_slice %arg11[%dma_start3A_145, %dma_start3A_146] : memref<10008x128xf32, #tpu.memory_space<vmem_shared>> -> memref<10008x128xf32, #tpu.memory_space<vmem_shared>>
      tpu.enqueue_indirect_dma source(%dma_start3A_141 : memref<128x128xf32, #tpu.memory_space<vmem>>) target(%dma_start3A_147 : memref<10008x128xf32, #tpu.memory_space<vmem_shared>>) offsets(%dma_start3A_144 : memref<128xi32, #tpu.memory_space<vmem>>) semaphore(%arg16 : memref<!tpu.dma_semaphore, #tpu.memory_space<semaphore_mem>>) {add = true}
      %run_scoped3A_148 = arith.constant 0 : i32
      "tpu.region"() ({
        %run_scoped3A_296 = tpu.sem_alloc : memref<!tpu.dma_semaphore, #tpu.memory_space<semaphore_mem>>
        %dma_start3A_297 = arith.constant 0 : i32
        %dma_start3A_298 = tpu.memref_slice %arg8[%run_scoped3A_148, %dma_start3A_297] : memref<4x128xi32, #tpu.memory_space<vmem>> -> memref<1x128xi32, #tpu.memory_space<vmem>>
        %dma_start3A_299 = tpu.memref_squeeze %dma_start3A_298 : memref<1x128xi32, #tpu.memory_space<vmem>> -> memref<128xi32, #tpu.memory_space<vmem>>
        %dma_start3A_300 = arith.constant 0 : i32
        %dma_start3A_301 = tpu.memref_slice %arg12[%dma_start3A_300] : memref<10112xf32, #tpu.memory_space<vmem_shared>> -> memref<10112xf32, #tpu.memory_space<vmem_shared>>
        tpu.enqueue_indirect_dma source(%arg10 : memref<128xf32, #tpu.memory_space<vmem>>) target(%dma_start3A_301 : memref<10112xf32, #tpu.memory_space<vmem_shared>>) offsets(%dma_start3A_299 : memref<128xi32, #tpu.memory_space<vmem>>) semaphore(%run_scoped3A_296 : memref<!tpu.dma_semaphore, #tpu.memory_space<semaphore_mem>>) {add = true}
        %dma_wait3A_302 = arith.constant 0 : i32
        %dma_wait3A_303 = tpu.memref_slice %arg8[%run_scoped3A_148, %dma_wait3A_302] : memref<4x128xi32, #tpu.memory_space<vmem>> -> memref<1x128xi32, #tpu.memory_space<vmem>>
        %dma_wait3A_304 = tpu.memref_squeeze %dma_wait3A_303 : memref<1x128xi32, #tpu.memory_space<vmem>> -> memref<128xi32, #tpu.memory_space<vmem>>
        %dma_wait3A_305 = arith.constant 0 : i32
        %dma_wait3A_306 = tpu.memref_slice %arg12[%dma_wait3A_305] : memref<10112xf32, #tpu.memory_space<vmem_shared>> -> memref<10112xf32, #tpu.memory_space<vmem_shared>>
        tpu.wait_indirect_dma semaphore(%run_scoped3A_296 : memref<!tpu.dma_semaphore, #tpu.memory_space<semaphore_mem>>) src(%arg10 : memref<128xf32, #tpu.memory_space<vmem>>) dst(%dma_wait3A_306 : memref<10112xf32, #tpu.memory_space<vmem_shared>>)
        tpu.yield
      }) : () -> ()
      %dma_start3A_149 = arith.constant 2 : i32
      %dma_start3A_150 = arith.constant 2 : i32
      %dma_start3A_151 = arith.constant 0 : i32
      %dma_start3A_152 = arith.constant 0 : i32
      %dma_start3A_153 = tpu.memref_slice %arg9[%dma_start3A_150, %dma_start3A_151, %dma_start3A_152] : memref<3x128x128xf32, #tpu.memory_space<vmem>> -> memref<1x128x128xf32, #tpu.memory_space<vmem>>
      %dma_start3A_154 = tpu.memref_squeeze %dma_start3A_153 : memref<1x128x128xf32, #tpu.memory_space<vmem>> -> memref<128x128xf32, #tpu.memory_space<vmem>>
      %dma_start3A_155 = arith.constant 0 : i32
      %dma_start3A_156 = tpu.memref_slice %arg7[%dma_start3A_149, %dma_start3A_155] : memref<4x128xi32, #tpu.memory_space<vmem>> -> memref<1x128xi32, #tpu.memory_space<vmem>>
      %dma_start3A_157 = tpu.memref_squeeze %dma_start3A_156 : memref<1x128xi32, #tpu.memory_space<vmem>> -> memref<128xi32, #tpu.memory_space<vmem>>
      %dma_start3A_158 = arith.constant 0 : i32
      %dma_start3A_159 = arith.constant 0 : i32
      %dma_start3A_160 = tpu.memref_slice %arg2[%dma_start3A_158, %dma_start3A_159] : memref<10008x128xf32, #tpu.memory_space<hbm>> -> memref<10008x128xf32, #tpu.memory_space<hbm>>
      tpu.enqueue_indirect_dma source(%dma_start3A_160 : memref<10008x128xf32, #tpu.memory_space<hbm>>) target(%dma_start3A_154 : memref<128x128xf32, #tpu.memory_space<vmem>>) offsets(%dma_start3A_157 : memref<128xi32, #tpu.memory_space<vmem>>) semaphore(%arg15 : memref<!tpu.dma_semaphore, #tpu.memory_space<semaphore_mem>>)
      %dma_wait3A_161 = arith.constant 1 : i32
      %dma_wait3A_162 = arith.constant 1 : i32
      %dma_wait3A_163 = arith.constant 0 : i32
      %dma_wait3A_164 = arith.constant 0 : i32
      %dma_wait3A_165 = tpu.memref_slice %arg9[%dma_wait3A_162, %dma_wait3A_163, %dma_wait3A_164] : memref<3x128x128xf32, #tpu.memory_space<vmem>> -> memref<1x128x128xf32, #tpu.memory_space<vmem>>
      %dma_wait3A_166 = tpu.memref_squeeze %dma_wait3A_165 : memref<1x128x128xf32, #tpu.memory_space<vmem>> -> memref<128x128xf32, #tpu.memory_space<vmem>>
      %dma_wait3A_167 = arith.constant 0 : i32
      %dma_wait3A_168 = tpu.memref_slice %arg7[%dma_wait3A_161, %dma_wait3A_167] : memref<4x128xi32, #tpu.memory_space<vmem>> -> memref<1x128xi32, #tpu.memory_space<vmem>>
      %dma_wait3A_169 = tpu.memref_squeeze %dma_wait3A_168 : memref<1x128xi32, #tpu.memory_space<vmem>> -> memref<128xi32, #tpu.memory_space<vmem>>
      %dma_wait3A_170 = arith.constant 0 : i32
      %dma_wait3A_171 = arith.constant 0 : i32
      %dma_wait3A_172 = tpu.memref_slice %arg2[%dma_wait3A_170, %dma_wait3A_171] : memref<10008x128xf32, #tpu.memory_space<hbm>> -> memref<10008x128xf32, #tpu.memory_space<hbm>>
      tpu.wait_indirect_dma semaphore(%arg14 : memref<!tpu.dma_semaphore, #tpu.memory_space<semaphore_mem>>) src(%dma_wait3A_172 : memref<10008x128xf32, #tpu.memory_space<hbm>>) dst(%dma_wait3A_166 : memref<128x128xf32, #tpu.memory_space<vmem>>)
      %dma_start3A_173 = arith.constant 1 : i32
      %dma_start3A_174 = arith.constant 1 : i32
      %dma_start3A_175 = arith.constant 0 : i32
      %dma_start3A_176 = arith.constant 0 : i32
      %dma_start3A_177 = tpu.memref_slice %arg9[%dma_start3A_173, %dma_start3A_175, %dma_start3A_176] : memref<3x128x128xf32, #tpu.memory_space<vmem>> -> memref<1x128x128xf32, #tpu.memory_space<vmem>>
      %dma_start3A_178 = tpu.memref_squeeze %dma_start3A_177 : memref<1x128x128xf32, #tpu.memory_space<vmem>> -> memref<128x128xf32, #tpu.memory_space<vmem>>
      %dma_start3A_179 = arith.constant 0 : i32
      %dma_start3A_180 = tpu.memref_slice %arg8[%dma_start3A_174, %dma_start3A_179] : memref<4x128xi32, #tpu.memory_space<vmem>> -> memref<1x128xi32, #tpu.memory_space<vmem>>
      %dma_start3A_181 = tpu.memref_squeeze %dma_start3A_180 : memref<1x128xi32, #tpu.memory_space<vmem>> -> memref<128xi32, #tpu.memory_space<vmem>>
      %dma_start3A_182 = arith.constant 0 : i32
      %dma_start3A_183 = arith.constant 0 : i32
      %dma_start3A_184 = tpu.memref_slice %arg11[%dma_start3A_182, %dma_start3A_183] : memref<10008x128xf32, #tpu.memory_space<vmem_shared>> -> memref<10008x128xf32, #tpu.memory_space<vmem_shared>>
      tpu.enqueue_indirect_dma source(%dma_start3A_178 : memref<128x128xf32, #tpu.memory_space<vmem>>) target(%dma_start3A_184 : memref<10008x128xf32, #tpu.memory_space<vmem_shared>>) offsets(%dma_start3A_181 : memref<128xi32, #tpu.memory_space<vmem>>) semaphore(%arg17 : memref<!tpu.dma_semaphore, #tpu.memory_space<semaphore_mem>>) {add = true}
      %run_scoped3A_185 = arith.constant 1 : i32
      "tpu.region"() ({
        %run_scoped3A_296 = tpu.sem_alloc : memref<!tpu.dma_semaphore, #tpu.memory_space<semaphore_mem>>
        %dma_start3A_297 = arith.constant 0 : i32
        %dma_start3A_298 = tpu.memref_slice %arg8[%run_scoped3A_185, %dma_start3A_297] : memref<4x128xi32, #tpu.memory_space<vmem>> -> memref<1x128xi32, #tpu.memory_space<vmem>>
        %dma_start3A_299 = tpu.memref_squeeze %dma_start3A_298 : memref<1x128xi32, #tpu.memory_space<vmem>> -> memref<128xi32, #tpu.memory_space<vmem>>
        %dma_start3A_300 = arith.constant 0 : i32
        %dma_start3A_301 = tpu.memref_slice %arg12[%dma_start3A_300] : memref<10112xf32, #tpu.memory_space<vmem_shared>> -> memref<10112xf32, #tpu.memory_space<vmem_shared>>
        tpu.enqueue_indirect_dma source(%arg10 : memref<128xf32, #tpu.memory_space<vmem>>) target(%dma_start3A_301 : memref<10112xf32, #tpu.memory_space<vmem_shared>>) offsets(%dma_start3A_299 : memref<128xi32, #tpu.memory_space<vmem>>) semaphore(%run_scoped3A_296 : memref<!tpu.dma_semaphore, #tpu.memory_space<semaphore_mem>>) {add = true}
        %dma_wait3A_302 = arith.constant 0 : i32
        %dma_wait3A_303 = tpu.memref_slice %arg8[%run_scoped3A_185, %dma_wait3A_302] : memref<4x128xi32, #tpu.memory_space<vmem>> -> memref<1x128xi32, #tpu.memory_space<vmem>>
        %dma_wait3A_304 = tpu.memref_squeeze %dma_wait3A_303 : memref<1x128xi32, #tpu.memory_space<vmem>> -> memref<128xi32, #tpu.memory_space<vmem>>
        %dma_wait3A_305 = arith.constant 0 : i32
        %dma_wait3A_306 = tpu.memref_slice %arg12[%dma_wait3A_305] : memref<10112xf32, #tpu.memory_space<vmem_shared>> -> memref<10112xf32, #tpu.memory_space<vmem_shared>>
        tpu.wait_indirect_dma semaphore(%run_scoped3A_296 : memref<!tpu.dma_semaphore, #tpu.memory_space<semaphore_mem>>) src(%arg10 : memref<128xf32, #tpu.memory_space<vmem>>) dst(%dma_wait3A_306 : memref<10112xf32, #tpu.memory_space<vmem_shared>>)
        tpu.yield
      }) : () -> ()
      %dma_wait3A_186 = arith.constant 0 : i32
      %dma_wait3A_187 = arith.constant 0 : i32
      %dma_wait3A_188 = arith.constant 0 : i32
      %dma_wait3A_189 = arith.constant 0 : i32
      %dma_wait3A_190 = tpu.memref_slice %arg9[%dma_wait3A_186, %dma_wait3A_188, %dma_wait3A_189] : memref<3x128x128xf32, #tpu.memory_space<vmem>> -> memref<1x128x128xf32, #tpu.memory_space<vmem>>
      %dma_wait3A_191 = tpu.memref_squeeze %dma_wait3A_190 : memref<1x128x128xf32, #tpu.memory_space<vmem>> -> memref<128x128xf32, #tpu.memory_space<vmem>>
      %dma_wait3A_192 = arith.constant 0 : i32
      %dma_wait3A_193 = tpu.memref_slice %arg8[%dma_wait3A_187, %dma_wait3A_192] : memref<4x128xi32, #tpu.memory_space<vmem>> -> memref<1x128xi32, #tpu.memory_space<vmem>>
      %dma_wait3A_194 = tpu.memref_squeeze %dma_wait3A_193 : memref<1x128xi32, #tpu.memory_space<vmem>> -> memref<128xi32, #tpu.memory_space<vmem>>
      %dma_wait3A_195 = arith.constant 0 : i32
      %dma_wait3A_196 = arith.constant 0 : i32
      %dma_wait3A_197 = tpu.memref_slice %arg11[%dma_wait3A_195, %dma_wait3A_196] : memref<10008x128xf32, #tpu.memory_space<vmem_shared>> -> memref<10008x128xf32, #tpu.memory_space<vmem_shared>>
      tpu.wait_indirect_dma semaphore(%arg16 : memref<!tpu.dma_semaphore, #tpu.memory_space<semaphore_mem>>) src(%dma_wait3A_191 : memref<128x128xf32, #tpu.memory_space<vmem>>) dst(%dma_wait3A_197 : memref<10008x128xf32, #tpu.memory_space<vmem_shared>>)
      %dma_start3A_198 = arith.constant 3 : i32
      %dma_start3A_199 = arith.constant 0 : i32
      %dma_start3A_200 = arith.constant 0 : i32
      %dma_start3A_201 = arith.constant 0 : i32
      %dma_start3A_202 = tpu.memref_slice %arg9[%dma_start3A_199, %dma_start3A_200, %dma_start3A_201] : memref<3x128x128xf32, #tpu.memory_space<vmem>> -> memref<1x128x128xf32, #tpu.memory_space<vmem>>
      %dma_start3A_203 = tpu.memref_squeeze %dma_start3A_202 : memref<1x128x128xf32, #tpu.memory_space<vmem>> -> memref<128x128xf32, #tpu.memory_space<vmem>>
      %dma_start3A_204 = arith.constant 0 : i32
      %dma_start3A_205 = tpu.memref_slice %arg7[%dma_start3A_198, %dma_start3A_204] : memref<4x128xi32, #tpu.memory_space<vmem>> -> memref<1x128xi32, #tpu.memory_space<vmem>>
      %dma_start3A_206 = tpu.memref_squeeze %dma_start3A_205 : memref<1x128xi32, #tpu.memory_space<vmem>> -> memref<128xi32, #tpu.memory_space<vmem>>
      %dma_start3A_207 = arith.constant 0 : i32
      %dma_start3A_208 = arith.constant 0 : i32
      %dma_start3A_209 = tpu.memref_slice %arg2[%dma_start3A_207, %dma_start3A_208] : memref<10008x128xf32, #tpu.memory_space<hbm>> -> memref<10008x128xf32, #tpu.memory_space<hbm>>
      tpu.enqueue_indirect_dma source(%dma_start3A_209 : memref<10008x128xf32, #tpu.memory_space<hbm>>) target(%dma_start3A_203 : memref<128x128xf32, #tpu.memory_space<vmem>>) offsets(%dma_start3A_206 : memref<128xi32, #tpu.memory_space<vmem>>) semaphore(%arg13 : memref<!tpu.dma_semaphore, #tpu.memory_space<semaphore_mem>>)
      %dma_wait3A_210 = arith.constant 2 : i32
      %dma_wait3A_211 = arith.constant 2 : i32
      %dma_wait3A_212 = arith.constant 0 : i32
      %dma_wait3A_213 = arith.constant 0 : i32
      %dma_wait3A_214 = tpu.memref_slice %arg9[%dma_wait3A_211, %dma_wait3A_212, %dma_wait3A_213] : memref<3x128x128xf32, #tpu.memory_space<vmem>> -> memref<1x128x128xf32, #tpu.memory_space<vmem>>
      %dma_wait3A_215 = tpu.memref_squeeze %dma_wait3A_214 : memref<1x128x128xf32, #tpu.memory_space<vmem>> -> memref<128x128xf32, #tpu.memory_space<vmem>>
      %dma_wait3A_216 = arith.constant 0 : i32
      %dma_wait3A_217 = tpu.memref_slice %arg7[%dma_wait3A_210, %dma_wait3A_216] : memref<4x128xi32, #tpu.memory_space<vmem>> -> memref<1x128xi32, #tpu.memory_space<vmem>>
      %dma_wait3A_218 = tpu.memref_squeeze %dma_wait3A_217 : memref<1x128xi32, #tpu.memory_space<vmem>> -> memref<128xi32, #tpu.memory_space<vmem>>
      %dma_wait3A_219 = arith.constant 0 : i32
      %dma_wait3A_220 = arith.constant 0 : i32
      %dma_wait3A_221 = tpu.memref_slice %arg2[%dma_wait3A_219, %dma_wait3A_220] : memref<10008x128xf32, #tpu.memory_space<hbm>> -> memref<10008x128xf32, #tpu.memory_space<hbm>>
      tpu.wait_indirect_dma semaphore(%arg15 : memref<!tpu.dma_semaphore, #tpu.memory_space<semaphore_mem>>) src(%dma_wait3A_221 : memref<10008x128xf32, #tpu.memory_space<hbm>>) dst(%dma_wait3A_215 : memref<128x128xf32, #tpu.memory_space<vmem>>)
      %dma_start3A_222 = arith.constant 2 : i32
      %dma_start3A_223 = arith.constant 2 : i32
      %dma_start3A_224 = arith.constant 0 : i32
      %dma_start3A_225 = arith.constant 0 : i32
      %dma_start3A_226 = tpu.memref_slice %arg9[%dma_start3A_222, %dma_start3A_224, %dma_start3A_225] : memref<3x128x128xf32, #tpu.memory_space<vmem>> -> memref<1x128x128xf32, #tpu.memory_space<vmem>>
      %dma_start3A_227 = tpu.memref_squeeze %dma_start3A_226 : memref<1x128x128xf32, #tpu.memory_space<vmem>> -> memref<128x128xf32, #tpu.memory_space<vmem>>
      %dma_start3A_228 = arith.constant 0 : i32
      %dma_start3A_229 = tpu.memref_slice %arg8[%dma_start3A_223, %dma_start3A_228] : memref<4x128xi32, #tpu.memory_space<vmem>> -> memref<1x128xi32, #tpu.memory_space<vmem>>
      %dma_start3A_230 = tpu.memref_squeeze %dma_start3A_229 : memref<1x128xi32, #tpu.memory_space<vmem>> -> memref<128xi32, #tpu.memory_space<vmem>>
      %dma_start3A_231 = arith.constant 0 : i32
      %dma_start3A_232 = arith.constant 0 : i32
      %dma_start3A_233 = tpu.memref_slice %arg11[%dma_start3A_231, %dma_start3A_232] : memref<10008x128xf32, #tpu.memory_space<vmem_shared>> -> memref<10008x128xf32, #tpu.memory_space<vmem_shared>>
      tpu.enqueue_indirect_dma source(%dma_start3A_227 : memref<128x128xf32, #tpu.memory_space<vmem>>) target(%dma_start3A_233 : memref<10008x128xf32, #tpu.memory_space<vmem_shared>>) offsets(%dma_start3A_230 : memref<128xi32, #tpu.memory_space<vmem>>) semaphore(%arg18 : memref<!tpu.dma_semaphore, #tpu.memory_space<semaphore_mem>>) {add = true}
      %run_scoped3A_234 = arith.constant 2 : i32
      "tpu.region"() ({
        %run_scoped3A_296 = tpu.sem_alloc : memref<!tpu.dma_semaphore, #tpu.memory_space<semaphore_mem>>
        %dma_start3A_297 = arith.constant 0 : i32
        %dma_start3A_298 = tpu.memref_slice %arg8[%run_scoped3A_234, %dma_start3A_297] : memref<4x128xi32, #tpu.memory_space<vmem>> -> memref<1x128xi32, #tpu.memory_space<vmem>>
        %dma_start3A_299 = tpu.memref_squeeze %dma_start3A_298 : memref<1x128xi32, #tpu.memory_space<vmem>> -> memref<128xi32, #tpu.memory_space<vmem>>
        %dma_start3A_300 = arith.constant 0 : i32
        %dma_start3A_301 = tpu.memref_slice %arg12[%dma_start3A_300] : memref<10112xf32, #tpu.memory_space<vmem_shared>> -> memref<10112xf32, #tpu.memory_space<vmem_shared>>
        tpu.enqueue_indirect_dma source(%arg10 : memref<128xf32, #tpu.memory_space<vmem>>) target(%dma_start3A_301 : memref<10112xf32, #tpu.memory_space<vmem_shared>>) offsets(%dma_start3A_299 : memref<128xi32, #tpu.memory_space<vmem>>) semaphore(%run_scoped3A_296 : memref<!tpu.dma_semaphore, #tpu.memory_space<semaphore_mem>>) {add = true}
        %dma_wait3A_302 = arith.constant 0 : i32
        %dma_wait3A_303 = tpu.memref_slice %arg8[%run_scoped3A_234, %dma_wait3A_302] : memref<4x128xi32, #tpu.memory_space<vmem>> -> memref<1x128xi32, #tpu.memory_space<vmem>>
        %dma_wait3A_304 = tpu.memref_squeeze %dma_wait3A_303 : memref<1x128xi32, #tpu.memory_space<vmem>> -> memref<128xi32, #tpu.memory_space<vmem>>
        %dma_wait3A_305 = arith.constant 0 : i32
        %dma_wait3A_306 = tpu.memref_slice %arg12[%dma_wait3A_305] : memref<10112xf32, #tpu.memory_space<vmem_shared>> -> memref<10112xf32, #tpu.memory_space<vmem_shared>>
        tpu.wait_indirect_dma semaphore(%run_scoped3A_296 : memref<!tpu.dma_semaphore, #tpu.memory_space<semaphore_mem>>) src(%arg10 : memref<128xf32, #tpu.memory_space<vmem>>) dst(%dma_wait3A_306 : memref<10112xf32, #tpu.memory_space<vmem_shared>>)
        tpu.yield
      }) : () -> ()
      %dma_wait3A_235 = arith.constant 1 : i32
      %dma_wait3A_236 = arith.constant 1 : i32
      %dma_wait3A_237 = arith.constant 0 : i32
      %dma_wait3A_238 = arith.constant 0 : i32
      %dma_wait3A_239 = tpu.memref_slice %arg9[%dma_wait3A_235, %dma_wait3A_237, %dma_wait3A_238] : memref<3x128x128xf32, #tpu.memory_space<vmem>> -> memref<1x128x128xf32, #tpu.memory_space<vmem>>
      %dma_wait3A_240 = tpu.memref_squeeze %dma_wait3A_239 : memref<1x128x128xf32, #tpu.memory_space<vmem>> -> memref<128x128xf32, #tpu.memory_space<vmem>>
      %dma_wait3A_241 = arith.constant 0 : i32
      %dma_wait3A_242 = tpu.memref_slice %arg8[%dma_wait3A_236, %dma_wait3A_241] : memref<4x128xi32, #tpu.memory_space<vmem>> -> memref<1x128xi32, #tpu.memory_space<vmem>>
      %dma_wait3A_243 = tpu.memref_squeeze %dma_wait3A_242 : memref<1x128xi32, #tpu.memory_space<vmem>> -> memref<128xi32, #tpu.memory_space<vmem>>
      %dma_wait3A_244 = arith.constant 0 : i32
      %dma_wait3A_245 = arith.constant 0 : i32
      %dma_wait3A_246 = tpu.memref_slice %arg11[%dma_wait3A_244, %dma_wait3A_245] : memref<10008x128xf32, #tpu.memory_space<vmem_shared>> -> memref<10008x128xf32, #tpu.memory_space<vmem_shared>>
      tpu.wait_indirect_dma semaphore(%arg17 : memref<!tpu.dma_semaphore, #tpu.memory_space<semaphore_mem>>) src(%dma_wait3A_240 : memref<128x128xf32, #tpu.memory_space<vmem>>) dst(%dma_wait3A_246 : memref<10008x128xf32, #tpu.memory_space<vmem_shared>>)
      %dma_wait3A_247 = arith.constant 3 : i32
      %dma_wait3A_248 = arith.constant 0 : i32
      %dma_wait3A_249 = arith.constant 0 : i32
      %dma_wait3A_250 = arith.constant 0 : i32
      %dma_wait3A_251 = tpu.memref_slice %arg9[%dma_wait3A_248, %dma_wait3A_249, %dma_wait3A_250] : memref<3x128x128xf32, #tpu.memory_space<vmem>> -> memref<1x128x128xf32, #tpu.memory_space<vmem>>
      %dma_wait3A_252 = tpu.memref_squeeze %dma_wait3A_251 : memref<1x128x128xf32, #tpu.memory_space<vmem>> -> memref<128x128xf32, #tpu.memory_space<vmem>>
      %dma_wait3A_253 = arith.constant 0 : i32
      %dma_wait3A_254 = tpu.memref_slice %arg7[%dma_wait3A_247, %dma_wait3A_253] : memref<4x128xi32, #tpu.memory_space<vmem>> -> memref<1x128xi32, #tpu.memory_space<vmem>>
      %dma_wait3A_255 = tpu.memref_squeeze %dma_wait3A_254 : memref<1x128xi32, #tpu.memory_space<vmem>> -> memref<128xi32, #tpu.memory_space<vmem>>
      %dma_wait3A_256 = arith.constant 0 : i32
      %dma_wait3A_257 = arith.constant 0 : i32
      %dma_wait3A_258 = tpu.memref_slice %arg2[%dma_wait3A_256, %dma_wait3A_257] : memref<10008x128xf32, #tpu.memory_space<hbm>> -> memref<10008x128xf32, #tpu.memory_space<hbm>>
      tpu.wait_indirect_dma semaphore(%arg13 : memref<!tpu.dma_semaphore, #tpu.memory_space<semaphore_mem>>) src(%dma_wait3A_258 : memref<10008x128xf32, #tpu.memory_space<hbm>>) dst(%dma_wait3A_252 : memref<128x128xf32, #tpu.memory_space<vmem>>)
      %dma_start3A_259 = arith.constant 0 : i32
      %dma_start3A_260 = arith.constant 3 : i32
      %dma_start3A_261 = arith.constant 0 : i32
      %dma_start3A_262 = arith.constant 0 : i32
      %dma_start3A_263 = tpu.memref_slice %arg9[%dma_start3A_259, %dma_start3A_261, %dma_start3A_262] : memref<3x128x128xf32, #tpu.memory_space<vmem>> -> memref<1x128x128xf32, #tpu.memory_space<vmem>>
      %dma_start3A_264 = tpu.memref_squeeze %dma_start3A_263 : memref<1x128x128xf32, #tpu.memory_space<vmem>> -> memref<128x128xf32, #tpu.memory_space<vmem>>
      %dma_start3A_265 = arith.constant 0 : i32
      %dma_start3A_266 = tpu.memref_slice %arg8[%dma_start3A_260, %dma_start3A_265] : memref<4x128xi32, #tpu.memory_space<vmem>> -> memref<1x128xi32, #tpu.memory_space<vmem>>
      %dma_start3A_267 = tpu.memref_squeeze %dma_start3A_266 : memref<1x128xi32, #tpu.memory_space<vmem>> -> memref<128xi32, #tpu.memory_space<vmem>>
      %dma_start3A_268 = arith.constant 0 : i32
      %dma_start3A_269 = arith.constant 0 : i32
      %dma_start3A_270 = tpu.memref_slice %arg11[%dma_start3A_268, %dma_start3A_269] : memref<10008x128xf32, #tpu.memory_space<vmem_shared>> -> memref<10008x128xf32, #tpu.memory_space<vmem_shared>>
      tpu.enqueue_indirect_dma source(%dma_start3A_264 : memref<128x128xf32, #tpu.memory_space<vmem>>) target(%dma_start3A_270 : memref<10008x128xf32, #tpu.memory_space<vmem_shared>>) offsets(%dma_start3A_267 : memref<128xi32, #tpu.memory_space<vmem>>) semaphore(%arg16 : memref<!tpu.dma_semaphore, #tpu.memory_space<semaphore_mem>>) {add = true}
      %run_scoped3A_271 = arith.constant 3 : i32
      "tpu.region"() ({
        %run_scoped3A_296 = tpu.sem_alloc : memref<!tpu.dma_semaphore, #tpu.memory_space<semaphore_mem>>
        %dma_start3A_297 = arith.constant 0 : i32
        %dma_start3A_298 = tpu.memref_slice %arg8[%run_scoped3A_271, %dma_start3A_297] : memref<4x128xi32, #tpu.memory_space<vmem>> -> memref<1x128xi32, #tpu.memory_space<vmem>>
        %dma_start3A_299 = tpu.memref_squeeze %dma_start3A_298 : memref<1x128xi32, #tpu.memory_space<vmem>> -> memref<128xi32, #tpu.memory_space<vmem>>
        %dma_start3A_300 = arith.constant 0 : i32
        %dma_start3A_301 = tpu.memref_slice %arg12[%dma_start3A_300] : memref<10112xf32, #tpu.memory_space<vmem_shared>> -> memref<10112xf32, #tpu.memory_space<vmem_shared>>
        tpu.enqueue_indirect_dma source(%arg10 : memref<128xf32, #tpu.memory_space<vmem>>) target(%dma_start3A_301 : memref<10112xf32, #tpu.memory_space<vmem_shared>>) offsets(%dma_start3A_299 : memref<128xi32, #tpu.memory_space<vmem>>) semaphore(%run_scoped3A_296 : memref<!tpu.dma_semaphore, #tpu.memory_space<semaphore_mem>>) {add = true}
        %dma_wait3A_302 = arith.constant 0 : i32
        %dma_wait3A_303 = tpu.memref_slice %arg8[%run_scoped3A_271, %dma_wait3A_302] : memref<4x128xi32, #tpu.memory_space<vmem>> -> memref<1x128xi32, #tpu.memory_space<vmem>>
        %dma_wait3A_304 = tpu.memref_squeeze %dma_wait3A_303 : memref<1x128xi32, #tpu.memory_space<vmem>> -> memref<128xi32, #tpu.memory_space<vmem>>
        %dma_wait3A_305 = arith.constant 0 : i32
        %dma_wait3A_306 = tpu.memref_slice %arg12[%dma_wait3A_305] : memref<10112xf32, #tpu.memory_space<vmem_shared>> -> memref<10112xf32, #tpu.memory_space<vmem_shared>>
        tpu.wait_indirect_dma semaphore(%run_scoped3A_296 : memref<!tpu.dma_semaphore, #tpu.memory_space<semaphore_mem>>) src(%arg10 : memref<128xf32, #tpu.memory_space<vmem>>) dst(%dma_wait3A_306 : memref<10112xf32, #tpu.memory_space<vmem_shared>>)
        tpu.yield
      }) : () -> ()
      %dma_wait3A_272 = arith.constant 2 : i32
      %dma_wait3A_273 = arith.constant 2 : i32
      %dma_wait3A_274 = arith.constant 0 : i32
      %dma_wait3A_275 = arith.constant 0 : i32
      %dma_wait3A_276 = tpu.memref_slice %arg9[%dma_wait3A_272, %dma_wait3A_274, %dma_wait3A_275] : memref<3x128x128xf32, #tpu.memory_space<vmem>> -> memref<1x128x128xf32, #tpu.memory_space<vmem>>
      %dma_wait3A_277 = tpu.memref_squeeze %dma_wait3A_276 : memref<1x128x128xf32, #tpu.memory_space<vmem>> -> memref<128x128xf32, #tpu.memory_space<vmem>>
      %dma_wait3A_278 = arith.constant 0 : i32
      %dma_wait3A_279 = tpu.memref_slice %arg8[%dma_wait3A_273, %dma_wait3A_278] : memref<4x128xi32, #tpu.memory_space<vmem>> -> memref<1x128xi32, #tpu.memory_space<vmem>>
      %dma_wait3A_280 = tpu.memref_squeeze %dma_wait3A_279 : memref<1x128xi32, #tpu.memory_space<vmem>> -> memref<128xi32, #tpu.memory_space<vmem>>
      %dma_wait3A_281 = arith.constant 0 : i32
      %dma_wait3A_282 = arith.constant 0 : i32
      %dma_wait3A_283 = tpu.memref_slice %arg11[%dma_wait3A_281, %dma_wait3A_282] : memref<10008x128xf32, #tpu.memory_space<vmem_shared>> -> memref<10008x128xf32, #tpu.memory_space<vmem_shared>>
      tpu.wait_indirect_dma semaphore(%arg18 : memref<!tpu.dma_semaphore, #tpu.memory_space<semaphore_mem>>) src(%dma_wait3A_277 : memref<128x128xf32, #tpu.memory_space<vmem>>) dst(%dma_wait3A_283 : memref<10008x128xf32, #tpu.memory_space<vmem_shared>>)
      %dma_wait3A_284 = arith.constant 0 : i32
      %dma_wait3A_285 = arith.constant 3 : i32
      %dma_wait3A_286 = arith.constant 0 : i32
      %dma_wait3A_287 = arith.constant 0 : i32
      %dma_wait3A_288 = tpu.memref_slice %arg9[%dma_wait3A_284, %dma_wait3A_286, %dma_wait3A_287] : memref<3x128x128xf32, #tpu.memory_space<vmem>> -> memref<1x128x128xf32, #tpu.memory_space<vmem>>
      %dma_wait3A_289 = tpu.memref_squeeze %dma_wait3A_288 : memref<1x128x128xf32, #tpu.memory_space<vmem>> -> memref<128x128xf32, #tpu.memory_space<vmem>>
      %dma_wait3A_290 = arith.constant 0 : i32
      %dma_wait3A_291 = tpu.memref_slice %arg8[%dma_wait3A_285, %dma_wait3A_290] : memref<4x128xi32, #tpu.memory_space<vmem>> -> memref<1x128xi32, #tpu.memory_space<vmem>>
      %dma_wait3A_292 = tpu.memref_squeeze %dma_wait3A_291 : memref<1x128xi32, #tpu.memory_space<vmem>> -> memref<128xi32, #tpu.memory_space<vmem>>
      %dma_wait3A_293 = arith.constant 0 : i32
      %dma_wait3A_294 = arith.constant 0 : i32
      %dma_wait3A_295 = tpu.memref_slice %arg11[%dma_wait3A_293, %dma_wait3A_294] : memref<10008x128xf32, #tpu.memory_space<vmem_shared>> -> memref<10008x128xf32, #tpu.memory_space<vmem_shared>>
      tpu.wait_indirect_dma semaphore(%arg16 : memref<!tpu.dma_semaphore, #tpu.memory_space<semaphore_mem>>) src(%dma_wait3A_289 : memref<128x128xf32, #tpu.memory_space<vmem>>) dst(%dma_wait3A_295 : memref<10008x128xf32, #tpu.memory_space<vmem_shared>>)
    }
    %scan3A_81 = arith.constant 20 : i32
    %barrier3A_82 = arith.constant 0 : index
    tpu.barrier barrier_id(%barrier3A_82)
    %lt3A_83 = arith.constant 15 : i32
    %lt3A_84 = arith.cmpi slt, %arg1, %lt3A_83 : i32
    %convert_element_type3A_85 = arith.extui %lt3A_84 : i1 to i32
    %cond3A_86 = arith.constant 0 : i32
    %cond3A_87 = arith.cmpi ne, %convert_element_type3A_85, %cond3A_86 : i32
    scf.if %cond3A_87 {
      %mul3A_98 = arith.constant 632 : i32
      %mul3A_99 = arith.muli %arg1, %mul3A_98 : i32
      "tpu.region"() ({
        %run_scoped3A_100 = tpu.sem_alloc : memref<!tpu.dma_semaphore, #tpu.memory_space<semaphore_mem>>
        %dma_start3A = arith.constant 0 : i32
        %dma_start3A_101 = tpu.memref_slice %arg5[%arg0, %mul3A_99, %dma_start3A] : memref<2x10000x128xf32, #tpu.memory_space<hbm>> -> memref<1x632x128xf32, #tpu.memory_space<hbm>>
        %dma_start3A_102 = tpu.memref_squeeze %dma_start3A_101 : memref<1x632x128xf32, #tpu.memory_space<hbm>> -> memref<632x128xf32, #tpu.memory_space<hbm>>
        %dma_start3A_103 = arith.constant 0 : i32
        %dma_start3A_104 = tpu.memref_slice %arg11[%mul3A_99, %dma_start3A_103] : memref<10008x128xf32, #tpu.memory_space<vmem_shared>> -> memref<632x128xf32, #tpu.memory_space<vmem_shared>>
        tpu.enqueue_dma source(%dma_start3A_104 : memref<632x128xf32, #tpu.memory_space<vmem_shared>>) target(%dma_start3A_102 : memref<632x128xf32, #tpu.memory_space<hbm>>) target_semaphore(%run_scoped3A_100 : memref<!tpu.dma_semaphore, #tpu.memory_space<semaphore_mem>>)
        %dma_wait3A = arith.constant 0 : i32
        %dma_wait3A_105 = tpu.memref_slice %arg5[%arg0, %mul3A_99, %dma_wait3A] : memref<2x10000x128xf32, #tpu.memory_space<hbm>> -> memref<1x632x128xf32, #tpu.memory_space<hbm>>
        %dma_wait3A_106 = tpu.memref_squeeze %dma_wait3A_105 : memref<1x632x128xf32, #tpu.memory_space<hbm>> -> memref<632x128xf32, #tpu.memory_space<hbm>>
        %dma_wait3A_107 = arith.constant 0 : i32
        %dma_wait3A_108 = tpu.memref_slice %arg11[%mul3A_99, %dma_wait3A_107] : memref<10008x128xf32, #tpu.memory_space<vmem_shared>> -> memref<632x128xf32, #tpu.memory_space<vmem_shared>>
        tpu.wait_dma2 semaphore(%run_scoped3A_100 : memref<!tpu.dma_semaphore, #tpu.memory_space<semaphore_mem>>) src(%dma_wait3A_108 : memref<632x128xf32, #tpu.memory_space<vmem_shared>>) dst(%dma_wait3A_106 : memref<632x128xf32, #tpu.memory_space<hbm>>)
        tpu.yield
      }) : () -> ()
    } else {
    }
    %eq3A_88 = arith.constant 15 : i32
    %eq3A_89 = arith.cmpi eq, %arg1, %eq3A_88 : i32
    %convert_element_type3A_90 = arith.extui %eq3A_89 : i1 to i32
    %cond3A_91 = arith.constant 0 : i32
    %cond3A_92 = arith.cmpi ne, %convert_element_type3A_90, %cond3A_91 : i32
    scf.if %cond3A_92 {
      "tpu.region"() ({
        %run_scoped3A_98 = tpu.sem_alloc : memref<!tpu.dma_semaphore, #tpu.memory_space<semaphore_mem>>
        %dma_start3A = arith.constant 9480 : i32
        %dma_start3A_99 = arith.constant 0 : i32
        %dma_start3A_100 = tpu.memref_slice %arg5[%arg0, %dma_start3A, %dma_start3A_99] : memref<2x10000x128xf32, #tpu.memory_space<hbm>> -> memref<1x520x128xf32, #tpu.memory_space<hbm>>
        %dma_start3A_101 = tpu.memref_squeeze %dma_start3A_100 : memref<1x520x128xf32, #tpu.memory_space<hbm>> -> memref<520x128xf32, #tpu.memory_space<hbm>>
        %dma_start3A_102 = arith.constant 9480 : i32
        %dma_start3A_103 = arith.constant 0 : i32
        %dma_start3A_104 = tpu.memref_slice %arg11[%dma_start3A_102, %dma_start3A_103] : memref<10008x128xf32, #tpu.memory_space<vmem_shared>> -> memref<520x128xf32, #tpu.memory_space<vmem_shared>>
        tpu.enqueue_dma source(%dma_start3A_104 : memref<520x128xf32, #tpu.memory_space<vmem_shared>>) target(%dma_start3A_101 : memref<520x128xf32, #tpu.memory_space<hbm>>) target_semaphore(%run_scoped3A_98 : memref<!tpu.dma_semaphore, #tpu.memory_space<semaphore_mem>>)
        %dma_wait3A = arith.constant 9480 : i32
        %dma_wait3A_105 = arith.constant 0 : i32
        %dma_wait3A_106 = tpu.memref_slice %arg5[%arg0, %dma_wait3A, %dma_wait3A_105] : memref<2x10000x128xf32, #tpu.memory_space<hbm>> -> memref<1x520x128xf32, #tpu.memory_space<hbm>>
        %dma_wait3A_107 = tpu.memref_squeeze %dma_wait3A_106 : memref<1x520x128xf32, #tpu.memory_space<hbm>> -> memref<520x128xf32, #tpu.memory_space<hbm>>
        %dma_wait3A_108 = arith.constant 9480 : i32
        %dma_wait3A_109 = arith.constant 0 : i32
        %dma_wait3A_110 = tpu.memref_slice %arg11[%dma_wait3A_108, %dma_wait3A_109] : memref<10008x128xf32, #tpu.memory_space<vmem_shared>> -> memref<520x128xf32, #tpu.memory_space<vmem_shared>>
        tpu.wait_dma2 semaphore(%run_scoped3A_98 : memref<!tpu.dma_semaphore, #tpu.memory_space<semaphore_mem>>) src(%dma_wait3A_110 : memref<520x128xf32, #tpu.memory_space<vmem_shared>>) dst(%dma_wait3A_107 : memref<520x128xf32, #tpu.memory_space<hbm>>)
        tpu.yield
      }) : () -> ()
    } else {
    }
    %eq3A_93 = arith.constant 0 : i32
    %eq3A_94 = arith.cmpi eq, %arg1, %eq3A_93 : i32
    %convert_element_type3A_95 = arith.extui %eq3A_94 : i1 to i32
    %cond3A_96 = arith.constant 0 : i32
    %cond3A_97 = arith.cmpi ne, %convert_element_type3A_95, %cond3A_96 : i32
    scf.if %cond3A_97 {
      %run_scoped3A_98 = arith.constant 0 : i32
      "tpu.region"() ({
        %run_scoped3A_99 = tpu.sem_alloc : memref<!tpu.dma_semaphore, #tpu.memory_space<semaphore_mem>>
        %dma_start3A = arith.constant 0 : i32
        %dma_start3A_100 = tpu.memref_slice %arg6[%arg0, %run_scoped3A_98, %dma_start3A] : memref<2x1x10112xf32, #tpu.memory_space<hbm>> -> memref<1x1x10112xf32, #tpu.memory_space<hbm>>
        %dma_start3A_101 = tpu.memref_squeeze %dma_start3A_100 : memref<1x1x10112xf32, #tpu.memory_space<hbm>> -> memref<10112xf32, #tpu.memory_space<hbm>>
        tpu.enqueue_dma source(%arg12 : memref<10112xf32, #tpu.memory_space<vmem_shared>>) target(%dma_start3A_101 : memref<10112xf32, #tpu.memory_space<hbm>>) target_semaphore(%run_scoped3A_99 : memref<!tpu.dma_semaphore, #tpu.memory_space<semaphore_mem>>)
        %dma_wait3A = arith.constant 0 : i32
        %dma_wait3A_102 = tpu.memref_slice %arg6[%arg0, %run_scoped3A_98, %dma_wait3A] : memref<2x1x10112xf32, #tpu.memory_space<hbm>> -> memref<1x1x10112xf32, #tpu.memory_space<hbm>>
        %dma_wait3A_103 = tpu.memref_squeeze %dma_wait3A_102 : memref<1x1x10112xf32, #tpu.memory_space<hbm>> -> memref<10112xf32, #tpu.memory_space<hbm>>
        tpu.wait_dma2 semaphore(%run_scoped3A_99 : memref<!tpu.dma_semaphore, #tpu.memory_space<semaphore_mem>>) src(%arg12 : memref<10112xf32, #tpu.memory_space<vmem_shared>>) dst(%dma_wait3A_103 : memref<10112xf32, #tpu.memory_space<hbm>>)
        tpu.yield
      }) : () -> ()
    } else {
    }
    return
  }
}

module attributes {stable_mosaic.version = 14 : i64} {
  func.func @_glue_body(%arg0: i32, %arg1: memref<2x1000x128xf32, #tpu.memory_space<vmem>>, %arg2: memref<1x1000x2xf32, #tpu.memory_space<vmem>>, %arg3: memref<1000x128xf32, #tpu.memory_space<vmem>>) attributes {dimension_semantics = [#tpu.dimension_semantics<arbitrary>], iteration_bounds = array<i64: 10>, scalar_prefetch = 0 : i64, scratch_operands = 0 : i64, tpu.core_type = #tpu.core_type<tc>, window_params = [{transform_indices = @transform_0, window_bounds = array<i64: 2, 1000, 128>}, {transform_indices = @transform_1, window_bounds = array<i64: 1, 1000, 2>}, {transform_indices = @transform_2, window_bounds = array<i64: 1000, 128>}]} {
    %get3A = arith.constant 0 : index
    %get3A_0 = arith.constant 0 : index
    %get3A_1 = arith.constant 0 : index
    %get3A_2 = vector.load %arg1[%get3A, %get3A_0, %get3A_1] : memref<2x1000x128xf32, #tpu.memory_space<vmem>>, vector<1x1000x128xf32>
    %get3A_3 = vector.shape_cast %get3A_2 : vector<1x1000x128xf32> to vector<1000x128xf32>
    %get3A_4 = arith.constant 1 : index
    %get3A_5 = arith.constant 0 : index
    %get3A_6 = arith.constant 0 : index
    %get3A_7 = vector.load %arg1[%get3A_4, %get3A_5, %get3A_6] : memref<2x1000x128xf32, #tpu.memory_space<vmem>>, vector<1x1000x128xf32>
    %get3A_8 = vector.shape_cast %get3A_7 : vector<1x1000x128xf32> to vector<1000x128xf32>
    %add3A = arith.addf %get3A_3, %get3A_8 : vector<1000x128xf32>
    %get3A_9 = arith.constant 0 : index
    %get3A_10 = arith.constant 0 : index
    %get3A_11 = arith.constant 0 : index
    %get3A_12 = vector.load %arg2[%get3A_9, %get3A_10, %get3A_11] : memref<1x1000x2xf32, #tpu.memory_space<vmem>>, vector<1x1000x1xf32>
    %get3A_13 = vector.shape_cast %get3A_12 : vector<1x1000x1xf32> to vector<1000x1xf32>
    %get3A_14 = arith.constant 0 : index
    %get3A_15 = arith.constant 0 : index
    %get3A_16 = arith.constant 1 : index
    %get3A_17 = vector.load %arg2[%get3A_14, %get3A_15, %get3A_16] : memref<1x1000x2xf32, #tpu.memory_space<vmem>>, vector<1x1000x1xf32>
    %get3A_18 = vector.shape_cast %get3A_17 : vector<1x1000x1xf32> to vector<1000x1xf32>
    %add3A_19 = arith.addf %get3A_13, %get3A_18 : vector<1000x1xf32>
    %gt3A = arith.constant 0.000000e+00 : f32
    %gt3A_20 = vector.broadcast %gt3A : f32 to vector<1000x1xf32>
    %gt3A_21 = arith.cmpf ogt, %add3A_19, %gt3A_20 : vector<1000x1xf32>
    %div3A = arith.constant 1.000000e+00 : f32
    %div3A_22 = vector.broadcast %div3A : f32 to vector<1000x1xf32>
    %div3A_23 = arith.divf %div3A_22, %add3A_19 : vector<1000x1xf32>
    %jit3A = arith.constant 0.000000e+00 : f32
    %broadcast_in_dim3A = vector.broadcast %jit3A : f32 to vector<1000x1xf32>
    %select_n3A = arith.select %gt3A_21, %div3A_23, %broadcast_in_dim3A : vector<1000x1xi1>, vector<1000x1xf32>
    %mul3A = vector.broadcast %select_n3A : vector<1000x1xf32> to vector<1000x128xf32>
    %mul3A_24 = arith.mulf %add3A, %mul3A : vector<1000x128xf32>
    %swap3A = arith.constant 0 : index
    %swap3A_25 = arith.constant 0 : index
    %swap3A_26 = vector.load %arg3[%swap3A, %swap3A_25] : memref<1000x128xf32, #tpu.memory_space<vmem>>, vector<1000x128xf32>
    tpu.vector_store %arg3[%swap3A, %swap3A_25], %mul3A_24 {strides = array<i32>} : memref<1000x128xf32, #tpu.memory_space<vmem>>, vector<1000x128xf32>,
    return
  }
  func.func @transform_0(%arg0: i32) -> (i32, i32, i32) {
    %c0_i32 = arith.constant 0 : i32
    %c0_i32_0 = arith.constant 0 : i32
    %c0_i32_1 = arith.constant 0 : i32
    return %c0_i32, %arg0, %c0_i32_0 : i32, i32, i32
  }
  func.func @transform_1(%arg0: i32) -> (i32, i32, i32) {
    %c0_i32 = arith.constant 0 : i32
    %c0_i32_0 = arith.constant 0 : i32
    %c0_i32_1 = arith.constant 0 : i32
    return %arg0, %c0_i32, %c0_i32_0 : i32, i32, i32
  }
  func.func @transform_2(%arg0: i32) -> (i32, i32) {
    %c0_i32 = arith.constant 0 : i32
    %c0_i32_0 = arith.constant 0 : i32
    return %arg0, %c0_i32 : i32, i32
  }
}

module attributes {stable_mosaic.version = 14 : i64} {
  func.func @_final_body(%arg0: i32, %arg1: memref<2x1000x128xf32, #tpu.memory_space<vmem>>, %arg2: memref<1x1000x2xf32, #tpu.memory_space<vmem>>, %arg3: memref<128x128xf32, #tpu.memory_space<vmem>>, %arg4: memref<1x128xf32, #tpu.memory_space<vmem>>, %arg5: memref<128x128xf32, #tpu.memory_space<vmem>>, %arg6: memref<1x128xf32, #tpu.memory_space<vmem>>, %arg7: memref<1000x128xf32, #tpu.memory_space<vmem>>) attributes {dimension_semantics = [#tpu.dimension_semantics<arbitrary>], iteration_bounds = array<i64: 10>, scalar_prefetch = 0 : i64, scratch_operands = 0 : i64, tpu.core_type = #tpu.core_type<tc>, window_params = [{transform_indices = @transform_0, window_bounds = array<i64: 2, 1000, 128>}, {transform_indices = @transform_1, window_bounds = array<i64: 1, 1000, 2>}, {pipeline_mode = #tpu.pipeline_mode<synchronous>, transform_indices = @transform_2, window_bounds = array<i64: 128, 128>}, {pipeline_mode = #tpu.pipeline_mode<synchronous>, transform_indices = @transform_3, window_bounds = array<i64: 1, 128>}, {pipeline_mode = #tpu.pipeline_mode<synchronous>, transform_indices = @transform_4, window_bounds = array<i64: 128, 128>}, {pipeline_mode = #tpu.pipeline_mode<synchronous>, transform_indices = @transform_5, window_bounds = array<i64: 1, 128>}, {transform_indices = @transform_6, window_bounds = array<i64: 1000, 128>}]} {
    %get3A = arith.constant 0 : index
    %get3A_0 = arith.constant 0 : index
    %get3A_1 = arith.constant 0 : index
    %get3A_2 = vector.load %arg1[%get3A, %get3A_0, %get3A_1] : memref<2x1000x128xf32, #tpu.memory_space<vmem>>, vector<1x1000x128xf32>
    %get3A_3 = vector.shape_cast %get3A_2 : vector<1x1000x128xf32> to vector<1000x128xf32>
    %get3A_4 = arith.constant 1 : index
    %get3A_5 = arith.constant 0 : index
    %get3A_6 = arith.constant 0 : index
    %get3A_7 = vector.load %arg1[%get3A_4, %get3A_5, %get3A_6] : memref<2x1000x128xf32, #tpu.memory_space<vmem>>, vector<1x1000x128xf32>
    %get3A_8 = vector.shape_cast %get3A_7 : vector<1x1000x128xf32> to vector<1000x128xf32>
    %add3A = arith.addf %get3A_3, %get3A_8 : vector<1000x128xf32>
    %get3A_9 = arith.constant 0 : index
    %get3A_10 = arith.constant 0 : index
    %get3A_11 = arith.constant 0 : index
    %get3A_12 = vector.load %arg2[%get3A_9, %get3A_10, %get3A_11] : memref<1x1000x2xf32, #tpu.memory_space<vmem>>, vector<1x1000x1xf32>
    %get3A_13 = vector.shape_cast %get3A_12 : vector<1x1000x1xf32> to vector<1000x1xf32>
    %get3A_14 = arith.constant 0 : index
    %get3A_15 = arith.constant 0 : index
    %get3A_16 = arith.constant 1 : index
    %get3A_17 = vector.load %arg2[%get3A_14, %get3A_15, %get3A_16] : memref<1x1000x2xf32, #tpu.memory_space<vmem>>, vector<1x1000x1xf32>
    %get3A_18 = vector.shape_cast %get3A_17 : vector<1x1000x1xf32> to vector<1000x1xf32>
    %add3A_19 = arith.addf %get3A_13, %get3A_18 : vector<1000x1xf32>
    %gt3A = arith.constant 0.000000e+00 : f32
    %gt3A_20 = vector.broadcast %gt3A : f32 to vector<1000x1xf32>
    %gt3A_21 = arith.cmpf ogt, %add3A_19, %gt3A_20 : vector<1000x1xf32>
    %div3A = arith.constant 1.000000e+00 : f32
    %div3A_22 = vector.broadcast %div3A : f32 to vector<1000x1xf32>
    %div3A_23 = arith.divf %div3A_22, %add3A_19 : vector<1000x1xf32>
    %jit3A = arith.constant 0.000000e+00 : f32
    %broadcast_in_dim3A = vector.broadcast %jit3A : f32 to vector<1000x1xf32>
    %select_n3A = arith.select %gt3A_21, %div3A_23, %broadcast_in_dim3A : vector<1000x1xi1>, vector<1000x1xf32>
    %mul3A = vector.broadcast %select_n3A : vector<1000x1xf32> to vector<1000x128xf32>
    %mul3A_24 = arith.mulf %add3A, %mul3A : vector<1000x128xf32>
    %get3A_25 = arith.constant 0 : index
    %get3A_26 = arith.constant 0 : index
    %get3A_27 = vector.load %arg5[%get3A_25, %get3A_26] : memref<128x128xf32, #tpu.memory_space<vmem>>, vector<128x128xf32>
    %get3A_28 = arith.constant 0 : index
    %get3A_29 = arith.constant 0 : index
    %get3A_30 = vector.load %arg3[%get3A_28, %get3A_29] : memref<128x128xf32, #tpu.memory_space<vmem>>, vector<128x128xf32>
    %dot_general3A = arith.constant dense<0.000000e+00> : vector<128x128xf32>
    %dot_general3A_31 = tpu.matmul %get3A_27, %get3A_30, %dot_general3A {dimension_numbers = #tpu.dot_dimension_numbers<[1], [0], [0], [1], [0, 0, 1, 1], [], []>, transpose_lhs_hint = false} : vector<128x128xf32>, vector<128x128xf32>, vector<128x128xf32> -> vector<128x128xf32>
    %dot_general3A_32 = arith.constant dense<0.000000e+00> : vector<1000x128xf32>
    %dot_general3A_33 = tpu.matmul %mul3A_24, %dot_general3A_31, %dot_general3A_32 {dimension_numbers = #tpu.dot_dimension_numbers<[1], [1], [0], [0], [0, 0, 1, 0], [], []>, transpose_lhs_hint = false} : vector<1000x128xf32>, vector<128x128xf32>, vector<1000x128xf32> -> vector<1000x128xf32>
    %get3A_34 = arith.constant 0 : index
    %get3A_35 = arith.constant 0 : index
    %get3A_36 = vector.load %arg4[%get3A_34, %get3A_35] : memref<1x128xf32, #tpu.memory_space<vmem>>, vector<1x128xf32>
    %get3A_37 = arith.constant 0 : index
    %get3A_38 = arith.constant 0 : index
    %get3A_39 = vector.load %arg5[%get3A_37, %get3A_38] : memref<128x128xf32, #tpu.memory_space<vmem>>, vector<128x128xf32>
    %dot_general3A_40 = arith.constant dense<0.000000e+00> : vector<1x128xf32>
    %dot_general3A_41 = tpu.matmul %get3A_36, %get3A_39, %dot_general3A_40 {dimension_numbers = #tpu.dot_dimension_numbers<[1], [1], [0], [0], [0, 0, 1, 0], [], []>, transpose_lhs_hint = false} : vector<1x128xf32>, vector<128x128xf32>, vector<1x128xf32> -> vector<1x128xf32>
    %add3A_42 = vector.broadcast %dot_general3A_41 : vector<1x128xf32> to vector<1000x128xf32>
    %add3A_43 = arith.addf %dot_general3A_33, %add3A_42 : vector<1000x128xf32>
    %get3A_44 = arith.constant 0 : index
    %get3A_45 = arith.constant 0 : index
    %get3A_46 = vector.load %arg6[%get3A_44, %get3A_45] : memref<1x128xf32, #tpu.memory_space<vmem>>, vector<1x128xf32>
    %add3A_47 = vector.broadcast %get3A_46 : vector<1x128xf32> to vector<1000x128xf32>
    %add3A_48 = arith.addf %add3A_43, %add3A_47 : vector<1000x128xf32>
    %reduce_max3A = arith.constant dense<0xFF800000> : vector<1000xf32>
    %reduce_max3A_49 = vector.multi_reduction <maximumf>, %add3A_48, %reduce_max3A [1] : vector<1000x128xf32> to vector<1000xf32>
    %broadcast_in_dim3A_50 = vector.shape_cast %reduce_max3A_49 : vector<1000xf32> to vector<1000x1xf32>
    %sub3A = vector.broadcast %broadcast_in_dim3A_50 : vector<1000x1xf32> to vector<1000x128xf32>
    %sub3A_51 = arith.subf %add3A_48, %sub3A : vector<1000x128xf32>
    %exp3A = math.exp %sub3A_51 : vector<1000x128xf32>
    %reduce_sum3A = arith.constant dense<0.000000e+00> : vector<1000xf32>
    %reduce_sum3A_52 = vector.multi_reduction <add>, %exp3A, %reduce_sum3A [1] : vector<1000x128xf32> to vector<1000xf32>
    %broadcast_in_dim3A_53 = vector.shape_cast %reduce_sum3A_52 : vector<1000xf32> to vector<1000x1xf32>
    %div3A_54 = vector.broadcast %broadcast_in_dim3A_53 : vector<1000x1xf32> to vector<1000x128xf32>
    %div3A_55 = arith.divf %exp3A, %div3A_54 : vector<1000x128xf32>
    %swap3A = arith.constant 0 : index
    %swap3A_56 = arith.constant 0 : index
    %swap3A_57 = vector.load %arg7[%swap3A, %swap3A_56] : memref<1000x128xf32, #tpu.memory_space<vmem>>, vector<1000x128xf32>
    tpu.vector_store %arg7[%swap3A, %swap3A_56], %div3A_55 {strides = array<i32>} : memref<1000x128xf32, #tpu.memory_space<vmem>>, vector<1000x128xf32>,
    return
  }
  func.func @transform_0(%arg0: i32) -> (i32, i32, i32) {
    %c0_i32 = arith.constant 0 : i32
    %c0_i32_0 = arith.constant 0 : i32
    %c0_i32_1 = arith.constant 0 : i32
    return %c0_i32, %arg0, %c0_i32_0 : i32, i32, i32
  }
  func.func @transform_1(%arg0: i32) -> (i32, i32, i32) {
    %c0_i32 = arith.constant 0 : i32
    %c0_i32_0 = arith.constant 0 : i32
    %c0_i32_1 = arith.constant 0 : i32
    return %arg0, %c0_i32, %c0_i32_0 : i32, i32, i32
  }
  func.func @transform_2(%arg0: i32) -> (i32, i32) {
    %c0_i32 = arith.constant 0 : i32
    %c0_i32_0 = arith.constant 0 : i32
    %c0_i32_1 = arith.constant 0 : i32
    return %c0_i32, %c0_i32_0 : i32, i32
  }
  func.func @transform_3(%arg0: i32) -> (i32, i32) {
    %c0_i32 = arith.constant 0 : i32
    %c0_i32_0 = arith.constant 0 : i32
    %c0_i32_1 = arith.constant 0 : i32
    return %c0_i32, %c0_i32_0 : i32, i32
  }
  func.func @transform_4(%arg0: i32) -> (i32, i32) {
    %c0_i32 = arith.constant 0 : i32
    %c0_i32_0 = arith.constant 0 : i32
    %c0_i32_1 = arith.constant 0 : i32
    return %c0_i32, %c0_i32_0 : i32, i32
  }
  func.func @transform_5(%arg0: i32) -> (i32, i32) {
    %c0_i32 = arith.constant 0 : i32
    %c0_i32_0 = arith.constant 0 : i32
    %c0_i32_1 = arith.constant 0 : i32
    return %c0_i32, %c0_i32_0 : i32, i32
  }
  func.func @transform_6(%arg0: i32) -> (i32, i32) {
    %c0_i32 = arith.constant 0 : i32
    %c0_i32_0 = arith.constant 0 : i32
    return %arg0, %c0_i32 : i32, i32
  }
}

</mosaic_0001>

<sc_bundles>
// kernel: kernel.6.cloned.1.call-start
scs
__scs_entry_jumppad:
0x0: {  	(pc) =	sbr.rel $0x88, $3  }
0x1: {  	(tag) =	ssettag $0x0;
	lr =	simm.s32 $0x1  }
0x2: {  	[smem:$0x3F9B] =	sst lr;
	_ =	strace $0xD0000000  }
0x3: {  	_ = 	snop  }
0x4: {  	_ = 	snop  }
0x5: {  	_ = 	snop  }
0x6: {  	_ = 	snop  }
0x7: {  	_ = 	snop  }
__scs_overlays_trampoline_lowered:
0x8: {  	[smem:$0x3FAA] =	sst s0  }
0x9: {  	[smem:$0x3FAB] =	sst s1  }
0xa: {  	[smem:$0x3FAC] =	sst s2  }
0xb: {  	[smem:$0x3FAD] =	sst s3  }
0xc: {  	[smem:$0x3FAE] =	sst s4  }
0xd: {  	[smem:$0x3FAF] =	sst s5  }
0xe: {  	[smem:$0x3FB0] =	sst s6  }
0xf: {  	[smem:$0x3FB1] =	sst s7  }
0x10: {  	[smem:$0x3FB2] =	sst s8  }
0x11: {  	[smem:$0x3FB3] =	sst s9;
	s0 =	simm.s32 @!p0 $0x0  }
0x12: {  	s1 =	sld [smem:$0x3F99];
	s0 =	simm.s32 @p0 $0x1  }
0x13: {  	[smem:$0x3FB4] =	sst s0;
	s0 =	simm.s32 @!p1 $0x0  }
0x14: {  	s2 =	sld [smem:$0x3F98];
	s0 =	simm.s32 @p1 $0x1  }
0x15: {  	[smem:$0x3FB5] =	sst s0;
	s0 =	simm.s32 @!p2 $0x0  }
0x16: {  	s3 =	sld [smem:$0x3FDB];
	s0 =	simm.s32 @p2 $0x1  }
0x17: {  	s4 =	simm.s32 $0x1BF5;
	[smem:$0x3FB7] =	sst s0  }
0x18: {  	s0 =	sld [smem:$0x3F9A];
	_ =	swait.ge [sflag:s4], $0x0  }
0x19: {  	s7 =	sld [smem:$0x3F9B]  }
0x1a: {  	s8 =	sadd.s32 $0xFFFFE003, lr  }
0x1b: {  	s9 =	sadd.s32 $0xFFFFFEF7, lr;
	s5 =	simm.s32 $0xFFFFFFFF;
	p2 =	slt.u32 s8, $0xFFFFF086  }
0x1c: {  	p1 =	slt.u32 s9, $0xF7A;
	s5 =	simm.s32 @!p2 $0x0  }
0x1d: {  	s5 =	simm.s32 @p1 $0x1;
	p0 =	seq.s32 s7, s2  }
0x1e: {  	s7 =	smul.u32 @!p0 $0xF7A, s2;
	p2 =	seq.s32 @!p0 s5, $0x0  }
0x1f: {  	s9 =	smul.u32 $0xF7A, s1;
	s8 =	simm.s32 @!p0 $0x1BF5;
	p2 =	por !p2, p0  }
0x20: {  	[sflag:s8] =	ssyncset.s32 @!p0 $0xFFFFF086;
	s6 =	sadd.s32 @!p0 s3, s7;
	s7 =	simm.s32 @!p0 $0x108  }
0x21: {  	s3 =	sadd.s32 s3, s9;
	s6 =	sadd.s32 @!p0 $0x88, s6;
	s7 =	simm.s32 @p2 $0x1082  }
0x22: {  	[simem:s7], [sflag:s8] =	dma.local @!p0 [hbm:s6], $0xF7A  }
0x23: {  	s9 =	sor.u32 $0xD0000000, s2;
	s6 =	simm.s32 $0x108;
	_ =	swait.ge @!p0 [sflag:s8], $0x0  }
0x24: {  	s3 =	sadd.s32 $0x88, s3;
	s6 =	simm.s32 @!p1 $0x1082;
	[sflag:s4] =	ssyncset.s32 $0xFFFFF086  }
0x25: {  	[simem:s6], [sflag:s4] =	dma.local [hbm:s3], $0xF7A  }
0x26: {  	[smem:$0x3F9B] =	sst s1;
	(tag) =	ssettag s2;
	_ =	strace s9  }
0x27: {  	s1 =	sld [smem:$0x3FAB]  }
0x28: {  	s2 =	sld [smem:$0x3FAC]  }
0x29: {  	s4 =	sld [smem:$0x3FAE]  }
0x2a: {  	p0 =	seq.s32 s5, $0x0;
	s5 =	sld [smem:$0x3FAF]  }
0x2b: {  	s6 =	sld [smem:$0x3FB0]  }
0x2c: {  	s7 =	sld [smem:$0x3FB1]  }
0x2d: {  	s3 =	simm.s32 $0x108;
	s8 =	sld [smem:$0x3FB2]  }
0x2e: {  	s3 =	simm.s32 @!p0 $0x1082;
	s9 =	sld [smem:$0x3FB3]  }
0x2f: {  	lr =	sadd.s32 s0, s3;
	s0 =	sld [smem:$0x3FAA]  }
0x30: {  	s3 =	sld [smem:$0x3FAD]  }
0x31: {  	[smem:$0x3FB6] =	sst s10  }
0x32: {  	s10 =	sld [smem:$0x3FB4];
	_ =	sdelay $0x3  }
0x33: {  	p0 =	seq.s32 s10, $0x1;
	s10 =	sld [smem:$0x3FB6];
	_ =	sdelay $0x3  }
0x34: {  	[smem:$0x3FB6] =	sst s10  }
0x35: {  	s10 =	sld [smem:$0x3FB5];
	_ =	sdelay $0x3  }
0x36: {  	p1 =	seq.s32 s10, $0x1;
	s10 =	sld [smem:$0x3FB6];
	_ =	sdelay $0x3  }
0x37: {  	[smem:$0x3FB6] =	sst s10  }
0x38: {  	s10 =	sld [smem:$0x3FB7]  }
0x39: {  	_ = 	snop;
	(pc) =	sbr.ind lr, $3  }
0x3a: {  	_ = 	snop  }
0x3b: {  	_ = 	snop  }
0x3c: {  	p2 =	seq.s32 s10, $0x1;
	s10 =	sld [smem:$0x3FB6]  }
0x3d: {  	_ =	shalt  }
0x3e: {  	_ =	shalt  }
0x3f: {  	_ =	shalt  }
0x40: {  	_ =	shalt  }
0x41: {  	_ =	shalt  }
0x42: {  	_ =	shalt  }
0x43: {  	_ =	shalt  }
0x44: {  	_ =	shalt  }
0x45: {  	_ =	shalt  }
0x46: {  	_ =	shalt  }
0x47: {  	_ =	shalt  }
0x48: {  	_ =	shalt  }
0x49: {  	_ =	shalt  }
0x4a: {  	_ =	shalt  }
0x4b: {  	_ =	shalt  }
0x4c: {  	_ =	shalt  }
0x4d: {  	_ =	shalt  }
0x4e: {  	_ =	shalt  }
0x4f: {  	_ =	shalt  }
0x50: {  	_ =	shalt  }
0x51: {  	_ =	shalt  }
0x52: {  	_ =	shalt  }
0x53: {  	_ =	shalt  }
0x54: {  	_ =	shalt  }
0x55: {  	_ =	shalt  }
0x56: {  	_ =	shalt  }
0x57: {  	_ =	shalt  }
0x58: {  	_ =	shalt  }
0x59: {  	_ =	shalt  }
0x5a: {  	_ =	shalt  }
0x5b: {  	_ =	shalt  }
0x5c: {  	_ =	shalt  }
0x5d: {  	_ =	shalt  }
0x5e: {  	_ =	shalt  }
0x5f: {  	_ =	shalt  }
0x60: {  	_ =	shalt  }
0x61: {  	_ =	shalt  }
0x62: {  	_ =	shalt  }
0x63: {  	_ =	shalt  }
0x64: {  	_ =	shalt  }
0x65: {  	_ =	shalt  }
0x66: {  	_ =	shalt  }
0x67: {  	_ =	shalt  }
0x68: {  	_ =	shalt  }
0x69: {  	_ =	shalt  }
0x6a: {  	_ =	shalt  }
0x6b: {  	_ =	shalt  }
0x6c: {  	_ =	shalt  }
0x6d: {  	_ =	shalt  }
0x6e: {  	_ =	shalt  }
0x6f: {  	_ =	shalt  }
0x70: {  	_ =	shalt  }
0x71: {  	_ =	shalt  }
0x72: {  	_ =	shalt  }
0x73: {  	_ =	shalt  }
0x74: {  	_ =	shalt  }
0x75: {  	_ =	shalt  }
0x76: {  	_ =	shalt  }
0x77: {  	_ =	shalt  }
0x78: {  	_ =	shalt  }
0x79: {  	_ =	shalt  }
0x7a: {  	_ =	shalt  }
0x7b: {  	_ =	shalt  }
0x7c: {  	_ =	shalt  }
0x7d: {  	_ =	shalt  }
0x7e: {  	_ =	shalt  }
0x7f: {  	_ =	shalt  }
0x80: {  	_ =	shalt  }
0x81: {  	_ =	shalt  }
0x82: {  	_ =	shalt  }
0x83: {  	_ =	shalt  }
0x84: {  	_ =	shalt  }
0x85: {  	_ =	shalt  }
0x86: {  	_ =	shalt  }
0x87: {  	_ =	shalt  }
.Lfunc_end0:
.L_simem_size_0:
called_computation_lowered:
.L_overlay_start_0:
0x88: {  	s2 =	sld [smem:$0x3FD9]  }
0x89: {  	s3 =	sld [smem:$0x3FFE];
	_ =	sdelay $0x1  }
0x8a: {  	s1 =	srdreg.scid  }
0x8b: {  	s0 =	sand.u32 $0x1, s1  }
0x8c: {  	s17 =	sshll.u32 s0, $0xA;
	s2 =	sadd.s32 s3, s2  }
0x8d: {  	s2 =	sadd.s32 s2, s17  }
0x8e: {  	[smem:$0x3FC2] =	sst s2  }
0x8f: {  	_ = 	snop  }
0x90: {  	s2 =	sld [smem:$0x3FD0];
	(tm) =	ssettm $0x1  }
0x91: {  	s18 =	sld [smem:$0x3FFB];
	_ =	sdelay $0x3  }
0x92: {  	_ =	strace s18  }
0x93: {  	s3 =	sld [smem:$0x3FFC];
	_ =	sdelay $0x3  }
0x94: {  	_ =	strace s3  }
0x95: {  	s3 =	sld [smem:$0x3FFD];
	_ =	sdelay $0x3  }
0x96: {  	_ =	strace s3  }
0x97: {  	_ =	strace $0x8FFFFFFF  }
0x98: {  	s19 =	sld [smem:$0x3FDB];
	_ =	sdelay $0x1  }
0x99: {  	s4 =	simm.s32 $_scs_section_size  }
0x9a: {  	s5 =	simm.s32 $_size__tile_overlayer_lowered;
	s6 =	simm.s32 $_tile_overlayer_lowered  }
0x9b: {  	s22 =	simm.s32 $0x1BFF;
	s21 =	sshll.u32 s6, $0x1;
	s3 =	sadd.s32 s4, s19  }
0x9c: {  	s7 =	simm.s32 $0x0;
	s20 =	sshll.u32 s5, $0x1;
	s5 =	sadd.s32 s21, s3  }
0x9d: {  	[timem:s7], [sflag:s22] =	dma.local [hbm:s5], s20  }
0x9e: {  	_ =	swait.ge [sflag:s22], s20  }
0x9f: {  	s4 =	ssub.s32 $0x0, s20;
	[sflag:s22] =	ssyncset.done $0x0  }
0xa0: {  	[sflag:s22] =	ssyncadd.s32 s4;
	_ =	sdelay $0x1  }
0xa1: {  	s23 =	simm.s32 $0x1B8B  }
0xa2: {  	_ =	swait.ge [sflag:s23], $0x1  }
0xa3: {  	[sflag:s23] =	ssyncset.done $0x0  }
0xa4: {  	s25 =	simm.s32 $0x1B8E;
	s24 =	sld [smem:$0x3FFE];
	[sflag:s23] =	ssyncadd.s32 $0xFFFFFFFF  }
0xa5: {  	s26 =	simm.s32 $execute0_lowered;
	[smem:$0x3FD2] =	sst s25  }
0xa6: {  	s5 =	sshll.u32 s26, $0x1;
	_ =	strace $0x80000046;
	[dreg:$0x1] =	wrdreg $0xFFFFFFFF  }
0xa7: {  	s28 =	simm.s32 $_size_execute0_lowered;
	s3 =	sadd.s32 s3, s5;
	[dreg:$0x0] =	wrdreg $0x0  }
0xa8: {  	s5 =	sshll.u32 s28, $0x1;
	[dreg:$0x2] =	wrdreg s3  }
0xa9: {  	[dreg:$0x3] =	wrdreg s5  }
0xaa: {  	[dreg:$0x4] =	wrdreg $0xC0  }
0xab: {  	_ =	task [dreg:s7], $0x5FFFF  }
0xac: {  	[dreg:$0x1] =	wrdreg $0xFFFFFFFF  }
0xad: {  	[dreg:$0x0] =	wrdreg $0x60  }
0xae: {  	[dreg:$0x2] =	wrdreg s24  }
0xaf: {  	[dreg:$0x3] =	wrdreg s2  }
0xb0: {  	[dreg:$0x4] =	wrdreg $0xC4800  }
0xb1: {  	[dreg:$0x5] =	wrdreg $0x1FD400  }
0xb2: {  	[dreg:$0x6] =	wrdreg $0x9  }
0xb3: {  	_ =	task.clear_ibuf [dreg:s7], $0x7FFFF;
	_ =	strace $0x90000046  }
0xb4: {  	s29 =	simm.s32 $0x9;
	_ =	strace $0x80000048  }
0xb5: {  	_ =	swait.ge [sflag:s29], $0x1  }
0xb6: {  	[sflag:s29] =	ssyncadd.s32 $0xFFFFFFFF  }
0xb7: {  	_ =	strace $0x90000048  }
0xb8: {  	_ =	sfence  }
0xb9: {  	s30 =	sld [smem:$0x0];
	_ =	sdelay $0x2  }
0xba: {  	s31 =	sshll.u32 s1, $0xD;
	s1 =	sshrl.u32 s1, $0x2  }
0xbb: {  	s3 =	sand.u32 $0x4000, s31;
	s1 =	sadd.s32 s1, s30  }
0xbc: {  	s0 =	sor.u32 s3, s0;
	s1 =	sshll.u32 s1, $0x11  }
0xbd: {  	s0 =	sor.u32 s1, s0  }
0xbe: {  	s0 =	sadd.s32 $0x8F2B, s0  }
0xbf: {  	[sflag:s0] =	ssyncadd.remote.s32 $0x1  }
0xc0: {  	_ =	sfence.sel $0xFFFF  }
0xc1: {  	[dreg:$0x0] =	wrdreg $0xFFFFFFFF;
	(pc) =	sbr.abs _section_cstart, $3  }
0xc2: {  	[dreg:$0x1] =	wrdreg $0xFFFFFFFF  }
0xc3: {  	_ =	task.clear_ibuf [dreg:s7], $0x2FFFF;
	_ =	strace $0x9FFFFFFF  }
0xc4: {  	(tm) =	ssettm $0x7FFFFFFF  }
0xc5: {  	_ =	shalt  }
tec
execute0_lowered:
.L_overlay_start_1:
0x0: {  	(tag) =	ssettag $0x1  }
0x1: {  	s0 =	rddreg [dreg:$0x0]  }
0x2: {  	s1 =	rddreg [dreg:$0x1]  }
0x3: {  	s2 =	rddreg [dreg:$0x3];
	s3 =	simm.s32 $0x0;
	s6 =	srdreg.scid  }
0x4: {  	s15 =	stileid.u32;
	s28 =	simm.s32 $0x4400;
	s29 =	simm.s32 $0x1  }
0x5: {  	s30 =	simm.s32 $0xC400;
	[dreg:$0x5] =	wrdreg s1;
	s25 =	smul.u32 $0x4E200, s15  }
0x6: {  	s31 =	simm.s32 $0x100;
	s1 =	rddreg [dreg:$0x2];
	s11 =	smul.u32 $0xA00, s15  }
0x7: {  	[smem:$0x7FF] =	sst s3;
	s5 =	sadd.s32 $0xB600, s0;
	s23 =	smul.u32 $0x13C00, s15  }
0x8: {  	s4 =	sadd.s32 $0x1600, s0;
	s24 =	sand.u32 $0x1, s6;
	s13 =	smul.u32 $0x4F000, s15  }
0x9: {  	s7 =	sadd.s32 $0x33200, s0;
	s12 =	sadd.s32 $0x2580, s2;
	s8 =	smul.u32 $0x4F0, s24  }
0xa: {  	s14 =	sadd.s32 $0x2600, s2;
	p0 =	seq.s32 s15, $0xF;
	s21 =	smul.u32 $0x138800, s24  }
0xb: {  	_ =	strace $0x80000047;
	[dreg:$0x6] =	wrdreg s4;
	s4 =	smul.u32 $0x28000, s24  }
0xc: {  	p1 =	sne.s32 s15, $0xF;
	s9 =	ssub.s32 $0x2, s24;
	s24 =	smul.u32 $0x2800, s15  }
0xd: {  	p2 =	sne.s32 @p1 s15, $0x0;
	s10 =	sshrl.u32 s9, $0x1;
	s6 =	sshrl.u32 s25, $0x2  }
0xe: {  	s19 =	sshrl.u32 s11, $0x2;
	s13 =	sshrl.u32 s13, $0x2;
	p2 =	por p2, !p1  }
0xf: {  	s0 =	sadd.s32 s8, s0;
	s26 =	ssub.s32 s9, s10;
	s6 =	sadd.s32 s6, s1  }
0x10: {  	s10 =	sadd.s32 s19, s2;
	s11 =	sadd.s32 s23, s21;
	s9 =	sshrl.u32 s21, $0x3  }
0x11: {  	s21 =	simm.s32 $0x400;
	s23 =	simm.s32 $0x200;
	s8 =	simm.s32 $0x4  }
0x12: {  	s17 =	sadd.s32 $0x4000, s6;
	s18 =	sadd.s32 $0x8000, s6;
	s20 =	sadd.s32 $0xC000, s6  }
0x13: {  	s22 =	sadd.s32 $0x10000, s6;
	s16 =	sadd.s32 $0x80, s10;
	[dreg:$0x7] =	wrdreg s17  }
0x14: {  	s19 =	sadd.s32 $0x180, s10;
	s11 =	sshrl.u32 s11, $0x3;
	[dreg:$0x8] =	wrdreg s18  }
0x15: {  	s0 =	sadd.s32 $0x32800, s0;
	s26 =	smax.u32 s26, $0x1;
	[dreg:$0x9] =	wrdreg s20  }
0x16: {  	[dreg:$0xa] =	wrdreg s22;
	s18 =	sadd.s32 $0x100, s10;
	s20 =	sadd.s32 $0x200, s10  }
0x17: {  	s11 =	sadd.s32 s7, s11;
	s7 =	sadd.s32 s7, s9;
	s9 =	sadd.s32 $0x2680, s2  }
0x18: {  	s17 =	sadd.s32 s24, s4;
	s4 =	sadd.s32 $0x2700, s2;
	[dreg:$0x10] =	wrdreg s0  }
0x19: {  	s16 =	smov.u32 @p0 s12;
	s0 =	sadd.s32 $0x128400, s1;
	[dreg:$0x12] =	wrdreg s26  }
0x1a: {  	s22 =	simm.s32 $0x7;
	s26 =	simm.s32 $0x80;
	[dreg:$0xf] =	wrdreg s11  }
0x1b: {  	s12 =	simm.s32 $0x0;
	s25 =	sadd.s32 $0x25080, s7;
	[dreg:$0xb] =	wrdreg s16  }
0x1c: {  	s11 =	sadd.s32 s13, s1;
	s18 =	smov.u32 @p0 s14;
	[dreg:$0x11] =	wrdreg s25  }
0x1d: {  	s19 =	smov.u32 @p0 s9;
	s20 =	smov.u32 @p0 s4;
	[dreg:$0xc] =	wrdreg s18  }
0x1e: {  	s0 =	sshrl.u32 @!p1 s0, $0x3;
	s7 =	simm.s32 $0x280;
	[dreg:$0xd] =	wrdreg s19  }
0x1f: {  	s9 =	simm.s32 $0x180;
	s16 =	simm.s32 $0x300;
	[dreg:$0xe] =	wrdreg s20  }
0x20: {  	s4 =	sshrl.u32 @p1 s11, $0x3;
	[dreg:$0x14] =	wrdreg s0;
	s0 =	simm.s32 $0x8400  }
0x21: {  	s11 =	simm.s32 $0x3;
	s18 =	simm.s32 $0x5;
	s19 =	simm.s32 $0x380  }
0x22: {  	v0 =	vimm.f32 $0.0e+00;
	v1 =	vimm.f32 $1.000000000e+00;
	s20 =	simm.s32 $0x6;
	[dreg:$0x13] =	wrdreg s4;
	s4 =	simm.s32 $0x2  }
.LBB2_1:
0x23: {  	s13 =	simm.s32 $0x0;
	s14 =	simm.s32 $0x200  }
.LBB2_2:
0x24: {  	p3 =	sne.s32 s14, $0xFE00;
	[tilespmem:s13+$0x470] =	vst v0  }
0x25: {  	[tilespmem:s13+$0x400] =	vst v0  }
0x26: {  	[tilespmem:s13+$0x410] =	vst v0  }
.Ltmp0:
0x27: {  	[tilespmem:s13+$0x420] =	vst v0;
	(pc) =	sbr.rel @p3 .LBB2_2-.Ltmp0, $4  }
0x28: {  	[tilespmem:s13+$0x430] =	vst v0  }
0x29: {  	[tilespmem:s13+$0x440] =	vst v0  }
0x2a: {  	[tilespmem:s13+$0x450] =	vst v0  }
0x2b: {  	[tilespmem:s13+$0x460] =	vst v0;
	s13 =	sshra.s32 s14, $0x2;
	s14 =	sadd.s32 $0x200, s14  }
0x2c: {  	[tilespmem:s13+$0x470] =	vst v0  }
0x2d: {  	[tilespmem:s13+$0x400] =	vst v0  }
0x2e: {  	[tilespmem:s13+$0x410] =	vst v0  }
0x2f: {  	[tilespmem:s13+$0x420] =	vst v0  }
0x30: {  	[tilespmem:s13+$0x430] =	vst v0  }
0x31: {  	[tilespmem:s13+$0x440] =	vst v0  }
0x32: {  	[tilespmem:s13+$0x450] =	vst v0  }
0x33: {  	[tilespmem:s13+$0x460] =	vst v0  }
0x34: {  	[tilespmem:$0xC400] =	vst v1  }
0x35: {  	[tilespmem:$0xC410] =	vst v1  }
0x36: {  	[tilespmem:$0xC420] =	vst v1  }
0x37: {  	[tilespmem:$0xC430] =	vst v1  }
0x38: {  	[tilespmem:$0xC440] =	vst v1  }
0x39: {  	[tilespmem:$0xC450] =	vst v1  }
0x3a: {  	[tilespmem:$0xC460] =	vst v1  }
0x3b: {  	[tilespmem:$0xC470] =	vst v1  }
0x3c: {  	[spmem:s6] =	stream.linear.scatter [tilespmem:s21], [sflag:$0x7], $0x4000, $0x38;
	v63 =	vld [tilespmem:$0x0]  }
0x3d: {  	_ =	swait.ge [sflag:s22], $0x4000  }
0x3e: {  	[sflag:s22] =	ssyncset.done $0x0  }
0x3f: {  	s24 =	rddreg [dreg:$0x7];
	[sflag:s22] =	ssyncadd.s32 $0xFFFFC000  }
0x40: {  	[spmem:s24] =	stream.linear.scatter [tilespmem:s21], [sflag:$0x7], $0x4000, $0x38;
	v63 =	vld [tilespmem:$0x0]  }
0x41: {  	_ =	swait.ge [sflag:s22], $0x4000  }
0x42: {  	[sflag:s22] =	ssyncset.done $0x0  }
0x43: {  	s25 =	rddreg [dreg:$0x8];
	[sflag:s22] =	ssyncadd.s32 $0xFFFFC000  }
0x44: {  	[spmem:s25] =	stream.linear.scatter [tilespmem:s21], [sflag:$0x7], $0x4000, $0x38;
	v63 =	vld [tilespmem:$0x0]  }
0x45: {  	_ =	swait.ge [sflag:s22], $0x4000  }
0x46: {  	[sflag:s22] =	ssyncset.done $0x0  }
0x47: {  	s14 =	rddreg [dreg:$0x9];
	[sflag:s22] =	ssyncadd.s32 $0xFFFFC000  }
0x48: {  	[spmem:s14] =	stream.linear.scatter [tilespmem:s21], [sflag:$0x7], $0x4000, $0x38;
	v63 =	vld [tilespmem:$0x0]  }
0x49: {  	_ =	swait.ge [sflag:s22], $0x4000  }
0x4a: {  	[sflag:s22] =	ssyncset.done $0x0  }
0x4b: {  	s15 =	rddreg [dreg:$0xa];
	[sflag:s22] =	ssyncadd.s32 $0xFFFFC000  }
0x4c: {  	[spmem:s15] =	stream.linear.scatter [tilespmem:s21], [sflag:$0x7], $0x3880, $0x38;
	v63 =	vld [tilespmem:$0x0]  }
0x4d: {  	_ =	swait.ge [sflag:s22], $0x3880  }
0x4e: {  	[sflag:s22] =	ssyncset.done $0x0  }
0x4f: {  	s13 =	simm.s32 @!p0 $0x400;
	[sflag:s22] =	ssyncadd.s32 $0xFFFFC780  }
0x50: {  	[spmem:s10] =	stream.linear.scatter @!p0 [tilespmem:s13], [sflag:$0x7], $0x80, $0x38;
	v63 =	vld [tilespmem:$0x0]  }
0x51: {  	s13 =	simm.s32 @!p0 $0x7  }
0x52: {  	_ =	swait.ge @!p0 [sflag:s13], $0x80  }
0x53: {  	[sflag:s13] =	ssyncset.done @!p0 $0x0  }
0x54: {  	s24 =	rddreg [dreg:$0xb];
	[sflag:s13] =	ssyncadd.s32 @!p0 $0xFFFFFF80  }
0x55: {  	[spmem:s24] =	stream.linear.scatter [tilespmem:s21], [sflag:$0x7], $0x80, $0x38;
	v63 =	vld [tilespmem:$0x0]  }
0x56: {  	_ =	swait.ge [sflag:s22], $0x80  }
0x57: {  	[sflag:s22] =	ssyncset.done $0x0  }
0x58: {  	s25 =	rddreg [dreg:$0xc];
	[sflag:s22] =	ssyncadd.s32 $0xFFFFFF80  }
0x59: {  	[spmem:s25] =	stream.linear.scatter [tilespmem:s21], [sflag:$0x7], $0x80, $0x38;
	v63 =	vld [tilespmem:$0x0]  }
0x5a: {  	_ =	swait.ge [sflag:s22], $0x80  }
0x5b: {  	[sflag:s22] =	ssyncset.done $0x0  }
0x5c: {  	s14 =	rddreg [dreg:$0xd];
	[sflag:s22] =	ssyncadd.s32 $0xFFFFFF80  }
0x5d: {  	[spmem:s14] =	stream.linear.scatter [tilespmem:s21], [sflag:$0x7], $0x80, $0x38;
	v63 =	vld [tilespmem:$0x0]  }
0x5e: {  	_ =	swait.ge [sflag:s22], $0x80  }
0x5f: {  	[sflag:s22] =	ssyncset.done $0x0  }
0x60: {  	s15 =	rddreg [dreg:$0xe];
	[sflag:s22] =	ssyncadd.s32 $0xFFFFFF80  }
0x61: {  	[spmem:s15] =	stream.linear.scatter [tilespmem:s21], [sflag:$0x7], $0x80, $0x38;
	v63 =	vld [tilespmem:$0x0]  }
0x62: {  	_ =	swait.ge [sflag:s22], $0x80  }
0x63: {  	s24 =	simm.s32 $0x0;
	s14 =	sadd.s32 $0x0, s17;
	[sflag:s22] =	ssyncset.done $0x0  }
0x64: {  	s13 =	sand.u32 $0x200, s24;
	s14 =	sand.u32 $0xFFC00, s14;
	[sflag:s22] =	ssyncadd.s32 $0xFFFFFF80  }
0x65: {  	s13 =	sor.u32 s13, s14;
	[bflag:$0x0] =	sbarrier.arrive $0xFFFF  }
0x66: {  	s13 =	sshrl.u32 s13, $0x3;
	s15 =	rddreg [dreg:$0x5]  }
0x67: {  	s25 =	sadd.s32 s15, s13  }
0x68: {  	[tilespmem:s3], [sflag:$0x7] =	stream.linear.gather [hbm4b:s25+s3], $0x200, $0x38;
	v63 =	vld [tilespmem:$0x0]  }
0x69: {  	_ =	swait.ge [sflag:s22], $0x200  }
0x6a: {  	s15 =	rddreg [dreg:$0x6];
	[sflag:s22] =	ssyncset.done $0x0  }
0x6b: {  	[sflag:s22] =	ssyncadd.s32 $0xFFFFFE00;
	s13 =	sadd.s32 s15, s13  }
0x6c: {  	[tilespmem:s23], [sflag:$0x7] =	stream.linear.gather [hbm4b:s13+s3], $0x200, $0x38;
	v63 =	vld [tilespmem:$0x0]  }
0x6d: {  	_ =	swait.ge [sflag:s22], $0x200  }
0x6e: {  	[sflag:s22] =	ssyncset.done $0x0  }
0x6f: {  	[sflag:s22] =	ssyncadd.s32 $0xFFFFFE00  }
0x70: {  	[tilespmem:s21], [sflag:$0x1] =	stream.indirect.gather [hbm4b:s5+s26], $0x80, s3, s26, $0xb8;
	v63 =	vld [tilespmem:$0x0]  }
0x71: {  	_ = 	snop  }
0x72: {  	[tilespmem:s28], [sflag:$0x2] =	stream.indirect.gather [hbm4b:s5+s26], $0x80, s26, s26, $0xb8;
	v63 =	vld [tilespmem:$0x0]  }
0x73: {  	_ =	swait.ge [sflag:s29], $0x4000  }
0x74: {  	[sflag:s29] =	ssyncset.done $0x0  }
0x75: {  	[sflag:s29] =	ssyncadd.s32 $0xFFFFC000  }
0x76: {  	[spmem:s1] =	stream.indirect.scatter.add.f32 [tilespmem:s21], [sflag:$0x4], $0x80, s23, s26, $0xb8;
	v63 =	vld [tilespmem:$0x0]  }
0x77: {  	_ = 	snop  }
0x78: {  	[spmem:s2] =	stream.indirect.scatter.add.f32 [tilespmem:s30], [sflag:$0x7], $0x1, s23, s26, $0xb8;
	v63 =	vld [tilespmem:$0x0]  }
0x79: {  	_ =	swait.ge [sflag:s22], $0x80  }
0x7a: {  	[sflag:s22] =	ssyncset.done $0x0  }
0x7b: {  	[sflag:s22] =	ssyncadd.s32 $0xFFFFFF80  }
0x7c: {  	[tilespmem:s0], [sflag:$0x3] =	stream.indirect.gather [hbm4b:s5+s26], $0x80, s31, s26, $0xb8;
	v63 =	vld [tilespmem:$0x0]  }
0x7d: {  	_ =	swait.ge [sflag:s4], $0x4000  }
0x7e: {  	[sflag:s4] =	ssyncset.done $0x0  }
0x7f: {  	[sflag:s4] =	ssyncadd.s32 $0xFFFFC000  }
0x80: {  	[spmem:s1] =	stream.indirect.scatter.add.f32 [tilespmem:s28], [sflag:$0x5], $0x80, s7, s26, $0xb8;
	v63 =	vld [tilespmem:$0x0]  }
0x81: {  	_ = 	snop  }
0x82: {  	[spmem:s2] =	stream.indirect.scatter.add.f32 [tilespmem:s30], [sflag:$0x7], $0x1, s7, s26, $0xb8;
	v63 =	vld [tilespmem:$0x0]  }
0x83: {  	_ =	swait.ge [sflag:s22], $0x80  }
0x84: {  	[sflag:s22] =	ssyncset.done $0x0  }
0x85: {  	[sflag:s22] =	ssyncadd.s32 $0xFFFFFF80  }
0x86: {  	_ =	swait.ge [sflag:s8], $0x4000  }
0x87: {  	[sflag:s8] =	ssyncset.done $0x0  }
0x88: {  	[sflag:s8] =	ssyncadd.s32 $0xFFFFC000  }
0x89: {  	[tilespmem:s21], [sflag:$0x1] =	stream.indirect.gather [hbm4b:s5+s26], $0x80, s9, s26, $0xb8;
	v63 =	vld [tilespmem:$0x0]  }
0x8a: {  	_ =	swait.ge [sflag:s11], $0x4000  }
0x8b: {  	[sflag:s11] =	ssyncset.done $0x0  }
0x8c: {  	[sflag:s11] =	ssyncadd.s32 $0xFFFFC000  }
0x8d: {  	[spmem:s1] =	stream.indirect.scatter.add.f32 [tilespmem:s0], [sflag:$0x6], $0x80, s16, s26, $0xb8;
	v63 =	vld [tilespmem:$0x0]  }
0x8e: {  	_ = 	snop  }
0x8f: {  	[spmem:s2] =	stream.indirect.scatter.add.f32 [tilespmem:s30], [sflag:$0x7], $0x1, s16, s26, $0xb8;
	v63 =	vld [tilespmem:$0x0]  }
0x90: {  	_ =	swait.ge [sflag:s22], $0x80  }
0x91: {  	[sflag:s22] =	ssyncset.done $0x0  }
0x92: {  	[sflag:s22] =	ssyncadd.s32 $0xFFFFFF80  }
0x93: {  	_ =	swait.ge [sflag:s18], $0x4000  }
0x94: {  	[sflag:s18] =	ssyncset.done $0x0  }
0x95: {  	[sflag:s18] =	ssyncadd.s32 $0xFFFFC000  }
0x96: {  	_ =	swait.ge [sflag:s29], $0x4000  }
0x97: {  	[sflag:s29] =	ssyncset.done $0x0  }
0x98: {  	[sflag:s29] =	ssyncadd.s32 $0xFFFFC000  }
0x99: {  	[spmem:s1] =	stream.indirect.scatter.add.f32 [tilespmem:s21], [sflag:$0x4], $0x80, s19, s26, $0xb8;
	v63 =	vld [tilespmem:$0x0]  }
0x9a: {  	_ = 	snop  }
0x9b: {  	[spmem:s2] =	stream.indirect.scatter.add.f32 [tilespmem:s30], [sflag:$0x7], $0x1, s19, s26, $0xb8;
	v63 =	vld [tilespmem:$0x0]  }
0x9c: {  	_ =	swait.ge [sflag:s22], $0x80  }
0x9d: {  	[sflag:s22] =	ssyncset.done $0x0  }
0x9e: {  	[sflag:s22] =	ssyncadd.s32 $0xFFFFFF80  }
0x9f: {  	_ =	swait.ge [sflag:s20], $0x4000  }
0xa0: {  	[sflag:s20] =	ssyncset.done $0x0  }
0xa1: {  	s24 =	simm.s32 $0x200;
	s25 =	sadd.s32 $0x200, s17;
	[sflag:s20] =	ssyncadd.s32 $0xFFFFC000  }
0xa2: {  	s14 =	sand.u32 $0x200, s24;
	s25 =	sand.u32 $0xFFC00, s25;
	_ =	swait.ge [sflag:s8], $0x4000  }
0xa3: {  	s13 =	simm.s32 $0x400;
	s15 =	rddreg [dreg:$0x5];
	[sflag:s8] =	ssyncset.done $0x0  }
.LBB2_4:
0xa4: {  	s25 =	sor.u32 s14, s25;
	s14 =	smov.u32 s13  }
0xa5: {  	s24 =	sadd.s32 $0x200, s13;
	p3 =	sne.s32 s13, $0x2600;
	s13 =	sshrl.u32 s25, $0x3  }
0xa6: {  	[sflag:s8] =	ssyncadd.s32 $0xFFFFC000;
	s15 =	sadd.s32 s15, s13  }
0xa7: {  	[tilespmem:s3], [sflag:$0x7] =	stream.linear.gather [hbm4b:s15+s3], $0x200, $0x38;
	v63 =	vld [tilespmem:$0x0]  }
0xa8: {  	_ =	swait.ge [sflag:s22], $0x200  }
0xa9: {  	s25 =	rddreg [dreg:$0x6];
	[sflag:s22] =	ssyncset.done $0x0  }
0xaa: {  	[sflag:s22] =	ssyncadd.s32 $0xFFFFFE00;
	s13 =	sadd.s32 s25, s13  }
0xab: {  	[tilespmem:s23], [sflag:$0x7] =	stream.linear.gather [hbm4b:s13+s3], $0x200, $0x38;
	v63 =	vld [tilespmem:$0x0]  }
0xac: {  	_ =	swait.ge [sflag:s22], $0x200  }
0xad: {  	[sflag:s22] =	ssyncset.done $0x0  }
0xae: {  	[sflag:s22] =	ssyncadd.s32 $0xFFFFFE00  }
0xaf: {  	[tilespmem:s21], [sflag:$0x1] =	stream.indirect.gather [hbm4b:s5+s26], $0x80, s3, s26, $0xb8;
	v63 =	vld [tilespmem:$0x0]  }
0xb0: {  	_ = 	snop  }
0xb1: {  	[tilespmem:s28], [sflag:$0x2] =	stream.indirect.gather [hbm4b:s5+s26], $0x80, s26, s26, $0xb8;
	v63 =	vld [tilespmem:$0x0]  }
0xb2: {  	_ =	swait.ge [sflag:s29], $0x4000  }
0xb3: {  	[sflag:s29] =	ssyncset.done $0x0  }
0xb4: {  	[sflag:s29] =	ssyncadd.s32 $0xFFFFC000  }
0xb5: {  	[spmem:s1] =	stream.indirect.scatter.add.f32 [tilespmem:s21], [sflag:$0x4], $0x80, s23, s26, $0xb8;
	v63 =	vld [tilespmem:$0x0]  }
0xb6: {  	_ = 	snop  }
0xb7: {  	[spmem:s2] =	stream.indirect.scatter.add.f32 [tilespmem:s30], [sflag:$0x7], $0x1, s23, s26, $0xb8;
	v63 =	vld [tilespmem:$0x0]  }
0xb8: {  	_ =	swait.ge [sflag:s22], $0x80  }
0xb9: {  	[sflag:s22] =	ssyncset.done $0x0  }
0xba: {  	[sflag:s22] =	ssyncadd.s32 $0xFFFFFF80  }
0xbb: {  	[tilespmem:s0], [sflag:$0x3] =	stream.indirect.gather [hbm4b:s5+s26], $0x80, s31, s26, $0xb8;
	v63 =	vld [tilespmem:$0x0]  }
0xbc: {  	_ =	swait.ge [sflag:s4], $0x4000  }
0xbd: {  	[sflag:s4] =	ssyncset.done $0x0  }
0xbe: {  	[sflag:s4] =	ssyncadd.s32 $0xFFFFC000  }
0xbf: {  	[spmem:s1] =	stream.indirect.scatter.add.f32 [tilespmem:s28], [sflag:$0x5], $0x80, s7, s26, $0xb8;
	v63 =	vld [tilespmem:$0x0]  }
0xc0: {  	_ = 	snop  }
0xc1: {  	[spmem:s2] =	stream.indirect.scatter.add.f32 [tilespmem:s30], [sflag:$0x7], $0x1, s7, s26, $0xb8;
	v63 =	vld [tilespmem:$0x0]  }
0xc2: {  	_ =	swait.ge [sflag:s22], $0x80  }
0xc3: {  	[sflag:s22] =	ssyncset.done $0x0  }
0xc4: {  	[sflag:s22] =	ssyncadd.s32 $0xFFFFFF80  }
0xc5: {  	_ =	swait.ge [sflag:s8], $0x4000  }
0xc6: {  	[sflag:s8] =	ssyncset.done $0x0  }
0xc7: {  	[sflag:s8] =	ssyncadd.s32 $0xFFFFC000  }
0xc8: {  	[tilespmem:s21], [sflag:$0x1] =	stream.indirect.gather [hbm4b:s5+s26], $0x80, s9, s26, $0xb8;
	v63 =	vld [tilespmem:$0x0]  }
0xc9: {  	_ =	swait.ge [sflag:s11], $0x4000  }
0xca: {  	[sflag:s11] =	ssyncset.done $0x0  }
0xcb: {  	[sflag:s11] =	ssyncadd.s32 $0xFFFFC000  }
0xcc: {  	[spmem:s1] =	stream.indirect.scatter.add.f32 [tilespmem:s0], [sflag:$0x6], $0x80, s16, s26, $0xb8;
	v63 =	vld [tilespmem:$0x0]  }
0xcd: {  	_ = 	snop  }
0xce: {  	[spmem:s2] =	stream.indirect.scatter.add.f32 [tilespmem:s30], [sflag:$0x7], $0x1, s16, s26, $0xb8;
	v63 =	vld [tilespmem:$0x0]  }
0xcf: {  	_ =	swait.ge [sflag:s22], $0x80  }
0xd0: {  	[sflag:s22] =	ssyncset.done $0x0  }
0xd1: {  	[sflag:s22] =	ssyncadd.s32 $0xFFFFFF80  }
0xd2: {  	_ =	swait.ge [sflag:s18], $0x4000  }
0xd3: {  	[sflag:s18] =	ssyncset.done $0x0  }
0xd4: {  	[sflag:s18] =	ssyncadd.s32 $0xFFFFC000  }
0xd5: {  	_ =	swait.ge [sflag:s29], $0x4000  }
0xd6: {  	[sflag:s29] =	ssyncset.done $0x0  }
0xd7: {  	[sflag:s29] =	ssyncadd.s32 $0xFFFFC000  }
0xd8: {  	[spmem:s1] =	stream.indirect.scatter.add.f32 [tilespmem:s21], [sflag:$0x4], $0x80, s19, s26, $0xb8;
	v63 =	vld [tilespmem:$0x0]  }
0xd9: {  	_ = 	snop  }
0xda: {  	[spmem:s2] =	stream.indirect.scatter.add.f32 [tilespmem:s30], [sflag:$0x7], $0x1, s19, s26, $0xb8;
	v63 =	vld [tilespmem:$0x0]  }
0xdb: {  	_ =	swait.ge [sflag:s22], $0x80  }
0xdc: {  	[sflag:s22] =	ssyncset.done $0x0  }
0xdd: {  	[sflag:s22] =	ssyncadd.s32 $0xFFFFFF80  }
.Ltmp1:
0xde: {  	_ =	swait.ge [sflag:s20], $0x4000;
	(pc) =	sbr.rel @p3 .LBB2_4-.Ltmp1, $4  }
0xdf: {  	[sflag:s20] =	ssyncset.done $0x0  }
0xe0: {  	s25 =	sadd.s32 s14, s17;
	[sflag:s20] =	ssyncadd.s32 $0xFFFFC000  }
0xe1: {  	s14 =	sand.u32 $0x200, s14;
	s25 =	sand.u32 $0xFFC00, s25;
	_ =	swait.ge [sflag:s8], $0x4000  }
0xe2: {  	s13 =	smov.u32 s24;
	s15 =	rddreg [dreg:$0x5];
	[sflag:s8] =	ssyncset.done $0x0  }
0xe3: {  	s13 =	sor.u32 s14, s25  }
0xe4: {  	s13 =	sshrl.u32 s13, $0x3  }
0xe5: {  	[sflag:s8] =	ssyncadd.s32 $0xFFFFC000;
	s15 =	sadd.s32 s15, s13  }
0xe6: {  	[tilespmem:s3], [sflag:$0x7] =	stream.linear.gather [hbm4b:s15+s3], $0x200, $0x38;
	v63 =	vld [tilespmem:$0x0]  }
0xe7: {  	_ =	swait.ge [sflag:s22], $0x200  }
0xe8: {  	s24 =	rddreg [dreg:$0x6];
	[sflag:s22] =	ssyncset.done $0x0  }
0xe9: {  	[sflag:s22] =	ssyncadd.s32 $0xFFFFFE00;
	s13 =	sadd.s32 s24, s13  }
0xea: {  	[tilespmem:s23], [sflag:$0x7] =	stream.linear.gather [hbm4b:s13+s3], $0x200, $0x38;
	v63 =	vld [tilespmem:$0x0]  }
0xeb: {  	_ =	swait.ge [sflag:s22], $0x200  }
0xec: {  	[sflag:s22] =	ssyncset.done $0x0  }
0xed: {  	[sflag:s22] =	ssyncadd.s32 $0xFFFFFE00  }
0xee: {  	[tilespmem:s21], [sflag:$0x1] =	stream.indirect.gather [hbm4b:s5+s26], $0x80, s3, s26, $0xb8;
	v63 =	vld [tilespmem:$0x0]  }
0xef: {  	_ = 	snop  }
0xf0: {  	[tilespmem:s28], [sflag:$0x2] =	stream.indirect.gather [hbm4b:s5+s26], $0x80, s26, s26, $0xb8;
	v63 =	vld [tilespmem:$0x0]  }
0xf1: {  	_ =	swait.ge [sflag:s29], $0x4000  }
0xf2: {  	[sflag:s29] =	ssyncset.done $0x0  }
0xf3: {  	[sflag:s29] =	ssyncadd.s32 $0xFFFFC000  }
0xf4: {  	[spmem:s1] =	stream.indirect.scatter.add.f32 [tilespmem:s21], [sflag:$0x4], $0x80, s23, s26, $0xb8;
	v63 =	vld [tilespmem:$0x0]  }
0xf5: {  	_ = 	snop  }
0xf6: {  	[spmem:s2] =	stream.indirect.scatter.add.f32 [tilespmem:s30], [sflag:$0x7], $0x1, s23, s26, $0xb8;
	v63 =	vld [tilespmem:$0x0]  }
0xf7: {  	_ =	swait.ge [sflag:s22], $0x80  }
0xf8: {  	[sflag:s22] =	ssyncset.done $0x0  }
0xf9: {  	[sflag:s22] =	ssyncadd.s32 $0xFFFFFF80  }
0xfa: {  	[tilespmem:s0], [sflag:$0x3] =	stream.indirect.gather [hbm4b:s5+s26], $0x80, s31, s26, $0xb8;
	v63 =	vld [tilespmem:$0x0]  }
0xfb: {  	_ =	swait.ge [sflag:s4], $0x4000  }
0xfc: {  	[sflag:s4] =	ssyncset.done $0x0  }
0xfd: {  	[sflag:s4] =	ssyncadd.s32 $0xFFFFC000  }
0xfe: {  	[spmem:s1] =	stream.indirect.scatter.add.f32 [tilespmem:s28], [sflag:$0x5], $0x80, s7, s26, $0xb8;
	v63 =	vld [tilespmem:$0x0]  }
0xff: {  	_ = 	snop  }
0x100: {  	[spmem:s2] =	stream.indirect.scatter.add.f32 [tilespmem:s30], [sflag:$0x7], $0x1, s7, s26, $0xb8;
	v63 =	vld [tilespmem:$0x0]  }
0x101: {  	_ =	swait.ge [sflag:s22], $0x80  }
0x102: {  	[sflag:s22] =	ssyncset.done $0x0  }
0x103: {  	[sflag:s22] =	ssyncadd.s32 $0xFFFFFF80  }
0x104: {  	_ =	swait.ge [sflag:s8], $0x4000  }
0x105: {  	[sflag:s8] =	ssyncset.done $0x0  }
0x106: {  	[sflag:s8] =	ssyncadd.s32 $0xFFFFC000  }
0x107: {  	[tilespmem:s21], [sflag:$0x1] =	stream.indirect.gather [hbm4b:s5+s26], $0x80, s9, s26, $0xb8;
	v63 =	vld [tilespmem:$0x0]  }
0x108: {  	_ =	swait.ge [sflag:s11], $0x4000  }
0x109: {  	[sflag:s11] =	ssyncset.done $0x0  }
0x10a: {  	[sflag:s11] =	ssyncadd.s32 $0xFFFFC000  }
0x10b: {  	[spmem:s1] =	stream.indirect.scatter.add.f32 [tilespmem:s0], [sflag:$0x6], $0x80, s16, s26, $0xb8;
	v63 =	vld [tilespmem:$0x0]  }
0x10c: {  	_ = 	snop  }
0x10d: {  	[spmem:s2] =	stream.indirect.scatter.add.f32 [tilespmem:s30], [sflag:$0x7], $0x1, s16, s26, $0xb8;
	v63 =	vld [tilespmem:$0x0]  }
0x10e: {  	_ =	swait.ge [sflag:s22], $0x80  }
0x10f: {  	[sflag:s22] =	ssyncset.done $0x0  }
0x110: {  	[sflag:s22] =	ssyncadd.s32 $0xFFFFFF80  }
0x111: {  	_ =	swait.ge [sflag:s18], $0x4000  }
0x112: {  	[sflag:s18] =	ssyncset.done $0x0  }
0x113: {  	[sflag:s18] =	ssyncadd.s32 $0xFFFFC000  }
0x114: {  	_ =	swait.ge [sflag:s29], $0x4000  }
0x115: {  	[sflag:s29] =	ssyncset.done $0x0  }
0x116: {  	[sflag:s29] =	ssyncadd.s32 $0xFFFFC000  }
0x117: {  	[spmem:s1] =	stream.indirect.scatter.add.f32 [tilespmem:s21], [sflag:$0x4], $0x80, s19, s26, $0xb8;
	v63 =	vld [tilespmem:$0x0]  }
0x118: {  	_ = 	snop  }
0x119: {  	[spmem:s2] =	stream.indirect.scatter.add.f32 [tilespmem:s30], [sflag:$0x7], $0x1, s19, s26, $0xb8;
	v63 =	vld [tilespmem:$0x0]  }
0x11a: {  	_ =	swait.ge [sflag:s22], $0x80  }
0x11b: {  	[sflag:s22] =	ssyncset.done $0x0  }
0x11c: {  	[sflag:s22] =	ssyncadd.s32 $0xFFFFFF80  }
0x11d: {  	_ =	swait.ge [sflag:s20], $0x4000  }
0x11e: {  	[sflag:s20] =	ssyncset.done $0x0  }
0x11f: {  	[sflag:s20] =	ssyncadd.s32 $0xFFFFC000  }
0x120: {  	_ =	swait.ge [sflag:s8], $0x4000  }
0x121: {  	[sflag:s8] =	ssyncset.done $0x0  }
0x122: {  	[sflag:s8] =	ssyncadd.s32 $0xFFFFC000  }
0x123: {  	s13 =	stileid.u32;
	[bflag:$0x0] =	sbarrier.arrive $0xFFFF  }
0x124: {  	s13 =	sshll.u32 @p1 s13, $0x6;
	s14 =	rddreg [dreg:$0xf]  }
0x125: {  	s13 =	sor.u32 @p1 $0x1C07, s13;
	s15 =	rddreg [dreg:$0x13]  }
0x126: {  	[hbm:s14], [sflag:s13] =	dma.local @p1 [spmem:s15], $0x2780  }
0x127: {  	s13 =	simm.s32 @p1 $0x7  }
0x128: {  	_ =	swait.ge @p1 [sflag:s13], $0x2780  }
0x129: {  	s14 =	simm.s32 @!p2 $0x1C07;
	[sflag:s13] =	ssyncset.done @p1 $0x0  }
0x12a: {  	s15 =	rddreg [dreg:$0x10];
	[sflag:s13] =	ssyncadd.s32 @p1 $0xFFFFD880;
	s13 =	sshrl.u32 @!p2 s2, $0x3  }
0x12b: {  	[hbm:s15], [sflag:s14] =	dma.local @!p2 [spmem:s13], $0x4F0  }
0x12c: {  	s13 =	simm.s32 @!p2 $0x7  }
0x12d: {  	_ =	swait.ge @!p2 [sflag:s13], $0x4F0  }
0x12e: {  	[sflag:s13] =	ssyncset.done @!p2 $0x0;
	s14 =	rddreg [dreg:$0x11]  }
0x12f: {  	s15 =	rddreg [dreg:$0x14];
	[sflag:s13] =	ssyncadd.s32 @!p2 $0xFFFFFB10;
	s13 =	simm.s32 @!p1 $0x1FC7  }
0x130: {  	[hbm:s14], [sflag:s13] =	dma.local @!p1 [spmem:s15], $0x2080  }
0x131: {  	s13 =	simm.s32 @!p1 $0x7  }
0x132: {  	_ =	swait.ge @!p1 [sflag:s13], $0x2080  }
0x133: {  	s12 =	sadd.s32 $0x1, s12;
	s25 =	rddreg [dreg:$0x12]  }
0x134: {  	p3 =	sne.s32 s12, s25  }
.Ltmp2:
0x135: {  	_ = 	snop;
	(pc) =	sbr.rel @p3 .LBB2_1-.Ltmp2, $3  }
0x136: {  	_ =	sdelay $0x1  }
0x137: {  	[sflag:s13] =	ssyncset.done @!p1 $0x0  }
0x138: {  	[sflag:s13] =	ssyncadd.s32 @!p1 $0xFFFFDF80  }
0x139: {  	_ =	sfence.sel $0x180000  }
0x13a: {  	[bflag:$0x0] =	sbarrier.arrive $0xFFFF  }
0x13b: {  	_ =	strace $0x90000047  }
0x13c: {  	s0 =	stileid.u32;
	[bflag:$0x2] =	sbarrier.arrive $0xFFFF  }
0x13d: {  	p0 =	sne.s32 s0, $0x0;
	s0 =	rddreg [dreg:$0x4]  }
0x13e: {  	s0 =	sadd.s32 @!p0 $0x100000, s0  }
0x13f: {  	[sflag:s0] =	ssyncadd.tile.s32 @!p0 $0x1;
	_ =	shalt  }
.Lfunc_end2:
_tile_overlayer_lowered:
.L_overlay_start_2:
0x140: {  	(tag) =	ssettag $0x2  }
0x141: {  	s0 =	rddreg [dreg:$0x0];
	s2 =	stileid.u32  }
0x142: {  	s1 =	rddreg [dreg:$0x1];
	p0 =	sne.s32 s2, $0x0  }
0x143: {  	s3 =	rddreg [dreg:$0x2];
	[bflag:$0x3] =	sbarrier.arrive $0xFFFF;
	s2 =	simm.s32 @!p0 $0x1C07  }
0x144: {  	[timem:s3], [sflag:s2] =	dma.local @!p0 [hbm:s0], s1  }
0x145: {  	s0 =	simm.s32 @!p0 $0x7  }
0x146: {  	_ =	swait.ge @!p0 [sflag:s0], s1  }
0x147: {  	s1 =	ssub.s32 @!p0 $0x0, s1;
	[sflag:s0] =	ssyncset.done @!p0 $0x0  }
0x148: {  	[sflag:s0] =	ssyncadd.s32 @!p0 s1  }
0x149: {  	[bflag:$0x3] =	sbarrier.arrive $0xFFFF  }
0x14a: {  	_ =	shalt  }

// kernel: kernel.9.cloned.1.call-start
scs
__scs_entry_jumppad:
0x0: {  	(pc) =	sbr.rel $0x88, $3  }
0x1: {  	(tag) =	ssettag $0x0;
	lr =	simm.s32 $0x1  }
0x2: {  	[smem:$0x3F9B] =	sst lr;
	_ =	strace $0xD0000000  }
0x3: {  	_ = 	snop  }
0x4: {  	_ = 	snop  }
0x5: {  	_ = 	snop  }
0x6: {  	_ = 	snop  }
0x7: {  	_ = 	snop  }
__scs_overlays_trampoline_lowered:
0x8: {  	[smem:$0x3FAA] =	sst s0  }
0x9: {  	[smem:$0x3FAB] =	sst s1  }
0xa: {  	[smem:$0x3FAC] =	sst s2  }
0xb: {  	[smem:$0x3FAD] =	sst s3  }
0xc: {  	[smem:$0x3FAE] =	sst s4  }
0xd: {  	[smem:$0x3FAF] =	sst s5  }
0xe: {  	[smem:$0x3FB0] =	sst s6  }
0xf: {  	[smem:$0x3FB1] =	sst s7  }
0x10: {  	[smem:$0x3FB2] =	sst s8  }
0x11: {  	[smem:$0x3FB3] =	sst s9;
	s0 =	simm.s32 @!p0 $0x0  }
0x12: {  	s1 =	sld [smem:$0x3F99];
	s0 =	simm.s32 @p0 $0x1  }
0x13: {  	[smem:$0x3FB4] =	sst s0;
	s0 =	simm.s32 @!p1 $0x0  }
0x14: {  	s2 =	sld [smem:$0x3F98];
	s0 =	simm.s32 @p1 $0x1  }
0x15: {  	[smem:$0x3FB5] =	sst s0;
	s0 =	simm.s32 @!p2 $0x0  }
0x16: {  	s3 =	sld [smem:$0x3FDB];
	s0 =	simm.s32 @p2 $0x1  }
0x17: {  	s4 =	simm.s32 $0x1BF5;
	[smem:$0x3FB7] =	sst s0  }
0x18: {  	s0 =	sld [smem:$0x3F9A];
	_ =	swait.ge [sflag:s4], $0x0  }
0x19: {  	s7 =	sld [smem:$0x3F9B]  }
0x1a: {  	s8 =	sadd.s32 $0xFFFFE003, lr  }
0x1b: {  	s9 =	sadd.s32 $0xFFFFFEF7, lr;
	s5 =	simm.s32 $0xFFFFFFFF;
	p2 =	slt.u32 s8, $0xFFFFF086  }
0x1c: {  	p1 =	slt.u32 s9, $0xF7A;
	s5 =	simm.s32 @!p2 $0x0  }
0x1d: {  	s5 =	simm.s32 @p1 $0x1;
	p0 =	seq.s32 s7, s2  }
0x1e: {  	s7 =	smul.u32 @!p0 $0xF7A, s2;
	p2 =	seq.s32 @!p0 s5, $0x0  }
0x1f: {  	s9 =	smul.u32 $0xF7A, s1;
	s8 =	simm.s32 @!p0 $0x1BF5;
	p2 =	por !p2, p0  }
0x20: {  	[sflag:s8] =	ssyncset.s32 @!p0 $0xFFFFF086;
	s6 =	sadd.s32 @!p0 s3, s7;
	s7 =	simm.s32 @!p0 $0x108  }
0x21: {  	s3 =	sadd.s32 s3, s9;
	s6 =	sadd.s32 @!p0 $0x88, s6;
	s7 =	simm.s32 @p2 $0x1082  }
0x22: {  	[simem:s7], [sflag:s8] =	dma.local @!p0 [hbm:s6], $0xF7A  }
0x23: {  	s9 =	sor.u32 $0xD0000000, s2;
	s6 =	simm.s32 $0x108;
	_ =	swait.ge @!p0 [sflag:s8], $0x0  }
0x24: {  	s3 =	sadd.s32 $0x88, s3;
	s6 =	simm.s32 @!p1 $0x1082;
	[sflag:s4] =	ssyncset.s32 $0xFFFFF086  }
0x25: {  	[simem:s6], [sflag:s4] =	dma.local [hbm:s3], $0xF7A  }
0x26: {  	[smem:$0x3F9B] =	sst s1;
	(tag) =	ssettag s2;
	_ =	strace s9  }
0x27: {  	s1 =	sld [smem:$0x3FAB]  }
0x28: {  	s2 =	sld [smem:$0x3FAC]  }
0x29: {  	s4 =	sld [smem:$0x3FAE]  }
0x2a: {  	p0 =	seq.s32 s5, $0x0;
	s5 =	sld [smem:$0x3FAF]  }
0x2b: {  	s6 =	sld [smem:$0x3FB0]  }
0x2c: {  	s7 =	sld [smem:$0x3FB1]  }
0x2d: {  	s3 =	simm.s32 $0x108;
	s8 =	sld [smem:$0x3FB2]  }
0x2e: {  	s3 =	simm.s32 @!p0 $0x1082;
	s9 =	sld [smem:$0x3FB3]  }
0x2f: {  	lr =	sadd.s32 s0, s3;
	s0 =	sld [smem:$0x3FAA]  }
0x30: {  	s3 =	sld [smem:$0x3FAD]  }
0x31: {  	[smem:$0x3FB6] =	sst s10  }
0x32: {  	s10 =	sld [smem:$0x3FB4];
	_ =	sdelay $0x3  }
0x33: {  	p0 =	seq.s32 s10, $0x1;
	s10 =	sld [smem:$0x3FB6];
	_ =	sdelay $0x3  }
0x34: {  	[smem:$0x3FB6] =	sst s10  }
0x35: {  	s10 =	sld [smem:$0x3FB5];
	_ =	sdelay $0x3  }
0x36: {  	p1 =	seq.s32 s10, $0x1;
	s10 =	sld [smem:$0x3FB6];
	_ =	sdelay $0x3  }
0x37: {  	[smem:$0x3FB6] =	sst s10  }
0x38: {  	s10 =	sld [smem:$0x3FB7]  }
0x39: {  	_ = 	snop;
	(pc) =	sbr.ind lr, $3  }
0x3a: {  	_ = 	snop  }
0x3b: {  	_ = 	snop  }
0x3c: {  	p2 =	seq.s32 s10, $0x1;
	s10 =	sld [smem:$0x3FB6]  }
0x3d: {  	_ =	shalt  }
0x3e: {  	_ =	shalt  }
0x3f: {  	_ =	shalt  }
0x40: {  	_ =	shalt  }
0x41: {  	_ =	shalt  }
0x42: {  	_ =	shalt  }
0x43: {  	_ =	shalt  }
0x44: {  	_ =	shalt  }
0x45: {  	_ =	shalt  }
0x46: {  	_ =	shalt  }
0x47: {  	_ =	shalt  }
0x48: {  	_ =	shalt  }
0x49: {  	_ =	shalt  }
0x4a: {  	_ =	shalt  }
0x4b: {  	_ =	shalt  }
0x4c: {  	_ =	shalt  }
0x4d: {  	_ =	shalt  }
0x4e: {  	_ =	shalt  }
0x4f: {  	_ =	shalt  }
0x50: {  	_ =	shalt  }
0x51: {  	_ =	shalt  }
0x52: {  	_ =	shalt  }
0x53: {  	_ =	shalt  }
0x54: {  	_ =	shalt  }
0x55: {  	_ =	shalt  }
0x56: {  	_ =	shalt  }
0x57: {  	_ =	shalt  }
0x58: {  	_ =	shalt  }
0x59: {  	_ =	shalt  }
0x5a: {  	_ =	shalt  }
0x5b: {  	_ =	shalt  }
0x5c: {  	_ =	shalt  }
0x5d: {  	_ =	shalt  }
0x5e: {  	_ =	shalt  }
0x5f: {  	_ =	shalt  }
0x60: {  	_ =	shalt  }
0x61: {  	_ =	shalt  }
0x62: {  	_ =	shalt  }
0x63: {  	_ =	shalt  }
0x64: {  	_ =	shalt  }
0x65: {  	_ =	shalt  }
0x66: {  	_ =	shalt  }
0x67: {  	_ =	shalt  }
0x68: {  	_ =	shalt  }
0x69: {  	_ =	shalt  }
0x6a: {  	_ =	shalt  }
0x6b: {  	_ =	shalt  }
0x6c: {  	_ =	shalt  }
0x6d: {  	_ =	shalt  }
0x6e: {  	_ =	shalt  }
0x6f: {  	_ =	shalt  }
0x70: {  	_ =	shalt  }
0x71: {  	_ =	shalt  }
0x72: {  	_ =	shalt  }
0x73: {  	_ =	shalt  }
0x74: {  	_ =	shalt  }
0x75: {  	_ =	shalt  }
0x76: {  	_ =	shalt  }
0x77: {  	_ =	shalt  }
0x78: {  	_ =	shalt  }
0x79: {  	_ =	shalt  }
0x7a: {  	_ =	shalt  }
0x7b: {  	_ =	shalt  }
0x7c: {  	_ =	shalt  }
0x7d: {  	_ =	shalt  }
0x7e: {  	_ =	shalt  }
0x7f: {  	_ =	shalt  }
0x80: {  	_ =	shalt  }
0x81: {  	_ =	shalt  }
0x82: {  	_ =	shalt  }
0x83: {  	_ =	shalt  }
0x84: {  	_ =	shalt  }
0x85: {  	_ =	shalt  }
0x86: {  	_ =	shalt  }
0x87: {  	_ =	shalt  }
.Lfunc_end0:
.L_simem_size_0:
called_computation.1_lowered:
.L_overlay_start_0:
0x88: {  	s2 =	sld [smem:$0x3FD9]  }
0x89: {  	s3 =	sld [smem:$0x3FFE];
	_ =	sdelay $0x1  }
0x8a: {  	s1 =	srdreg.scid  }
0x8b: {  	s0 =	sand.u32 $0x1, s1  }
0x8c: {  	s17 =	sshll.u32 s0, $0xA;
	s2 =	sadd.s32 s3, s2  }
0x8d: {  	s2 =	sadd.s32 s2, s17  }
0x8e: {  	[smem:$0x3FC2] =	sst s2  }
0x8f: {  	_ = 	snop  }
0x90: {  	s2 =	sld [smem:$0x3FD0];
	(tm) =	ssettm $0x1  }
0x91: {  	s18 =	sld [smem:$0x3FFB];
	_ =	sdelay $0x3  }
0x92: {  	_ =	strace s18  }
0x93: {  	s3 =	sld [smem:$0x3FFC];
	_ =	sdelay $0x3  }
0x94: {  	_ =	strace s3  }
0x95: {  	s3 =	sld [smem:$0x3FFD];
	_ =	sdelay $0x3  }
0x96: {  	_ =	strace s3  }
0x97: {  	_ =	strace $0x8FFFFFFF  }
0x98: {  	s19 =	sld [smem:$0x3FDB];
	_ =	sdelay $0x1  }
0x99: {  	s4 =	simm.s32 $_scs_section_size  }
0x9a: {  	s5 =	simm.s32 $_size__tile_overlayer_lowered;
	s6 =	simm.s32 $_tile_overlayer_lowered  }
0x9b: {  	s22 =	simm.s32 $0x1BFF;
	s21 =	sshll.u32 s6, $0x1;
	s3 =	sadd.s32 s4, s19  }
0x9c: {  	s7 =	simm.s32 $0x0;
	s20 =	sshll.u32 s5, $0x1;
	s5 =	sadd.s32 s21, s3  }
0x9d: {  	[timem:s7], [sflag:s22] =	dma.local [hbm:s5], s20  }
0x9e: {  	_ =	swait.ge [sflag:s22], s20  }
0x9f: {  	s4 =	ssub.s32 $0x0, s20;
	[sflag:s22] =	ssyncset.done $0x0  }
0xa0: {  	[sflag:s22] =	ssyncadd.s32 s4;
	_ =	sdelay $0x1  }
0xa1: {  	s23 =	simm.s32 $0x1B8B  }
0xa2: {  	_ =	swait.ge [sflag:s23], $0x1  }
0xa3: {  	[sflag:s23] =	ssyncset.done $0x0  }
0xa4: {  	s25 =	simm.s32 $0x1B8E;
	s24 =	sld [smem:$0x3FFE];
	[sflag:s23] =	ssyncadd.s32 $0xFFFFFFFF  }
0xa5: {  	s26 =	simm.s32 $execute0_lowered;
	[smem:$0x3FD2] =	sst s25  }
0xa6: {  	s5 =	sshll.u32 s26, $0x1;
	_ =	strace $0x80000049;
	[dreg:$0x1] =	wrdreg $0xFFFFFFFF  }
0xa7: {  	s28 =	simm.s32 $_size_execute0_lowered;
	s3 =	sadd.s32 s3, s5;
	[dreg:$0x0] =	wrdreg $0x0  }
0xa8: {  	s5 =	sshll.u32 s28, $0x1;
	[dreg:$0x2] =	wrdreg s3  }
0xa9: {  	[dreg:$0x3] =	wrdreg s5  }
0xaa: {  	[dreg:$0x4] =	wrdreg $0xC0  }
0xab: {  	_ =	task [dreg:s7], $0x5FFFF  }
0xac: {  	[dreg:$0x1] =	wrdreg $0xFFFFFFFF  }
0xad: {  	[dreg:$0x0] =	wrdreg $0x60  }
0xae: {  	[dreg:$0x2] =	wrdreg s24  }
0xaf: {  	[dreg:$0x3] =	wrdreg s2  }
0xb0: {  	[dreg:$0x4] =	wrdreg $0xC4800  }
0xb1: {  	[dreg:$0x5] =	wrdreg $0x1FD400  }
0xb2: {  	[dreg:$0x6] =	wrdreg $0x9  }
0xb3: {  	_ =	task.clear_ibuf [dreg:s7], $0x7FFFF;
	_ =	strace $0x90000049  }
0xb4: {  	s29 =	simm.s32 $0x9;
	_ =	strace $0x8000004B  }
0xb5: {  	_ =	swait.ge [sflag:s29], $0x1  }
0xb6: {  	[sflag:s29] =	ssyncadd.s32 $0xFFFFFFFF  }
0xb7: {  	_ =	strace $0x9000004B  }
0xb8: {  	_ =	sfence  }
0xb9: {  	s30 =	sld [smem:$0x0];
	_ =	sdelay $0x2  }
0xba: {  	s31 =	sshll.u32 s1, $0xD;
	s1 =	sshrl.u32 s1, $0x2  }
0xbb: {  	s3 =	sand.u32 $0x4000, s31;
	s1 =	sadd.s32 s1, s30  }
0xbc: {  	s0 =	sor.u32 s3, s0;
	s1 =	sshll.u32 s1, $0x11  }
0xbd: {  	s0 =	sor.u32 s1, s0  }
0xbe: {  	s0 =	sadd.s32 $0x8F2B, s0  }
0xbf: {  	[sflag:s0] =	ssyncadd.remote.s32 $0x1  }
0xc0: {  	_ =	sfence.sel $0xFFFF  }
0xc1: {  	[dreg:$0x0] =	wrdreg $0xFFFFFFFF;
	(pc) =	sbr.abs _section_cstart, $3  }
0xc2: {  	[dreg:$0x1] =	wrdreg $0xFFFFFFFF  }
0xc3: {  	_ =	task.clear_ibuf [dreg:s7], $0x2FFFF;
	_ =	strace $0x9FFFFFFF  }
0xc4: {  	(tm) =	ssettm $0x7FFFFFFF  }
0xc5: {  	_ =	shalt  }
tec
execute0_lowered:
.L_overlay_start_1:
0x0: {  	(tag) =	ssettag $0x1  }
0x1: {  	s0 =	rddreg [dreg:$0x0]  }
0x2: {  	s1 =	rddreg [dreg:$0x1]  }
0x3: {  	s2 =	rddreg [dreg:$0x3];
	s3 =	simm.s32 $0x0;
	s6 =	srdreg.scid  }
0x4: {  	s15 =	stileid.u32;
	s28 =	simm.s32 $0x4400;
	s29 =	simm.s32 $0x1  }
0x5: {  	s30 =	simm.s32 $0xC400;
	[dreg:$0x6] =	wrdreg s1;
	s25 =	smul.u32 $0x4E200, s15  }
0x6: {  	s31 =	simm.s32 $0x100;
	s1 =	rddreg [dreg:$0x2];
	s11 =	smul.u32 $0xA00, s15  }
0x7: {  	[smem:$0x7FF] =	sst s3;
	s5 =	sadd.s32 $0xB600, s0;
	s23 =	smul.u32 $0x13C00, s15  }
0x8: {  	s4 =	sadd.s32 $0x1600, s0;
	s24 =	sand.u32 $0x1, s6;
	s13 =	smul.u32 $0x4F000, s15  }
0x9: {  	s7 =	sadd.s32 $0x33200, s0;
	s12 =	sadd.s32 $0x2580, s2;
	s8 =	smul.u32 $0x4F0, s24  }
0xa: {  	s14 =	sadd.s32 $0x2600, s2;
	p0 =	seq.s32 s15, $0xF;
	s21 =	smul.u32 $0x138800, s24  }
0xb: {  	_ =	strace $0x8000004A;
	[dreg:$0x5] =	wrdreg s4;
	s4 =	smul.u32 $0x28000, s24  }
0xc: {  	p1 =	sne.s32 s15, $0xF;
	s9 =	ssub.s32 $0x2, s24;
	s24 =	smul.u32 $0x2800, s15  }
0xd: {  	p2 =	sne.s32 @p1 s15, $0x0;
	s10 =	sshrl.u32 s9, $0x1;
	s6 =	sshrl.u32 s25, $0x2  }
0xe: {  	s19 =	sshrl.u32 s11, $0x2;
	s13 =	sshrl.u32 s13, $0x2;
	p2 =	por p2, !p1  }
0xf: {  	s0 =	sadd.s32 s8, s0;
	s26 =	ssub.s32 s9, s10;
	s6 =	sadd.s32 s6, s1  }
0x10: {  	s10 =	sadd.s32 s19, s2;
	s11 =	sadd.s32 s23, s21;
	s9 =	sshrl.u32 s21, $0x3  }
0x11: {  	s21 =	simm.s32 $0x400;
	s23 =	simm.s32 $0x200;
	s8 =	simm.s32 $0x4  }
0x12: {  	s17 =	sadd.s32 $0x4000, s6;
	s18 =	sadd.s32 $0x8000, s6;
	s20 =	sadd.s32 $0xC000, s6  }
0x13: {  	s22 =	sadd.s32 $0x10000, s6;
	s16 =	sadd.s32 $0x80, s10;
	[dreg:$0x7] =	wrdreg s17  }
0x14: {  	s19 =	sadd.s32 $0x180, s10;
	s11 =	sshrl.u32 s11, $0x3;
	[dreg:$0x8] =	wrdreg s18  }
0x15: {  	s0 =	sadd.s32 $0x32800, s0;
	s26 =	smax.u32 s26, $0x1;
	[dreg:$0x9] =	wrdreg s20  }
0x16: {  	[dreg:$0xa] =	wrdreg s22;
	s18 =	sadd.s32 $0x100, s10;
	s20 =	sadd.s32 $0x200, s10  }
0x17: {  	s11 =	sadd.s32 s7, s11;
	s7 =	sadd.s32 s7, s9;
	s9 =	sadd.s32 $0x2680, s2  }
0x18: {  	s17 =	sadd.s32 s24, s4;
	s4 =	sadd.s32 $0x2700, s2;
	[dreg:$0x10] =	wrdreg s0  }
0x19: {  	s16 =	smov.u32 @p0 s12;
	s0 =	sadd.s32 $0x128400, s1;
	[dreg:$0x12] =	wrdreg s26  }
0x1a: {  	s22 =	simm.s32 $0x7;
	s26 =	simm.s32 $0x80;
	[dreg:$0xf] =	wrdreg s11  }
0x1b: {  	s12 =	simm.s32 $0x0;
	s25 =	sadd.s32 $0x25080, s7;
	[dreg:$0xb] =	wrdreg s16  }
0x1c: {  	s11 =	sadd.s32 s13, s1;
	s18 =	smov.u32 @p0 s14;
	[dreg:$0x11] =	wrdreg s25  }
0x1d: {  	s19 =	smov.u32 @p0 s9;
	s20 =	smov.u32 @p0 s4;
	[dreg:$0xc] =	wrdreg s18  }
0x1e: {  	s0 =	sshrl.u32 @!p1 s0, $0x3;
	s7 =	simm.s32 $0x280;
	[dreg:$0xd] =	wrdreg s19  }
0x1f: {  	s9 =	simm.s32 $0x180;
	s16 =	simm.s32 $0x300;
	[dreg:$0xe] =	wrdreg s20  }
0x20: {  	s4 =	sshrl.u32 @p1 s11, $0x3;
	[dreg:$0x14] =	wrdreg s0;
	s0 =	simm.s32 $0x8400  }
0x21: {  	s11 =	simm.s32 $0x3;
	s18 =	simm.s32 $0x5;
	s19 =	simm.s32 $0x380  }
0x22: {  	v0 =	vimm.f32 $0.0e+00;
	v1 =	vimm.f32 $1.000000000e+00;
	s20 =	simm.s32 $0x6;
	[dreg:$0x13] =	wrdreg s4;
	s4 =	simm.s32 $0x2  }
.LBB2_1:
0x23: {  	s13 =	simm.s32 $0x0;
	s14 =	simm.s32 $0x200  }
.LBB2_2:
0x24: {  	p3 =	sne.s32 s14, $0xFE00;
	[tilespmem:s13+$0x470] =	vst v0  }
0x25: {  	[tilespmem:s13+$0x400] =	vst v0  }
0x26: {  	[tilespmem:s13+$0x410] =	vst v0  }
.Ltmp0:
0x27: {  	[tilespmem:s13+$0x420] =	vst v0;
	(pc) =	sbr.rel @p3 .LBB2_2-.Ltmp0, $4  }
0x28: {  	[tilespmem:s13+$0x430] =	vst v0  }
0x29: {  	[tilespmem:s13+$0x440] =	vst v0  }
0x2a: {  	[tilespmem:s13+$0x450] =	vst v0  }
0x2b: {  	[tilespmem:s13+$0x460] =	vst v0;
	s13 =	sshra.s32 s14, $0x2;
	s14 =	sadd.s32 $0x200, s14  }
0x2c: {  	[tilespmem:s13+$0x470] =	vst v0  }
0x2d: {  	[tilespmem:s13+$0x400] =	vst v0  }
0x2e: {  	[tilespmem:s13+$0x410] =	vst v0  }
0x2f: {  	[tilespmem:s13+$0x420] =	vst v0  }
0x30: {  	[tilespmem:s13+$0x430] =	vst v0  }
0x31: {  	[tilespmem:s13+$0x440] =	vst v0  }
0x32: {  	[tilespmem:s13+$0x450] =	vst v0  }
0x33: {  	[tilespmem:s13+$0x460] =	vst v0  }
0x34: {  	[tilespmem:$0xC400] =	vst v1  }
0x35: {  	[tilespmem:$0xC410] =	vst v1  }
0x36: {  	[tilespmem:$0xC420] =	vst v1  }
0x37: {  	[tilespmem:$0xC430] =	vst v1  }
0x38: {  	[tilespmem:$0xC440] =	vst v1  }
0x39: {  	[tilespmem:$0xC450] =	vst v1  }
0x3a: {  	[tilespmem:$0xC460] =	vst v1  }
0x3b: {  	[tilespmem:$0xC470] =	vst v1  }
0x3c: {  	[spmem:s6] =	stream.linear.scatter [tilespmem:s21], [sflag:$0x7], $0x4000, $0x38;
	v63 =	vld [tilespmem:$0x0]  }
0x3d: {  	_ =	swait.ge [sflag:s22], $0x4000  }
0x3e: {  	[sflag:s22] =	ssyncset.done $0x0  }
0x3f: {  	s24 =	rddreg [dreg:$0x7];
	[sflag:s22] =	ssyncadd.s32 $0xFFFFC000  }
0x40: {  	[spmem:s24] =	stream.linear.scatter [tilespmem:s21], [sflag:$0x7], $0x4000, $0x38;
	v63 =	vld [tilespmem:$0x0]  }
0x41: {  	_ =	swait.ge [sflag:s22], $0x4000  }
0x42: {  	[sflag:s22] =	ssyncset.done $0x0  }
0x43: {  	s25 =	rddreg [dreg:$0x8];
	[sflag:s22] =	ssyncadd.s32 $0xFFFFC000  }
0x44: {  	[spmem:s25] =	stream.linear.scatter [tilespmem:s21], [sflag:$0x7], $0x4000, $0x38;
	v63 =	vld [tilespmem:$0x0]  }
0x45: {  	_ =	swait.ge [sflag:s22], $0x4000  }
0x46: {  	[sflag:s22] =	ssyncset.done $0x0  }
0x47: {  	s14 =	rddreg [dreg:$0x9];
	[sflag:s22] =	ssyncadd.s32 $0xFFFFC000  }
0x48: {  	[spmem:s14] =	stream.linear.scatter [tilespmem:s21], [sflag:$0x7], $0x4000, $0x38;
	v63 =	vld [tilespmem:$0x0]  }
0x49: {  	_ =	swait.ge [sflag:s22], $0x4000  }
0x4a: {  	[sflag:s22] =	ssyncset.done $0x0  }
0x4b: {  	s15 =	rddreg [dreg:$0xa];
	[sflag:s22] =	ssyncadd.s32 $0xFFFFC000  }
0x4c: {  	[spmem:s15] =	stream.linear.scatter [tilespmem:s21], [sflag:$0x7], $0x3880, $0x38;
	v63 =	vld [tilespmem:$0x0]  }
0x4d: {  	_ =	swait.ge [sflag:s22], $0x3880  }
0x4e: {  	[sflag:s22] =	ssyncset.done $0x0  }
0x4f: {  	s13 =	simm.s32 @!p0 $0x400;
	[sflag:s22] =	ssyncadd.s32 $0xFFFFC780  }
0x50: {  	[spmem:s10] =	stream.linear.scatter @!p0 [tilespmem:s13], [sflag:$0x7], $0x80, $0x38;
	v63 =	vld [tilespmem:$0x0]  }
0x51: {  	s13 =	simm.s32 @!p0 $0x7  }
0x52: {  	_ =	swait.ge @!p0 [sflag:s13], $0x80  }
0x53: {  	[sflag:s13] =	ssyncset.done @!p0 $0x0  }
0x54: {  	s24 =	rddreg [dreg:$0xb];
	[sflag:s13] =	ssyncadd.s32 @!p0 $0xFFFFFF80  }
0x55: {  	[spmem:s24] =	stream.linear.scatter [tilespmem:s21], [sflag:$0x7], $0x80, $0x38;
	v63 =	vld [tilespmem:$0x0]  }
0x56: {  	_ =	swait.ge [sflag:s22], $0x80  }
0x57: {  	[sflag:s22] =	ssyncset.done $0x0  }
0x58: {  	s25 =	rddreg [dreg:$0xc];
	[sflag:s22] =	ssyncadd.s32 $0xFFFFFF80  }
0x59: {  	[spmem:s25] =	stream.linear.scatter [tilespmem:s21], [sflag:$0x7], $0x80, $0x38;
	v63 =	vld [tilespmem:$0x0]  }
0x5a: {  	_ =	swait.ge [sflag:s22], $0x80  }
0x5b: {  	[sflag:s22] =	ssyncset.done $0x0  }
0x5c: {  	s14 =	rddreg [dreg:$0xd];
	[sflag:s22] =	ssyncadd.s32 $0xFFFFFF80  }
0x5d: {  	[spmem:s14] =	stream.linear.scatter [tilespmem:s21], [sflag:$0x7], $0x80, $0x38;
	v63 =	vld [tilespmem:$0x0]  }
0x5e: {  	_ =	swait.ge [sflag:s22], $0x80  }
0x5f: {  	[sflag:s22] =	ssyncset.done $0x0  }
0x60: {  	s15 =	rddreg [dreg:$0xe];
	[sflag:s22] =	ssyncadd.s32 $0xFFFFFF80  }
0x61: {  	[spmem:s15] =	stream.linear.scatter [tilespmem:s21], [sflag:$0x7], $0x80, $0x38;
	v63 =	vld [tilespmem:$0x0]  }
0x62: {  	_ =	swait.ge [sflag:s22], $0x80  }
0x63: {  	s24 =	simm.s32 $0x0;
	s14 =	sadd.s32 $0x0, s17;
	[sflag:s22] =	ssyncset.done $0x0  }
0x64: {  	s13 =	sand.u32 $0x200, s24;
	s14 =	sand.u32 $0xFFC00, s14;
	[sflag:s22] =	ssyncadd.s32 $0xFFFFFF80  }
0x65: {  	s13 =	sor.u32 s13, s14;
	[bflag:$0x0] =	sbarrier.arrive $0xFFFF  }
0x66: {  	s13 =	sshrl.u32 s13, $0x3;
	s15 =	rddreg [dreg:$0x5]  }
0x67: {  	s25 =	sadd.s32 s15, s13  }
0x68: {  	[tilespmem:s3], [sflag:$0x7] =	stream.linear.gather [hbm4b:s25+s3], $0x200, $0x38;
	v63 =	vld [tilespmem:$0x0]  }
0x69: {  	_ =	swait.ge [sflag:s22], $0x200  }
0x6a: {  	s15 =	rddreg [dreg:$0x6];
	[sflag:s22] =	ssyncset.done $0x0  }
0x6b: {  	[sflag:s22] =	ssyncadd.s32 $0xFFFFFE00;
	s13 =	sadd.s32 s15, s13  }
0x6c: {  	[tilespmem:s23], [sflag:$0x7] =	stream.linear.gather [hbm4b:s13+s3], $0x200, $0x38;
	v63 =	vld [tilespmem:$0x0]  }
0x6d: {  	_ =	swait.ge [sflag:s22], $0x200  }
0x6e: {  	[sflag:s22] =	ssyncset.done $0x0  }
0x6f: {  	[sflag:s22] =	ssyncadd.s32 $0xFFFFFE00  }
0x70: {  	[tilespmem:s21], [sflag:$0x1] =	stream.indirect.gather [hbm4b:s5+s26], $0x80, s3, s26, $0xb8;
	v63 =	vld [tilespmem:$0x0]  }
0x71: {  	_ = 	snop  }
0x72: {  	[tilespmem:s28], [sflag:$0x2] =	stream.indirect.gather [hbm4b:s5+s26], $0x80, s26, s26, $0xb8;
	v63 =	vld [tilespmem:$0x0]  }
0x73: {  	_ =	swait.ge [sflag:s29], $0x4000  }
0x74: {  	[sflag:s29] =	ssyncset.done $0x0  }
0x75: {  	[sflag:s29] =	ssyncadd.s32 $0xFFFFC000  }
0x76: {  	[spmem:s1] =	stream.indirect.scatter.add.f32 [tilespmem:s21], [sflag:$0x4], $0x80, s23, s26, $0xb8;
	v63 =	vld [tilespmem:$0x0]  }
0x77: {  	_ = 	snop  }
0x78: {  	[spmem:s2] =	stream.indirect.scatter.add.f32 [tilespmem:s30], [sflag:$0x7], $0x1, s23, s26, $0xb8;
	v63 =	vld [tilespmem:$0x0]  }
0x79: {  	_ =	swait.ge [sflag:s22], $0x80  }
0x7a: {  	[sflag:s22] =	ssyncset.done $0x0  }
0x7b: {  	[sflag:s22] =	ssyncadd.s32 $0xFFFFFF80  }
0x7c: {  	[tilespmem:s0], [sflag:$0x3] =	stream.indirect.gather [hbm4b:s5+s26], $0x80, s31, s26, $0xb8;
	v63 =	vld [tilespmem:$0x0]  }
0x7d: {  	_ =	swait.ge [sflag:s4], $0x4000  }
0x7e: {  	[sflag:s4] =	ssyncset.done $0x0  }
0x7f: {  	[sflag:s4] =	ssyncadd.s32 $0xFFFFC000  }
0x80: {  	[spmem:s1] =	stream.indirect.scatter.add.f32 [tilespmem:s28], [sflag:$0x5], $0x80, s7, s26, $0xb8;
	v63 =	vld [tilespmem:$0x0]  }
0x81: {  	_ = 	snop  }
0x82: {  	[spmem:s2] =	stream.indirect.scatter.add.f32 [tilespmem:s30], [sflag:$0x7], $0x1, s7, s26, $0xb8;
	v63 =	vld [tilespmem:$0x0]  }
0x83: {  	_ =	swait.ge [sflag:s22], $0x80  }
0x84: {  	[sflag:s22] =	ssyncset.done $0x0  }
0x85: {  	[sflag:s22] =	ssyncadd.s32 $0xFFFFFF80  }
0x86: {  	_ =	swait.ge [sflag:s8], $0x4000  }
0x87: {  	[sflag:s8] =	ssyncset.done $0x0  }
0x88: {  	[sflag:s8] =	ssyncadd.s32 $0xFFFFC000  }
0x89: {  	[tilespmem:s21], [sflag:$0x1] =	stream.indirect.gather [hbm4b:s5+s26], $0x80, s9, s26, $0xb8;
	v63 =	vld [tilespmem:$0x0]  }
0x8a: {  	_ =	swait.ge [sflag:s11], $0x4000  }
0x8b: {  	[sflag:s11] =	ssyncset.done $0x0  }
0x8c: {  	[sflag:s11] =	ssyncadd.s32 $0xFFFFC000  }
0x8d: {  	[spmem:s1] =	stream.indirect.scatter.add.f32 [tilespmem:s0], [sflag:$0x6], $0x80, s16, s26, $0xb8;
	v63 =	vld [tilespmem:$0x0]  }
0x8e: {  	_ = 	snop  }
0x8f: {  	[spmem:s2] =	stream.indirect.scatter.add.f32 [tilespmem:s30], [sflag:$0x7], $0x1, s16, s26, $0xb8;
	v63 =	vld [tilespmem:$0x0]  }
0x90: {  	_ =	swait.ge [sflag:s22], $0x80  }
0x91: {  	[sflag:s22] =	ssyncset.done $0x0  }
0x92: {  	[sflag:s22] =	ssyncadd.s32 $0xFFFFFF80  }
0x93: {  	_ =	swait.ge [sflag:s18], $0x4000  }
0x94: {  	[sflag:s18] =	ssyncset.done $0x0  }
0x95: {  	[sflag:s18] =	ssyncadd.s32 $0xFFFFC000  }
0x96: {  	_ =	swait.ge [sflag:s29], $0x4000  }
0x97: {  	[sflag:s29] =	ssyncset.done $0x0  }
0x98: {  	[sflag:s29] =	ssyncadd.s32 $0xFFFFC000  }
0x99: {  	[spmem:s1] =	stream.indirect.scatter.add.f32 [tilespmem:s21], [sflag:$0x4], $0x80, s19, s26, $0xb8;
	v63 =	vld [tilespmem:$0x0]  }
0x9a: {  	_ = 	snop  }
0x9b: {  	[spmem:s2] =	stream.indirect.scatter.add.f32 [tilespmem:s30], [sflag:$0x7], $0x1, s19, s26, $0xb8;
	v63 =	vld [tilespmem:$0x0]  }
0x9c: {  	_ =	swait.ge [sflag:s22], $0x80  }
0x9d: {  	[sflag:s22] =	ssyncset.done $0x0  }
0x9e: {  	[sflag:s22] =	ssyncadd.s32 $0xFFFFFF80  }
0x9f: {  	_ =	swait.ge [sflag:s20], $0x4000  }
0xa0: {  	[sflag:s20] =	ssyncset.done $0x0  }
0xa1: {  	s24 =	simm.s32 $0x200;
	s25 =	sadd.s32 $0x200, s17;
	[sflag:s20] =	ssyncadd.s32 $0xFFFFC000  }
0xa2: {  	s14 =	sand.u32 $0x200, s24;
	s25 =	sand.u32 $0xFFC00, s25;
	_ =	swait.ge [sflag:s8], $0x4000  }
0xa3: {  	s13 =	simm.s32 $0x400;
	s15 =	rddreg [dreg:$0x5];
	[sflag:s8] =	ssyncset.done $0x0  }
.LBB2_4:
0xa4: {  	s25 =	sor.u32 s14, s25;
	s14 =	smov.u32 s13  }
0xa5: {  	s24 =	sadd.s32 $0x200, s13;
	p3 =	sne.s32 s13, $0x2600;
	s13 =	sshrl.u32 s25, $0x3  }
0xa6: {  	[sflag:s8] =	ssyncadd.s32 $0xFFFFC000;
	s15 =	sadd.s32 s15, s13  }
0xa7: {  	[tilespmem:s3], [sflag:$0x7] =	stream.linear.gather [hbm4b:s15+s3], $0x200, $0x38;
	v63 =	vld [tilespmem:$0x0]  }
0xa8: {  	_ =	swait.ge [sflag:s22], $0x200  }
0xa9: {  	s25 =	rddreg [dreg:$0x6];
	[sflag:s22] =	ssyncset.done $0x0  }
0xaa: {  	[sflag:s22] =	ssyncadd.s32 $0xFFFFFE00;
	s13 =	sadd.s32 s25, s13  }
0xab: {  	[tilespmem:s23], [sflag:$0x7] =	stream.linear.gather [hbm4b:s13+s3], $0x200, $0x38;
	v63 =	vld [tilespmem:$0x0]  }
0xac: {  	_ =	swait.ge [sflag:s22], $0x200  }
0xad: {  	[sflag:s22] =	ssyncset.done $0x0  }
0xae: {  	[sflag:s22] =	ssyncadd.s32 $0xFFFFFE00  }
0xaf: {  	[tilespmem:s21], [sflag:$0x1] =	stream.indirect.gather [hbm4b:s5+s26], $0x80, s3, s26, $0xb8;
	v63 =	vld [tilespmem:$0x0]  }
0xb0: {  	_ = 	snop  }
0xb1: {  	[tilespmem:s28], [sflag:$0x2] =	stream.indirect.gather [hbm4b:s5+s26], $0x80, s26, s26, $0xb8;
	v63 =	vld [tilespmem:$0x0]  }
0xb2: {  	_ =	swait.ge [sflag:s29], $0x4000  }
0xb3: {  	[sflag:s29] =	ssyncset.done $0x0  }
0xb4: {  	[sflag:s29] =	ssyncadd.s32 $0xFFFFC000  }
0xb5: {  	[spmem:s1] =	stream.indirect.scatter.add.f32 [tilespmem:s21], [sflag:$0x4], $0x80, s23, s26, $0xb8;
	v63 =	vld [tilespmem:$0x0]  }
0xb6: {  	_ = 	snop  }
0xb7: {  	[spmem:s2] =	stream.indirect.scatter.add.f32 [tilespmem:s30], [sflag:$0x7], $0x1, s23, s26, $0xb8;
	v63 =	vld [tilespmem:$0x0]  }
0xb8: {  	_ =	swait.ge [sflag:s22], $0x80  }
0xb9: {  	[sflag:s22] =	ssyncset.done $0x0  }
0xba: {  	[sflag:s22] =	ssyncadd.s32 $0xFFFFFF80  }
0xbb: {  	[tilespmem:s0], [sflag:$0x3] =	stream.indirect.gather [hbm4b:s5+s26], $0x80, s31, s26, $0xb8;
	v63 =	vld [tilespmem:$0x0]  }
0xbc: {  	_ =	swait.ge [sflag:s4], $0x4000  }
0xbd: {  	[sflag:s4] =	ssyncset.done $0x0  }
0xbe: {  	[sflag:s4] =	ssyncadd.s32 $0xFFFFC000  }
0xbf: {  	[spmem:s1] =	stream.indirect.scatter.add.f32 [tilespmem:s28], [sflag:$0x5], $0x80, s7, s26, $0xb8;
	v63 =	vld [tilespmem:$0x0]  }
0xc0: {  	_ = 	snop  }
0xc1: {  	[spmem:s2] =	stream.indirect.scatter.add.f32 [tilespmem:s30], [sflag:$0x7], $0x1, s7, s26, $0xb8;
	v63 =	vld [tilespmem:$0x0]  }
0xc2: {  	_ =	swait.ge [sflag:s22], $0x80  }
0xc3: {  	[sflag:s22] =	ssyncset.done $0x0  }
0xc4: {  	[sflag:s22] =	ssyncadd.s32 $0xFFFFFF80  }
0xc5: {  	_ =	swait.ge [sflag:s8], $0x4000  }
0xc6: {  	[sflag:s8] =	ssyncset.done $0x0  }
0xc7: {  	[sflag:s8] =	ssyncadd.s32 $0xFFFFC000  }
0xc8: {  	[tilespmem:s21], [sflag:$0x1] =	stream.indirect.gather [hbm4b:s5+s26], $0x80, s9, s26, $0xb8;
	v63 =	vld [tilespmem:$0x0]  }
0xc9: {  	_ =	swait.ge [sflag:s11], $0x4000  }
0xca: {  	[sflag:s11] =	ssyncset.done $0x0  }
0xcb: {  	[sflag:s11] =	ssyncadd.s32 $0xFFFFC000  }
0xcc: {  	[spmem:s1] =	stream.indirect.scatter.add.f32 [tilespmem:s0], [sflag:$0x6], $0x80, s16, s26, $0xb8;
	v63 =	vld [tilespmem:$0x0]  }
0xcd: {  	_ = 	snop  }
0xce: {  	[spmem:s2] =	stream.indirect.scatter.add.f32 [tilespmem:s30], [sflag:$0x7], $0x1, s16, s26, $0xb8;
	v63 =	vld [tilespmem:$0x0]  }
0xcf: {  	_ =	swait.ge [sflag:s22], $0x80  }
0xd0: {  	[sflag:s22] =	ssyncset.done $0x0  }
0xd1: {  	[sflag:s22] =	ssyncadd.s32 $0xFFFFFF80  }
0xd2: {  	_ =	swait.ge [sflag:s18], $0x4000  }
0xd3: {  	[sflag:s18] =	ssyncset.done $0x0  }
0xd4: {  	[sflag:s18] =	ssyncadd.s32 $0xFFFFC000  }
0xd5: {  	_ =	swait.ge [sflag:s29], $0x4000  }
0xd6: {  	[sflag:s29] =	ssyncset.done $0x0  }
0xd7: {  	[sflag:s29] =	ssyncadd.s32 $0xFFFFC000  }
0xd8: {  	[spmem:s1] =	stream.indirect.scatter.add.f32 [tilespmem:s21], [sflag:$0x4], $0x80, s19, s26, $0xb8;
	v63 =	vld [tilespmem:$0x0]  }
0xd9: {  	_ = 	snop  }
0xda: {  	[spmem:s2] =	stream.indirect.scatter.add.f32 [tilespmem:s30], [sflag:$0x7], $0x1, s19, s26, $0xb8;
	v63 =	vld [tilespmem:$0x0]  }
0xdb: {  	_ =	swait.ge [sflag:s22], $0x80  }
0xdc: {  	[sflag:s22] =	ssyncset.done $0x0  }
0xdd: {  	[sflag:s22] =	ssyncadd.s32 $0xFFFFFF80  }
.Ltmp1:
0xde: {  	_ =	swait.ge [sflag:s20], $0x4000;
	(pc) =	sbr.rel @p3 .LBB2_4-.Ltmp1, $4  }
0xdf: {  	[sflag:s20] =	ssyncset.done $0x0  }
0xe0: {  	s25 =	sadd.s32 s14, s17;
	[sflag:s20] =	ssyncadd.s32 $0xFFFFC000  }
0xe1: {  	s14 =	sand.u32 $0x200, s14;
	s25 =	sand.u32 $0xFFC00, s25;
	_ =	swait.ge [sflag:s8], $0x4000  }
0xe2: {  	s13 =	smov.u32 s24;
	s15 =	rddreg [dreg:$0x5];
	[sflag:s8] =	ssyncset.done $0x0  }
0xe3: {  	s13 =	sor.u32 s14, s25  }
0xe4: {  	s13 =	sshrl.u32 s13, $0x3  }
0xe5: {  	[sflag:s8] =	ssyncadd.s32 $0xFFFFC000;
	s15 =	sadd.s32 s15, s13  }
0xe6: {  	[tilespmem:s3], [sflag:$0x7] =	stream.linear.gather [hbm4b:s15+s3], $0x200, $0x38;
	v63 =	vld [tilespmem:$0x0]  }
0xe7: {  	_ =	swait.ge [sflag:s22], $0x200  }
0xe8: {  	s24 =	rddreg [dreg:$0x6];
	[sflag:s22] =	ssyncset.done $0x0  }
0xe9: {  	[sflag:s22] =	ssyncadd.s32 $0xFFFFFE00;
	s13 =	sadd.s32 s24, s13  }
0xea: {  	[tilespmem:s23], [sflag:$0x7] =	stream.linear.gather [hbm4b:s13+s3], $0x200, $0x38;
	v63 =	vld [tilespmem:$0x0]  }
0xeb: {  	_ =	swait.ge [sflag:s22], $0x200  }
0xec: {  	[sflag:s22] =	ssyncset.done $0x0  }
0xed: {  	[sflag:s22] =	ssyncadd.s32 $0xFFFFFE00  }
0xee: {  	[tilespmem:s21], [sflag:$0x1] =	stream.indirect.gather [hbm4b:s5+s26], $0x80, s3, s26, $0xb8;
	v63 =	vld [tilespmem:$0x0]  }
0xef: {  	_ = 	snop  }
0xf0: {  	[tilespmem:s28], [sflag:$0x2] =	stream.indirect.gather [hbm4b:s5+s26], $0x80, s26, s26, $0xb8;
	v63 =	vld [tilespmem:$0x0]  }
0xf1: {  	_ =	swait.ge [sflag:s29], $0x4000  }
0xf2: {  	[sflag:s29] =	ssyncset.done $0x0  }
0xf3: {  	[sflag:s29] =	ssyncadd.s32 $0xFFFFC000  }
0xf4: {  	[spmem:s1] =	stream.indirect.scatter.add.f32 [tilespmem:s21], [sflag:$0x4], $0x80, s23, s26, $0xb8;
	v63 =	vld [tilespmem:$0x0]  }
0xf5: {  	_ = 	snop  }
0xf6: {  	[spmem:s2] =	stream.indirect.scatter.add.f32 [tilespmem:s30], [sflag:$0x7], $0x1, s23, s26, $0xb8;
	v63 =	vld [tilespmem:$0x0]  }
0xf7: {  	_ =	swait.ge [sflag:s22], $0x80  }
0xf8: {  	[sflag:s22] =	ssyncset.done $0x0  }
0xf9: {  	[sflag:s22] =	ssyncadd.s32 $0xFFFFFF80  }
0xfa: {  	[tilespmem:s0], [sflag:$0x3] =	stream.indirect.gather [hbm4b:s5+s26], $0x80, s31, s26, $0xb8;
	v63 =	vld [tilespmem:$0x0]  }
0xfb: {  	_ =	swait.ge [sflag:s4], $0x4000  }
0xfc: {  	[sflag:s4] =	ssyncset.done $0x0  }
0xfd: {  	[sflag:s4] =	ssyncadd.s32 $0xFFFFC000  }
0xfe: {  	[spmem:s1] =	stream.indirect.scatter.add.f32 [tilespmem:s28], [sflag:$0x5], $0x80, s7, s26, $0xb8;
	v63 =	vld [tilespmem:$0x0]  }
0xff: {  	_ = 	snop  }
0x100: {  	[spmem:s2] =	stream.indirect.scatter.add.f32 [tilespmem:s30], [sflag:$0x7], $0x1, s7, s26, $0xb8;
	v63 =	vld [tilespmem:$0x0]  }
0x101: {  	_ =	swait.ge [sflag:s22], $0x80  }
0x102: {  	[sflag:s22] =	ssyncset.done $0x0  }
0x103: {  	[sflag:s22] =	ssyncadd.s32 $0xFFFFFF80  }
0x104: {  	_ =	swait.ge [sflag:s8], $0x4000  }
0x105: {  	[sflag:s8] =	ssyncset.done $0x0  }
0x106: {  	[sflag:s8] =	ssyncadd.s32 $0xFFFFC000  }
0x107: {  	[tilespmem:s21], [sflag:$0x1] =	stream.indirect.gather [hbm4b:s5+s26], $0x80, s9, s26, $0xb8;
	v63 =	vld [tilespmem:$0x0]  }
0x108: {  	_ =	swait.ge [sflag:s11], $0x4000  }
0x109: {  	[sflag:s11] =	ssyncset.done $0x0  }
0x10a: {  	[sflag:s11] =	ssyncadd.s32 $0xFFFFC000  }
0x10b: {  	[spmem:s1] =	stream.indirect.scatter.add.f32 [tilespmem:s0], [sflag:$0x6], $0x80, s16, s26, $0xb8;
	v63 =	vld [tilespmem:$0x0]  }
0x10c: {  	_ = 	snop  }
0x10d: {  	[spmem:s2] =	stream.indirect.scatter.add.f32 [tilespmem:s30], [sflag:$0x7], $0x1, s16, s26, $0xb8;
	v63 =	vld [tilespmem:$0x0]  }
0x10e: {  	_ =	swait.ge [sflag:s22], $0x80  }
0x10f: {  	[sflag:s22] =	ssyncset.done $0x0  }
0x110: {  	[sflag:s22] =	ssyncadd.s32 $0xFFFFFF80  }
0x111: {  	_ =	swait.ge [sflag:s18], $0x4000  }
0x112: {  	[sflag:s18] =	ssyncset.done $0x0  }
0x113: {  	[sflag:s18] =	ssyncadd.s32 $0xFFFFC000  }
0x114: {  	_ =	swait.ge [sflag:s29], $0x4000  }
0x115: {  	[sflag:s29] =	ssyncset.done $0x0  }
0x116: {  	[sflag:s29] =	ssyncadd.s32 $0xFFFFC000  }
0x117: {  	[spmem:s1] =	stream.indirect.scatter.add.f32 [tilespmem:s21], [sflag:$0x4], $0x80, s19, s26, $0xb8;
	v63 =	vld [tilespmem:$0x0]  }
0x118: {  	_ = 	snop  }
0x119: {  	[spmem:s2] =	stream.indirect.scatter.add.f32 [tilespmem:s30], [sflag:$0x7], $0x1, s19, s26, $0xb8;
	v63 =	vld [tilespmem:$0x0]  }
0x11a: {  	_ =	swait.ge [sflag:s22], $0x80  }
0x11b: {  	[sflag:s22] =	ssyncset.done $0x0  }
0x11c: {  	[sflag:s22] =	ssyncadd.s32 $0xFFFFFF80  }
0x11d: {  	_ =	swait.ge [sflag:s20], $0x4000  }
0x11e: {  	[sflag:s20] =	ssyncset.done $0x0  }
0x11f: {  	[sflag:s20] =	ssyncadd.s32 $0xFFFFC000  }
0x120: {  	_ =	swait.ge [sflag:s8], $0x4000  }
0x121: {  	[sflag:s8] =	ssyncset.done $0x0  }
0x122: {  	[sflag:s8] =	ssyncadd.s32 $0xFFFFC000  }
0x123: {  	s13 =	stileid.u32;
	[bflag:$0x0] =	sbarrier.arrive $0xFFFF  }
0x124: {  	s13 =	sshll.u32 @p1 s13, $0x6;
	s14 =	rddreg [dreg:$0xf]  }
0x125: {  	s13 =	sor.u32 @p1 $0x1C07, s13;
	s15 =	rddreg [dreg:$0x13]  }
0x126: {  	[hbm:s14], [sflag:s13] =	dma.local @p1 [spmem:s15], $0x2780  }
0x127: {  	s13 =	simm.s32 @p1 $0x7  }
0x128: {  	_ =	swait.ge @p1 [sflag:s13], $0x2780  }
0x129: {  	s14 =	simm.s32 @!p2 $0x1C07;
	[sflag:s13] =	ssyncset.done @p1 $0x0  }
0x12a: {  	s15 =	rddreg [dreg:$0x10];
	[sflag:s13] =	ssyncadd.s32 @p1 $0xFFFFD880;
	s13 =	sshrl.u32 @!p2 s2, $0x3  }
0x12b: {  	[hbm:s15], [sflag:s14] =	dma.local @!p2 [spmem:s13], $0x4F0  }
0x12c: {  	s13 =	simm.s32 @!p2 $0x7  }
0x12d: {  	_ =	swait.ge @!p2 [sflag:s13], $0x4F0  }
0x12e: {  	[sflag:s13] =	ssyncset.done @!p2 $0x0;
	s14 =	rddreg [dreg:$0x11]  }
0x12f: {  	s15 =	rddreg [dreg:$0x14];
	[sflag:s13] =	ssyncadd.s32 @!p2 $0xFFFFFB10;
	s13 =	simm.s32 @!p1 $0x1FC7  }
0x130: {  	[hbm:s14], [sflag:s13] =	dma.local @!p1 [spmem:s15], $0x2080  }
0x131: {  	s13 =	simm.s32 @!p1 $0x7  }
0x132: {  	_ =	swait.ge @!p1 [sflag:s13], $0x2080  }
0x133: {  	s12 =	sadd.s32 $0x1, s12;
	s25 =	rddreg [dreg:$0x12]  }
0x134: {  	p3 =	sne.s32 s12, s25  }
.Ltmp2:
0x135: {  	_ = 	snop;
	(pc) =	sbr.rel @p3 .LBB2_1-.Ltmp2, $3  }
0x136: {  	_ =	sdelay $0x1  }
0x137: {  	[sflag:s13] =	ssyncset.done @!p1 $0x0  }
0x138: {  	[sflag:s13] =	ssyncadd.s32 @!p1 $0xFFFFDF80  }
0x139: {  	_ =	sfence.sel $0x180000  }
0x13a: {  	[bflag:$0x0] =	sbarrier.arrive $0xFFFF  }
0x13b: {  	_ =	strace $0x9000004A  }
0x13c: {  	s0 =	stileid.u32;
	[bflag:$0x2] =	sbarrier.arrive $0xFFFF  }
0x13d: {  	p0 =	sne.s32 s0, $0x0;
	s0 =	rddreg [dreg:$0x4]  }
0x13e: {  	s0 =	sadd.s32 @!p0 $0x100000, s0  }
0x13f: {  	[sflag:s0] =	ssyncadd.tile.s32 @!p0 $0x1;
	_ =	shalt  }
.Lfunc_end2:
_tile_overlayer_lowered:
.L_overlay_start_2:
0x140: {  	(tag) =	ssettag $0x2  }
0x141: {  	s0 =	rddreg [dreg:$0x0];
	s2 =	stileid.u32  }
0x142: {  	s1 =	rddreg [dreg:$0x1];
	p0 =	sne.s32 s2, $0x0  }
0x143: {  	s3 =	rddreg [dreg:$0x2];
	[bflag:$0x3] =	sbarrier.arrive $0xFFFF;
	s2 =	simm.s32 @!p0 $0x1C07  }
0x144: {  	[timem:s3], [sflag:s2] =	dma.local @!p0 [hbm:s0], s1  }
0x145: {  	s0 =	simm.s32 @!p0 $0x7  }
0x146: {  	_ =	swait.ge @!p0 [sflag:s0], s1  }
0x147: {  	s1 =	ssub.s32 @!p0 $0x0, s1;
	[sflag:s0] =	ssyncset.done @!p0 $0x0  }
0x148: {  	[sflag:s0] =	ssyncadd.s32 @!p0 s1  }
0x149: {  	[bflag:$0x3] =	sbarrier.arrive $0xFFFF  }
0x14a: {  	_ =	shalt  }

</sc_bundles>
